<compile_context>
chip_gen: v7x
topology: tpu7x:2x2x1
jax: 0.10.2.dev20260603
libtpu: 0.0.44.dev20260713+nightly
codegen_flags: <defaults>
</compile_context>

<pallas_src>
import jax
import jax.numpy as jnp
from jax import lax
from jax.experimental import pallas as pl
from jax.experimental.pallas import tpu as pltpu
from jax.experimental.pallas import tpu_sc as plsc

N = 10000
E = 320000
K = 10
ALPHA = 0.1

NS = 16
L = 16

NPAD = 10240
SLICE = NPAD // NS
TAIL = N - (NS - 1) * SLICE
PAD = NPAD - N
EPT = E // NS
EGROUPS = EPT // L
SGROUPS = SLICE // L

SHIFT = 14
MASK = (1 << SHIFT) - 1


def _mlp_body(x_ref, w1_ref, b1_ref, w2_ref, b2_ref, o_ref):
    h1 = jnp.dot(x_ref[...], w1_ref[...], preferred_element_type=jnp.float32)
    h1 = jnp.maximum(h1 + b1_ref[...], 0.0)
    o_ref[...] = (
        jnp.dot(h1, w2_ref[...], preferred_element_type=jnp.float32)
        + b2_ref[...]
    )


def _mlp(x, W1, b1, W2, b2):
    grid = 10
    rows = N // grid
    return pl.pallas_call(
        _mlp_body,
        grid=(grid,),
        in_specs=[
            pl.BlockSpec((rows, 128), lambda i: (i, 0)),
            pl.BlockSpec((128, 256), lambda i: (0, 0)),
            pl.BlockSpec((1, 256), lambda i: (0, 0)),
            pl.BlockSpec((256, 3), lambda i: (0, 0)),
            pl.BlockSpec((1, 3), lambda i: (0, 0)),
        ],
        out_specs=pl.BlockSpec((rows, 3), lambda i: (i, 0)),
        out_shape=jax.ShapeDtypeStruct((N, 3), jnp.float32),
    )(x, W1, b1.reshape(1, 256), W2, b2.reshape(1, 3))


def _fast_rsqrt(x):
    i = plsc.bitcast(x, jnp.int32)
    i = jnp.int32(0x5F3759DF) - lax.shift_right_arithmetic(i, 1)
    y = plsc.bitcast(i, jnp.float32)
    for _ in range(3):
        y = y * (1.5 - 0.5 * x * y * y)
    return y


def _prop_body(h_hbm, esd_hbm, out_hbm,
               h_sh, part_sh, dis_sh,
               e_sd, e_nrm,
               h_loc, agg_loc, tbuf,
               slbuf, snbuf, h0sl, sem):
    cid = lax.axis_index("c")
    tid = lax.axis_index("s")
    base_e = pl.multiple_of(tid * EPT, 8)
    nb = pl.multiple_of(tid * SLICE, 8)
    pblk = pl.multiple_of(tid * (NS * SLICE), 8)
    hbm0 = pl.multiple_of(cid * (2 * N), 8)

    zeros16 = jnp.zeros((L,), jnp.float32)
    ones16 = jnp.ones((L,), jnp.float32)

    pltpu.sync_copy(esd_hbm.at[pl.ds(base_e, EPT)], e_sd)

    def init_row(lr, fbase):
        @pl.when(tid < NS - 1)
        def _():
            pltpu.sync_copy(h_hbm.at[pl.ds(fbase + nb, SLICE)],
                            h0sl.at[pl.ds(lr * SLICE, SLICE)])

        @pl.when(tid == NS - 1)
        def _():
            base = (NS - 1) * SLICE
            pltpu.sync_copy(h_hbm.at[pl.ds(fbase + base, TAIL)],
                            h0sl.at[pl.ds(lr * SLICE, TAIL)])
            for i in range(PAD // L):
                h0sl[pl.ds(lr * SLICE + TAIL + i * L, L)] = zeros16

        pltpu.sync_copy(h0sl.at[pl.ds(lr * SLICE, SLICE)],
                        h_sh.at[pl.ds(lr * NPAD + nb, SLICE)])

    init_row(0, hbm0)

    @pl.when(cid == 0)
    def _():
        init_row(1, N)

    def zrow0_body(i, c):
        agg_loc[pl.ds(pl.multiple_of(i * L, 8), L)] = zeros16
        return c
    lax.fori_loop(0, NPAD // L, zrow0_body, None)

    @plsc.parallel_loop(0, EGROUPS, 1, unroll=4)
    def _(g):
        sd = e_sd[pl.ds(pl.multiple_of(g * L, 8), L)]
        d = lax.shift_right_logical(sd, SHIFT)
        plsc.addupdate_scatter(agg_loc, [d], ones16)

    def publish_row(lr):
        cps = []
        for u in range(NS):
            dst = part_sh.at[pl.ds(
                pl.multiple_of((lr * NS + u) * (NS * SLICE), 8) + nb,
                SLICE)]
            cps.append(pltpu.async_copy(
                agg_loc.at[pl.ds(lr * NPAD + u * SLICE, SLICE)], dst, sem))
        for cp in cps:
            cp.wait()

    def fetch_partials(lr):
        src = part_sh.at[pl.ds(
            pl.multiple_of(lr * (NS * NS * SLICE), 8) + pblk, NS * SLICE)]
        pltpu.sync_copy(src, tbuf)

    def sum_partials(i):
        acc = tbuf[pl.ds(pl.multiple_of(i * L, 8), L)]
        for t in range(1, NS):
            acc = acc + tbuf[pl.ds(pl.multiple_of(t * SLICE + i * L, 8), L)]
        return acc

    publish_row(0)
    plsc.subcore_barrier()

    fetch_partials(0)

    def deg2dis(i, c):
        sl = pl.ds(pl.multiple_of(i * L, 8), L)
        y = _fast_rsqrt(sum_partials(i) + 1.0)
        slbuf[sl] = y
        snbuf[sl] = y * y
        return c
    lax.fori_loop(0, SGROUPS, deg2dis, None)
    pltpu.sync_copy(slbuf, dis_sh.at[pl.ds(nb, SLICE)])
    plsc.subcore_barrier()

    pltpu.sync_copy(dis_sh, agg_loc.at[pl.ds(0, NPAD)])

    @plsc.parallel_loop(0, EGROUPS, 1, unroll=4)
    def _(g):
        sl = pl.ds(pl.multiple_of(g * L, 8), L)
        sd = e_sd[sl]
        s = sd & MASK
        d = lax.shift_right_logical(sd, SHIFT)
        e_nrm[sl] = plsc.load_gather(agg_loc, [s]) * plsc.load_gather(agg_loc, [d])

    def zfull_body(i, c):
        agg_loc[pl.ds(pl.multiple_of(i * L, 8), L)] = zeros16
        return c
    lax.fori_loop(0, 2 * NPAD // L, zfull_body, None)

    def iter_body(k, carry):
        pltpu.sync_copy(h_sh.at[pl.ds(0, NPAD)], h_loc.at[pl.ds(0, NPAD)])

        @pl.when(cid == 0)
        def _():
            pltpu.sync_copy(h_sh.at[pl.ds(NPAD, NPAD)],
                            h_loc.at[pl.ds(NPAD, NPAD)])

        @plsc.parallel_loop(0, EGROUPS, 1, unroll=4)
        def _(g):
            sl = pl.ds(pl.multiple_of(g * L, 8), L)
            sd = e_sd[sl]
            n = e_nrm[sl]
            s = sd & MASK
            d = lax.shift_right_logical(sd, SHIFT)
            v0 = plsc.load_gather(h_loc, [s])
            plsc.addupdate_scatter(agg_loc, [d], n * v0)

            @pl.when(cid == 0)
            def _():
                s1 = s + NPAD
                d1 = d + NPAD
                v1 = plsc.load_gather(h_loc, [s1])
                plsc.addupdate_scatter(agg_loc, [d1], n * v1)

        publish_row(0)

        @pl.when(cid == 0)
        def _():
            publish_row(1)
        plsc.subcore_barrier()

        def update_row(lr):
            fetch_partials(lr)

            def ub(i, c):
                sl = pl.ds(pl.multiple_of(i * L, 8), L)
                acc = sum_partials(i)
                hc = h_loc[pl.ds(pl.multiple_of(lr * NPAD + nb + i * L, 8), L)]
                h0 = h0sl[pl.ds(pl.multiple_of(lr * SLICE + i * L, 8), L)]
                hn = (1.0 - ALPHA) * (acc + snbuf[sl] * hc) + ALPHA * h0
                slbuf[sl] = hn
                return c
            lax.fori_loop(0, SGROUPS, ub, None)
            pltpu.sync_copy(slbuf, h_sh.at[pl.ds(lr * NPAD + nb, SLICE)])

            def zrow(i, c):
                agg_loc[pl.ds(pl.multiple_of(lr * NPAD + i * L, 8), L)] = zeros16
                return c
            lax.fori_loop(0, NPAD // L, zrow, None)

        update_row(0)

        @pl.when(cid == 0)
        def _():
            update_row(1)
        plsc.subcore_barrier()
        return carry

    lax.fori_loop(0, K, iter_body, None)

    def out_row(lr, fbase):
        pltpu.sync_copy(h_sh.at[pl.ds(lr * NPAD + nb, SLICE)], slbuf)

        @pl.when(tid < NS - 1)
        def _():
            pltpu.sync_copy(slbuf, out_hbm.at[pl.ds(fbase + nb, SLICE)])

        @pl.when(tid == NS - 1)
        def _():
            base = (NS - 1) * SLICE
            pltpu.sync_copy(slbuf.at[pl.ds(0, TAIL)],
                            out_hbm.at[pl.ds(fbase + base, TAIL)])

    out_row(0, hbm0)

    @pl.when(cid == 0)
    def _():
        out_row(1, N)


@jax.jit
def _propagate(hP, esd):
    mesh = plsc.VectorSubcoreMesh(core_axis_name="c", subcore_axis_name="s")
    return pl.kernel(
        _prop_body,
        out_type=jax.ShapeDtypeStruct((3 * N,), jnp.float32),
        mesh=mesh,
        compiler_params=pltpu.CompilerParams(needs_layout_passes=False),
        scratch_types=[
            pltpu.VMEM_SHARED((2 * NPAD,), jnp.float32),
            pltpu.VMEM_SHARED((2 * NS * NPAD,), jnp.float32),
            pltpu.VMEM_SHARED((NPAD,), jnp.float32),
            pltpu.VMEM((EPT,), jnp.int32),
            pltpu.VMEM((EPT,), jnp.float32),
            pltpu.VMEM((2 * NPAD,), jnp.float32),
            pltpu.VMEM((2 * NPAD,), jnp.float32),
            pltpu.VMEM((NS * SLICE,), jnp.float32),
            pltpu.VMEM((SLICE,), jnp.float32),
            pltpu.VMEM((SLICE,), jnp.float32),
            pltpu.VMEM((2 * SLICE,), jnp.float32),
            pltpu.SemaphoreType.DMA,
        ],
    )(hP, esd)


def kernel(x, edge, W1, b1, W2, b2):
    h = _mlp(x, W1, b1, W2, b2)
    hP = h.T.reshape(3 * N)
    src = edge[0].astype(jnp.int32)
    dst = edge[1].astype(jnp.int32)
    esd = src | (dst << SHIFT)
    outP = _propagate(hP, esd)
    return outP.reshape(3, N).T

# --- scband reference (transcript-rebuilt; emitter-appended) ---
"""Pipeline reference for scband-appnp-model-38173669327326 (READ-ONLY COPY).

The authoritative reference and input builder live on the scoring server;
editing this copy changes nothing except your own understanding.
"""

import jax, jax.numpy as jnp
import numpy as np

N_NODES = 10000
K_ITERS = 10
ALPHA = 0.1


def setup_inputs(seed: int = 0) -> dict:
    key = jax.random.key(seed)
    ks = jax.random.split(key, 6)
    x = jax.random.normal(ks[0], (N_NODES, 128), dtype=jnp.float32)
    edge = jax.random.randint(ks[1], (2, 320000), 0, N_NODES, dtype=jnp.int64 if jax.config.jax_enable_x64 else jnp.int32)
    W1 = jax.random.normal(ks[2], (128, 256), dtype=jnp.float32) * 0.05
    b1 = jnp.zeros((256,), dtype=jnp.float32)
    W2 = jax.random.normal(ks[3], (256, 3), dtype=jnp.float32) * 0.05
    b2 = jnp.zeros((3,), dtype=jnp.float32)
    return {"x": x, "edge": edge, "W1": W1, "b1": b1, "W2": W2, "b2": b2}


def _appnp_propagate(h, edge, K, alpha):
    N = h.shape[0]
    src = edge[0]
    dst = edge[1]
    loop = jnp.arange(N, dtype=src.dtype)
    src = jnp.concatenate([src, loop])
    dst = jnp.concatenate([dst, loop])
    # gcn_norm: deg computed by scatter-add of unit edge weights at dst
    deg = jnp.zeros((N,), dtype=h.dtype).at[dst].add(1.0)
    deg_inv_sqrt = jnp.where(deg > 0, jax.lax.rsqrt(jnp.maximum(deg, 1e-12)), 0.0)
    norm = deg_inv_sqrt[src] * deg_inv_sqrt[dst]
    h0 = h
    for _ in range(K):
        msg = norm[:, None] * h[src]              # gather
        agg = jnp.zeros_like(h).at[dst].add(msg)  # scatter-add
        h = (1.0 - alpha) * agg + alpha * h0
    return h


def reference(x, edge, W1, b1, W2, b2):
    # lin1: Dropout(p=0) -> Linear -> ReLU -> Dropout(p=0) -> Linear  (dropout is identity in eval/p=0)
    h = jax.nn.relu(x @ W1 + b1)
    h = h @ W2 + b2
    # APPNP(K=10, alpha=0.1, dropout=0)
    logits = _appnp_propagate(h, edge, K_ITERS, ALPHA)
    return logits

if __name__ == "__main__":
    import jax
    _d = setup_inputs()
    print(jax.jit(kernel)(*tuple(_d.values())))

</pallas_src>

<mosaic_0001>
#map = affine_map<(d0, d1) -> (0)>
module attributes {stable_mosaic.version = 14 : i64} {
  func.func @_prop_body(%arg0: i32, %arg1: i32, %arg2: memref<30000xf32, #tpu.memory_space<hbm>>, %arg3: memref<320000xi32, #tpu.memory_space<hbm>>, %arg4: memref<30000xf32, #tpu.memory_space<hbm>>, %arg5: memref<20480xf32, #tpu.memory_space<vmem_shared>>, %arg6: memref<327680xf32, #tpu.memory_space<vmem_shared>>, %arg7: memref<10240xf32, #tpu.memory_space<vmem_shared>>, %arg8: memref<20000xi32, #tpu.memory_space<vmem>>, %arg9: memref<20000xf32, #tpu.memory_space<vmem>>, %arg10: memref<20480xf32, #tpu.memory_space<vmem>>, %arg11: memref<20480xf32, #tpu.memory_space<vmem>>, %arg12: memref<10240xf32, #tpu.memory_space<vmem>>, %arg13: memref<640xf32, #tpu.memory_space<vmem>>, %arg14: memref<640xf32, #tpu.memory_space<vmem>>, %arg15: memref<1280xf32, #tpu.memory_space<vmem>>, %arg16: memref<!tpu.dma_semaphore, #tpu.memory_space<semaphore_mem>>) attributes {dimension_semantics = [#tpu.dimension_semantics<core_parallel>, #tpu.dimension_semantics<subcore_parallel>], iteration_bounds = array<i64: 2, 16>, scalar_prefetch = 0 : i64, scratch_operands = 12 : i64, tpu.core_type = #tpu.core_type<sc_vector_subcore>, window_params = [{transform_indices = #map}, {transform_indices = #map}, {transform_indices = #map}]} {
    %mul3A = arith.constant 20000 : i32
    %mul3A_0 = arith.muli %arg1, %mul3A : i32
    %multiple_of3A = tpu.assume_multiple %mul3A_0, 8 : i32
    %mul3A_1 = arith.constant 640 : i32
    %mul3A_2 = arith.muli %arg1, %mul3A_1 : i32
    %multiple_of3A_3 = tpu.assume_multiple %mul3A_2, 8 : i32
    %mul3A_4 = arith.constant 10240 : i32
    %mul3A_5 = arith.muli %arg1, %mul3A_4 : i32
    %multiple_of3A_6 = tpu.assume_multiple %mul3A_5, 8 : i32
    %mul3A_7 = arith.constant 20000 : i32
    %mul3A_8 = arith.muli %arg0, %mul3A_7 : i32
    %multiple_of3A_9 = tpu.assume_multiple %mul3A_8, 8 : i32
    %broadcast_in_dim3A = arith.constant 0.000000e+00 : f32
    %broadcast_in_dim3A_10 = vector.broadcast %broadcast_in_dim3A : f32 to vector<16xf32>
    %broadcast_in_dim3A_11 = arith.constant 1.000000e+00 : f32
    %broadcast_in_dim3A_12 = vector.broadcast %broadcast_in_dim3A_11 : f32 to vector<16xf32>
    "tpu.region"() ({
      %run_scoped3A = tpu.sem_alloc : memref<!tpu.dma_semaphore, #tpu.memory_space<semaphore_mem>>
      %dma_start3A_308 = tpu.memref_slice %arg3[%multiple_of3A] : memref<320000xi32, #tpu.memory_space<hbm>> -> memref<20000xi32, #tpu.memory_space<hbm>>
      %dma_start3A_309 = tpu.memref_slice %arg3[%multiple_of3A] : memref<320000xi32, #tpu.memory_space<hbm>> -> memref<20000xi32, #tpu.memory_space<hbm>>
      tpu.enqueue_dma source(%dma_start3A_309 : memref<20000xi32, #tpu.memory_space<hbm>>) target(%arg8 : memref<20000xi32, #tpu.memory_space<vmem>>) target_semaphore(%run_scoped3A : memref<!tpu.dma_semaphore, #tpu.memory_space<semaphore_mem>>)
      %dma_wait3A_310 = tpu.memref_slice %arg3[%multiple_of3A] : memref<320000xi32, #tpu.memory_space<hbm>> -> memref<20000xi32, #tpu.memory_space<hbm>>
      %dma_wait3A_311 = tpu.memref_slice %arg3[%multiple_of3A] : memref<320000xi32, #tpu.memory_space<hbm>> -> memref<20000xi32, #tpu.memory_space<hbm>>
      tpu.wait_dma2 semaphore(%run_scoped3A : memref<!tpu.dma_semaphore, #tpu.memory_space<semaphore_mem>>) src(%dma_wait3A_311 : memref<20000xi32, #tpu.memory_space<hbm>>) dst(%arg8 : memref<20000xi32, #tpu.memory_space<vmem>>)
      tpu.yield
    }) : () -> ()
    %lt3A = arith.constant 15 : i32
    %lt3A_13 = arith.cmpi slt, %arg1, %lt3A : i32
    %convert_element_type3A = arith.extui %lt3A_13 : i1 to i32
    %cond3A = arith.constant 0 : i32
    %cond3A_14 = arith.cmpi ne, %convert_element_type3A, %cond3A : i32
    scf.if %cond3A_14 {
      %add3A_308 = arith.addi %multiple_of3A_9, %multiple_of3A_3 : i32
      "tpu.region"() ({
        %run_scoped3A = tpu.sem_alloc : memref<!tpu.dma_semaphore, #tpu.memory_space<semaphore_mem>>
        %dma_start3A_309 = arith.constant 0 : i32
        %dma_start3A_310 = tpu.memref_slice %arg15[%dma_start3A_309] : memref<1280xf32, #tpu.memory_space<vmem>> -> memref<640xf32, #tpu.memory_space<vmem>>
        %dma_start3A_311 = tpu.memref_slice %arg2[%add3A_308] : memref<30000xf32, #tpu.memory_space<hbm>> -> memref<640xf32, #tpu.memory_space<hbm>>
        %dma_start3A_312 = arith.constant 0 : i32
        %dma_start3A_313 = tpu.memref_slice %arg15[%dma_start3A_312] : memref<1280xf32, #tpu.memory_space<vmem>> -> memref<640xf32, #tpu.memory_space<vmem>>
        %dma_start3A_314 = tpu.memref_slice %arg2[%add3A_308] : memref<30000xf32, #tpu.memory_space<hbm>> -> memref<640xf32, #tpu.memory_space<hbm>>
        tpu.enqueue_dma source(%dma_start3A_314 : memref<640xf32, #tpu.memory_space<hbm>>) target(%dma_start3A_313 : memref<640xf32, #tpu.memory_space<vmem>>) target_semaphore(%run_scoped3A : memref<!tpu.dma_semaphore, #tpu.memory_space<semaphore_mem>>)
        %dma_wait3A_315 = arith.constant 0 : i32
        %dma_wait3A_316 = tpu.memref_slice %arg15[%dma_wait3A_315] : memref<1280xf32, #tpu.memory_space<vmem>> -> memref<640xf32, #tpu.memory_space<vmem>>
        %dma_wait3A_317 = tpu.memref_slice %arg2[%add3A_308] : memref<30000xf32, #tpu.memory_space<hbm>> -> memref<640xf32, #tpu.memory_space<hbm>>
        %dma_wait3A_318 = arith.constant 0 : i32
        %dma_wait3A_319 = tpu.memref_slice %arg15[%dma_wait3A_318] : memref<1280xf32, #tpu.memory_space<vmem>> -> memref<640xf32, #tpu.memory_space<vmem>>
        %dma_wait3A_320 = tpu.memref_slice %arg2[%add3A_308] : memref<30000xf32, #tpu.memory_space<hbm>> -> memref<640xf32, #tpu.memory_space<hbm>>
        tpu.wait_dma2 semaphore(%run_scoped3A : memref<!tpu.dma_semaphore, #tpu.memory_space<semaphore_mem>>) src(%dma_wait3A_320 : memref<640xf32, #tpu.memory_space<hbm>>) dst(%dma_wait3A_319 : memref<640xf32, #tpu.memory_space<vmem>>)
        tpu.yield
      }) : () -> ()
    } else {
    }
    %eq3A = arith.constant 15 : i32
    %eq3A_15 = arith.cmpi eq, %arg1, %eq3A : i32
    %convert_element_type3A_16 = arith.extui %eq3A_15 : i1 to i32
    %cond3A_17 = arith.constant 0 : i32
    %cond3A_18 = arith.cmpi ne, %convert_element_type3A_16, %cond3A_17 : i32
    scf.if %cond3A_18 {
      %add3A_308 = arith.constant 9600 : i32
      %add3A_309 = arith.addi %multiple_of3A_9, %add3A_308 : i32
      "tpu.region"() ({
        %run_scoped3A = tpu.sem_alloc : memref<!tpu.dma_semaphore, #tpu.memory_space<semaphore_mem>>
        %dma_start3A_339 = arith.constant 0 : i32
        %dma_start3A_340 = tpu.memref_slice %arg15[%dma_start3A_339] : memref<1280xf32, #tpu.memory_space<vmem>> -> memref<400xf32, #tpu.memory_space<vmem>>
        %dma_start3A_341 = tpu.memref_slice %arg2[%add3A_309] : memref<30000xf32, #tpu.memory_space<hbm>> -> memref<400xf32, #tpu.memory_space<hbm>>
        %dma_start3A_342 = arith.constant 0 : i32
        %dma_start3A_343 = tpu.memref_slice %arg15[%dma_start3A_342] : memref<1280xf32, #tpu.memory_space<vmem>> -> memref<400xf32, #tpu.memory_space<vmem>>
        %dma_start3A_344 = tpu.memref_slice %arg2[%add3A_309] : memref<30000xf32, #tpu.memory_space<hbm>> -> memref<400xf32, #tpu.memory_space<hbm>>
        tpu.enqueue_dma source(%dma_start3A_344 : memref<400xf32, #tpu.memory_space<hbm>>) target(%dma_start3A_343 : memref<400xf32, #tpu.memory_space<vmem>>) target_semaphore(%run_scoped3A : memref<!tpu.dma_semaphore, #tpu.memory_space<semaphore_mem>>)
        %dma_wait3A_345 = arith.constant 0 : i32
        %dma_wait3A_346 = tpu.memref_slice %arg15[%dma_wait3A_345] : memref<1280xf32, #tpu.memory_space<vmem>> -> memref<400xf32, #tpu.memory_space<vmem>>
        %dma_wait3A_347 = tpu.memref_slice %arg2[%add3A_309] : memref<30000xf32, #tpu.memory_space<hbm>> -> memref<400xf32, #tpu.memory_space<hbm>>
        %dma_wait3A_348 = arith.constant 0 : i32
        %dma_wait3A_349 = tpu.memref_slice %arg15[%dma_wait3A_348] : memref<1280xf32, #tpu.memory_space<vmem>> -> memref<400xf32, #tpu.memory_space<vmem>>
        %dma_wait3A_350 = tpu.memref_slice %arg2[%add3A_309] : memref<30000xf32, #tpu.memory_space<hbm>> -> memref<400xf32, #tpu.memory_space<hbm>>
        tpu.wait_dma2 semaphore(%run_scoped3A : memref<!tpu.dma_semaphore, #tpu.memory_space<semaphore_mem>>) src(%dma_wait3A_350 : memref<400xf32, #tpu.memory_space<hbm>>) dst(%dma_wait3A_349 : memref<400xf32, #tpu.memory_space<vmem>>)
        tpu.yield
      }) : () -> ()
      %swap3A = arith.constant 400 : index
      %swap3A_310 = tpu.vector_load %arg15[%swap3A] {strides = array<i32>} : memref<1280xf32, #tpu.memory_space<vmem>>, vector<16xf32>,
      tpu.vector_store %arg15[%swap3A], %broadcast_in_dim3A_10 {strides = array<i32>} : memref<1280xf32, #tpu.memory_space<vmem>>, vector<16xf32>,
      %swap3A_311 = arith.constant 416 : index
      %swap3A_312 = tpu.vector_load %arg15[%swap3A_311] {strides = array<i32>} : memref<1280xf32, #tpu.memory_space<vmem>>, vector<16xf32>,
      tpu.vector_store %arg15[%swap3A_311], %broadcast_in_dim3A_10 {strides = array<i32>} : memref<1280xf32, #tpu.memory_space<vmem>>, vector<16xf32>,
      %swap3A_313 = arith.constant 432 : index
      %swap3A_314 = tpu.vector_load %arg15[%swap3A_313] {strides = array<i32>} : memref<1280xf32, #tpu.memory_space<vmem>>, vector<16xf32>,
      tpu.vector_store %arg15[%swap3A_313], %broadcast_in_dim3A_10 {strides = array<i32>} : memref<1280xf32, #tpu.memory_space<vmem>>, vector<16xf32>,
      %swap3A_315 = arith.constant 448 : index
      %swap3A_316 = tpu.vector_load %arg15[%swap3A_315] {strides = array<i32>} : memref<1280xf32, #tpu.memory_space<vmem>>, vector<16xf32>,
      tpu.vector_store %arg15[%swap3A_315], %broadcast_in_dim3A_10 {strides = array<i32>} : memref<1280xf32, #tpu.memory_space<vmem>>, vector<16xf32>,
      %swap3A_317 = arith.constant 464 : index
      %swap3A_318 = tpu.vector_load %arg15[%swap3A_317] {strides = array<i32>} : memref<1280xf32, #tpu.memory_space<vmem>>, vector<16xf32>,
      tpu.vector_store %arg15[%swap3A_317], %broadcast_in_dim3A_10 {strides = array<i32>} : memref<1280xf32, #tpu.memory_space<vmem>>, vector<16xf32>,
      %swap3A_319 = arith.constant 480 : index
      %swap3A_320 = tpu.vector_load %arg15[%swap3A_319] {strides = array<i32>} : memref<1280xf32, #tpu.memory_space<vmem>>, vector<16xf32>,
      tpu.vector_store %arg15[%swap3A_319], %broadcast_in_dim3A_10 {strides = array<i32>} : memref<1280xf32, #tpu.memory_space<vmem>>, vector<16xf32>,
      %swap3A_321 = arith.constant 496 : index
      %swap3A_322 = tpu.vector_load %arg15[%swap3A_321] {strides = array<i32>} : memref<1280xf32, #tpu.memory_space<vmem>>, vector<16xf32>,
      tpu.vector_store %arg15[%swap3A_321], %broadcast_in_dim3A_10 {strides = array<i32>} : memref<1280xf32, #tpu.memory_space<vmem>>, vector<16xf32>,
      %swap3A_323 = arith.constant 512 : index
      %swap3A_324 = tpu.vector_load %arg15[%swap3A_323] {strides = array<i32>} : memref<1280xf32, #tpu.memory_space<vmem>>, vector<16xf32>,
      tpu.vector_store %arg15[%swap3A_323], %broadcast_in_dim3A_10 {strides = array<i32>} : memref<1280xf32, #tpu.memory_space<vmem>>, vector<16xf32>,
      %swap3A_325 = arith.constant 528 : index
      %swap3A_326 = tpu.vector_load %arg15[%swap3A_325] {strides = array<i32>} : memref<1280xf32, #tpu.memory_space<vmem>>, vector<16xf32>,
      tpu.vector_store %arg15[%swap3A_325], %broadcast_in_dim3A_10 {strides = array<i32>} : memref<1280xf32, #tpu.memory_space<vmem>>, vector<16xf32>,
      %swap3A_327 = arith.constant 544 : index
      %swap3A_328 = tpu.vector_load %arg15[%swap3A_327] {strides = array<i32>} : memref<1280xf32, #tpu.memory_space<vmem>>, vector<16xf32>,
      tpu.vector_store %arg15[%swap3A_327], %broadcast_in_dim3A_10 {strides = array<i32>} : memref<1280xf32, #tpu.memory_space<vmem>>, vector<16xf32>,
      %swap3A_329 = arith.constant 560 : index
      %swap3A_330 = tpu.vector_load %arg15[%swap3A_329] {strides = array<i32>} : memref<1280xf32, #tpu.memory_space<vmem>>, vector<16xf32>,
      tpu.vector_store %arg15[%swap3A_329], %broadcast_in_dim3A_10 {strides = array<i32>} : memref<1280xf32, #tpu.memory_space<vmem>>, vector<16xf32>,
      %swap3A_331 = arith.constant 576 : index
      %swap3A_332 = tpu.vector_load %arg15[%swap3A_331] {strides = array<i32>} : memref<1280xf32, #tpu.memory_space<vmem>>, vector<16xf32>,
      tpu.vector_store %arg15[%swap3A_331], %broadcast_in_dim3A_10 {strides = array<i32>} : memref<1280xf32, #tpu.memory_space<vmem>>, vector<16xf32>,
      %swap3A_333 = arith.constant 592 : index
      %swap3A_334 = tpu.vector_load %arg15[%swap3A_333] {strides = array<i32>} : memref<1280xf32, #tpu.memory_space<vmem>>, vector<16xf32>,
      tpu.vector_store %arg15[%swap3A_333], %broadcast_in_dim3A_10 {strides = array<i32>} : memref<1280xf32, #tpu.memory_space<vmem>>, vector<16xf32>,
      %swap3A_335 = arith.constant 608 : index
      %swap3A_336 = tpu.vector_load %arg15[%swap3A_335] {strides = array<i32>} : memref<1280xf32, #tpu.memory_space<vmem>>, vector<16xf32>,
      tpu.vector_store %arg15[%swap3A_335], %broadcast_in_dim3A_10 {strides = array<i32>} : memref<1280xf32, #tpu.memory_space<vmem>>, vector<16xf32>,
      %swap3A_337 = arith.constant 624 : index
      %swap3A_338 = tpu.vector_load %arg15[%swap3A_337] {strides = array<i32>} : memref<1280xf32, #tpu.memory_space<vmem>>, vector<16xf32>,
      tpu.vector_store %arg15[%swap3A_337], %broadcast_in_dim3A_10 {strides = array<i32>} : memref<1280xf32, #tpu.memory_space<vmem>>, vector<16xf32>,
    } else {
    }
    %add3A = arith.constant 0 : i32
    %add3A_19 = arith.addi %add3A, %multiple_of3A_3 : i32
    "tpu.region"() ({
      %run_scoped3A = tpu.sem_alloc : memref<!tpu.dma_semaphore, #tpu.memory_space<semaphore_mem>>
      %dma_start3A_308 = arith.constant 0 : i32
      %dma_start3A_309 = tpu.memref_slice %arg15[%dma_start3A_308] : memref<1280xf32, #tpu.memory_space<vmem>> -> memref<640xf32, #tpu.memory_space<vmem>>
      %dma_start3A_310 = tpu.memref_slice %arg5[%add3A_19] : memref<20480xf32, #tpu.memory_space<vmem_shared>> -> memref<640xf32, #tpu.memory_space<vmem_shared>>
      %dma_start3A_311 = tpu.memref_slice %arg5[%add3A_19] : memref<20480xf32, #tpu.memory_space<vmem_shared>> -> memref<640xf32, #tpu.memory_space<vmem_shared>>
      %dma_start3A_312 = arith.constant 0 : i32
      %dma_start3A_313 = tpu.memref_slice %arg15[%dma_start3A_312] : memref<1280xf32, #tpu.memory_space<vmem>> -> memref<640xf32, #tpu.memory_space<vmem>>
      tpu.enqueue_dma source(%dma_start3A_313 : memref<640xf32, #tpu.memory_space<vmem>>) target(%dma_start3A_311 : memref<640xf32, #tpu.memory_space<vmem_shared>>) target_semaphore(%run_scoped3A : memref<!tpu.dma_semaphore, #tpu.memory_space<semaphore_mem>>)
      %dma_wait3A_314 = arith.constant 0 : i32
      %dma_wait3A_315 = tpu.memref_slice %arg15[%dma_wait3A_314] : memref<1280xf32, #tpu.memory_space<vmem>> -> memref<640xf32, #tpu.memory_space<vmem>>
      %dma_wait3A_316 = tpu.memref_slice %arg5[%add3A_19] : memref<20480xf32, #tpu.memory_space<vmem_shared>> -> memref<640xf32, #tpu.memory_space<vmem_shared>>
      %dma_wait3A_317 = tpu.memref_slice %arg5[%add3A_19] : memref<20480xf32, #tpu.memory_space<vmem_shared>> -> memref<640xf32, #tpu.memory_space<vmem_shared>>
      %dma_wait3A_318 = arith.constant 0 : i32
      %dma_wait3A_319 = tpu.memref_slice %arg15[%dma_wait3A_318] : memref<1280xf32, #tpu.memory_space<vmem>> -> memref<640xf32, #tpu.memory_space<vmem>>
      tpu.wait_dma2 semaphore(%run_scoped3A : memref<!tpu.dma_semaphore, #tpu.memory_space<semaphore_mem>>) src(%dma_wait3A_319 : memref<640xf32, #tpu.memory_space<vmem>>) dst(%dma_wait3A_317 : memref<640xf32, #tpu.memory_space<vmem_shared>>)
      tpu.yield
    }) : () -> ()
    %eq3A_20 = arith.constant 0 : i32
    %eq3A_21 = arith.cmpi eq, %arg0, %eq3A_20 : i32
    %convert_element_type3A_22 = arith.extui %eq3A_21 : i1 to i32
    %cond3A_23 = arith.constant 0 : i32
    %cond3A_24 = arith.cmpi ne, %convert_element_type3A_22, %cond3A_23 : i32
    scf.if %cond3A_24 {
      %lt3A_308 = arith.constant 15 : i32
      %lt3A_309 = arith.cmpi slt, %arg1, %lt3A_308 : i32
      %convert_element_type3A_310 = arith.extui %lt3A_309 : i1 to i32
      %cond3A_311 = arith.constant 0 : i32
      %cond3A_312 = arith.cmpi ne, %convert_element_type3A_310, %cond3A_311 : i32
      scf.if %cond3A_312 {
        %add3A_320 = arith.constant 10000 : i32
        %add3A_321 = arith.addi %add3A_320, %multiple_of3A_3 : i32
        "tpu.region"() ({
          %run_scoped3A = tpu.sem_alloc : memref<!tpu.dma_semaphore, #tpu.memory_space<semaphore_mem>>
          %dma_start3A_322 = arith.constant 640 : i32
          %dma_start3A_323 = tpu.memref_slice %arg15[%dma_start3A_322] : memref<1280xf32, #tpu.memory_space<vmem>> -> memref<640xf32, #tpu.memory_space<vmem>>
          %dma_start3A_324 = tpu.memref_slice %arg2[%add3A_321] : memref<30000xf32, #tpu.memory_space<hbm>> -> memref<640xf32, #tpu.memory_space<hbm>>
          %dma_start3A_325 = arith.constant 640 : i32
          %dma_start3A_326 = tpu.memref_slice %arg15[%dma_start3A_325] : memref<1280xf32, #tpu.memory_space<vmem>> -> memref<640xf32, #tpu.memory_space<vmem>>
          %dma_start3A_327 = tpu.memref_slice %arg2[%add3A_321] : memref<30000xf32, #tpu.memory_space<hbm>> -> memref<640xf32, #tpu.memory_space<hbm>>
          tpu.enqueue_dma source(%dma_start3A_327 : memref<640xf32, #tpu.memory_space<hbm>>) target(%dma_start3A_326 : memref<640xf32, #tpu.memory_space<vmem>>) target_semaphore(%run_scoped3A : memref<!tpu.dma_semaphore, #tpu.memory_space<semaphore_mem>>)
          %dma_wait3A_328 = arith.constant 640 : i32
          %dma_wait3A_329 = tpu.memref_slice %arg15[%dma_wait3A_328] : memref<1280xf32, #tpu.memory_space<vmem>> -> memref<640xf32, #tpu.memory_space<vmem>>
          %dma_wait3A_330 = tpu.memref_slice %arg2[%add3A_321] : memref<30000xf32, #tpu.memory_space<hbm>> -> memref<640xf32, #tpu.memory_space<hbm>>
          %dma_wait3A_331 = arith.constant 640 : i32
          %dma_wait3A_332 = tpu.memref_slice %arg15[%dma_wait3A_331] : memref<1280xf32, #tpu.memory_space<vmem>> -> memref<640xf32, #tpu.memory_space<vmem>>
          %dma_wait3A_333 = tpu.memref_slice %arg2[%add3A_321] : memref<30000xf32, #tpu.memory_space<hbm>> -> memref<640xf32, #tpu.memory_space<hbm>>
          tpu.wait_dma2 semaphore(%run_scoped3A : memref<!tpu.dma_semaphore, #tpu.memory_space<semaphore_mem>>) src(%dma_wait3A_333 : memref<640xf32, #tpu.memory_space<hbm>>) dst(%dma_wait3A_332 : memref<640xf32, #tpu.memory_space<vmem>>)
          tpu.yield
        }) : () -> ()
      } else {
      }
      %eq3A_313 = arith.constant 15 : i32
      %eq3A_314 = arith.cmpi eq, %arg1, %eq3A_313 : i32
      %convert_element_type3A_315 = arith.extui %eq3A_314 : i1 to i32
      %cond3A_316 = arith.constant 0 : i32
      %cond3A_317 = arith.cmpi ne, %convert_element_type3A_315, %cond3A_316 : i32
      scf.if %cond3A_317 {
        "tpu.region"() ({
          %run_scoped3A = tpu.sem_alloc : memref<!tpu.dma_semaphore, #tpu.memory_space<semaphore_mem>>
          %dma_start3A_349 = arith.constant 640 : i32
          %dma_start3A_350 = tpu.memref_slice %arg15[%dma_start3A_349] : memref<1280xf32, #tpu.memory_space<vmem>> -> memref<400xf32, #tpu.memory_space<vmem>>
          %dma_start3A_351 = arith.constant 19600 : i32
          %dma_start3A_352 = tpu.memref_slice %arg2[%dma_start3A_351] : memref<30000xf32, #tpu.memory_space<hbm>> -> memref<400xf32, #tpu.memory_space<hbm>>
          %dma_start3A_353 = arith.constant 640 : i32
          %dma_start3A_354 = tpu.memref_slice %arg15[%dma_start3A_353] : memref<1280xf32, #tpu.memory_space<vmem>> -> memref<400xf32, #tpu.memory_space<vmem>>
          %dma_start3A_355 = arith.constant 19600 : i32
          %dma_start3A_356 = tpu.memref_slice %arg2[%dma_start3A_355] : memref<30000xf32, #tpu.memory_space<hbm>> -> memref<400xf32, #tpu.memory_space<hbm>>
          tpu.enqueue_dma source(%dma_start3A_356 : memref<400xf32, #tpu.memory_space<hbm>>) target(%dma_start3A_354 : memref<400xf32, #tpu.memory_space<vmem>>) target_semaphore(%run_scoped3A : memref<!tpu.dma_semaphore, #tpu.memory_space<semaphore_mem>>)
          %dma_wait3A_357 = arith.constant 640 : i32
          %dma_wait3A_358 = tpu.memref_slice %arg15[%dma_wait3A_357] : memref<1280xf32, #tpu.memory_space<vmem>> -> memref<400xf32, #tpu.memory_space<vmem>>
          %dma_wait3A_359 = arith.constant 19600 : i32
          %dma_wait3A_360 = tpu.memref_slice %arg2[%dma_wait3A_359] : memref<30000xf32, #tpu.memory_space<hbm>> -> memref<400xf32, #tpu.memory_space<hbm>>
          %dma_wait3A_361 = arith.constant 640 : i32
          %dma_wait3A_362 = tpu.memref_slice %arg15[%dma_wait3A_361] : memref<1280xf32, #tpu.memory_space<vmem>> -> memref<400xf32, #tpu.memory_space<vmem>>
          %dma_wait3A_363 = arith.constant 19600 : i32
          %dma_wait3A_364 = tpu.memref_slice %arg2[%dma_wait3A_363] : memref<30000xf32, #tpu.memory_space<hbm>> -> memref<400xf32, #tpu.memory_space<hbm>>
          tpu.wait_dma2 semaphore(%run_scoped3A : memref<!tpu.dma_semaphore, #tpu.memory_space<semaphore_mem>>) src(%dma_wait3A_364 : memref<400xf32, #tpu.memory_space<hbm>>) dst(%dma_wait3A_362 : memref<400xf32, #tpu.memory_space<vmem>>)
          tpu.yield
        }) : () -> ()
        %swap3A = arith.constant 1040 : index
        %swap3A_320 = tpu.vector_load %arg15[%swap3A] {strides = array<i32>} : memref<1280xf32, #tpu.memory_space<vmem>>, vector<16xf32>,
        tpu.vector_store %arg15[%swap3A], %broadcast_in_dim3A_10 {strides = array<i32>} : memref<1280xf32, #tpu.memory_space<vmem>>, vector<16xf32>,
        %swap3A_321 = arith.constant 1056 : index
        %swap3A_322 = tpu.vector_load %arg15[%swap3A_321] {strides = array<i32>} : memref<1280xf32, #tpu.memory_space<vmem>>, vector<16xf32>,
        tpu.vector_store %arg15[%swap3A_321], %broadcast_in_dim3A_10 {strides = array<i32>} : memref<1280xf32, #tpu.memory_space<vmem>>, vector<16xf32>,
        %swap3A_323 = arith.constant 1072 : index
        %swap3A_324 = tpu.vector_load %arg15[%swap3A_323] {strides = array<i32>} : memref<1280xf32, #tpu.memory_space<vmem>>, vector<16xf32>,
        tpu.vector_store %arg15[%swap3A_323], %broadcast_in_dim3A_10 {strides = array<i32>} : memref<1280xf32, #tpu.memory_space<vmem>>, vector<16xf32>,
        %swap3A_325 = arith.constant 1088 : index
        %swap3A_326 = tpu.vector_load %arg15[%swap3A_325] {strides = array<i32>} : memref<1280xf32, #tpu.memory_space<vmem>>, vector<16xf32>,
        tpu.vector_store %arg15[%swap3A_325], %broadcast_in_dim3A_10 {strides = array<i32>} : memref<1280xf32, #tpu.memory_space<vmem>>, vector<16xf32>,
        %swap3A_327 = arith.constant 1104 : index
        %swap3A_328 = tpu.vector_load %arg15[%swap3A_327] {strides = array<i32>} : memref<1280xf32, #tpu.memory_space<vmem>>, vector<16xf32>,
        tpu.vector_store %arg15[%swap3A_327], %broadcast_in_dim3A_10 {strides = array<i32>} : memref<1280xf32, #tpu.memory_space<vmem>>, vector<16xf32>,
        %swap3A_329 = arith.constant 1120 : index
        %swap3A_330 = tpu.vector_load %arg15[%swap3A_329] {strides = array<i32>} : memref<1280xf32, #tpu.memory_space<vmem>>, vector<16xf32>,
        tpu.vector_store %arg15[%swap3A_329], %broadcast_in_dim3A_10 {strides = array<i32>} : memref<1280xf32, #tpu.memory_space<vmem>>, vector<16xf32>,
        %swap3A_331 = arith.constant 1136 : index
        %swap3A_332 = tpu.vector_load %arg15[%swap3A_331] {strides = array<i32>} : memref<1280xf32, #tpu.memory_space<vmem>>, vector<16xf32>,
        tpu.vector_store %arg15[%swap3A_331], %broadcast_in_dim3A_10 {strides = array<i32>} : memref<1280xf32, #tpu.memory_space<vmem>>, vector<16xf32>,
        %swap3A_333 = arith.constant 1152 : index
        %swap3A_334 = tpu.vector_load %arg15[%swap3A_333] {strides = array<i32>} : memref<1280xf32, #tpu.memory_space<vmem>>, vector<16xf32>,
        tpu.vector_store %arg15[%swap3A_333], %broadcast_in_dim3A_10 {strides = array<i32>} : memref<1280xf32, #tpu.memory_space<vmem>>, vector<16xf32>,
        %swap3A_335 = arith.constant 1168 : index
        %swap3A_336 = tpu.vector_load %arg15[%swap3A_335] {strides = array<i32>} : memref<1280xf32, #tpu.memory_space<vmem>>, vector<16xf32>,
        tpu.vector_store %arg15[%swap3A_335], %broadcast_in_dim3A_10 {strides = array<i32>} : memref<1280xf32, #tpu.memory_space<vmem>>, vector<16xf32>,
        %swap3A_337 = arith.constant 1184 : index
        %swap3A_338 = tpu.vector_load %arg15[%swap3A_337] {strides = array<i32>} : memref<1280xf32, #tpu.memory_space<vmem>>, vector<16xf32>,
        tpu.vector_store %arg15[%swap3A_337], %broadcast_in_dim3A_10 {strides = array<i32>} : memref<1280xf32, #tpu.memory_space<vmem>>, vector<16xf32>,
        %swap3A_339 = arith.constant 1200 : index
        %swap3A_340 = tpu.vector_load %arg15[%swap3A_339] {strides = array<i32>} : memref<1280xf32, #tpu.memory_space<vmem>>, vector<16xf32>,
        tpu.vector_store %arg15[%swap3A_339], %broadcast_in_dim3A_10 {strides = array<i32>} : memref<1280xf32, #tpu.memory_space<vmem>>, vector<16xf32>,
        %swap3A_341 = arith.constant 1216 : index
        %swap3A_342 = tpu.vector_load %arg15[%swap3A_341] {strides = array<i32>} : memref<1280xf32, #tpu.memory_space<vmem>>, vector<16xf32>,
        tpu.vector_store %arg15[%swap3A_341], %broadcast_in_dim3A_10 {strides = array<i32>} : memref<1280xf32, #tpu.memory_space<vmem>>, vector<16xf32>,
        %swap3A_343 = arith.constant 1232 : index
        %swap3A_344 = tpu.vector_load %arg15[%swap3A_343] {strides = array<i32>} : memref<1280xf32, #tpu.memory_space<vmem>>, vector<16xf32>,
        tpu.vector_store %arg15[%swap3A_343], %broadcast_in_dim3A_10 {strides = array<i32>} : memref<1280xf32, #tpu.memory_space<vmem>>, vector<16xf32>,
        %swap3A_345 = arith.constant 1248 : index
        %swap3A_346 = tpu.vector_load %arg15[%swap3A_345] {strides = array<i32>} : memref<1280xf32, #tpu.memory_space<vmem>>, vector<16xf32>,
        tpu.vector_store %arg15[%swap3A_345], %broadcast_in_dim3A_10 {strides = array<i32>} : memref<1280xf32, #tpu.memory_space<vmem>>, vector<16xf32>,
        %swap3A_347 = arith.constant 1264 : index
        %swap3A_348 = tpu.vector_load %arg15[%swap3A_347] {strides = array<i32>} : memref<1280xf32, #tpu.memory_space<vmem>>, vector<16xf32>,
        tpu.vector_store %arg15[%swap3A_347], %broadcast_in_dim3A_10 {strides = array<i32>} : memref<1280xf32, #tpu.memory_space<vmem>>, vector<16xf32>,
      } else {
      }
      %add3A_318 = arith.constant 10240 : i32
      %add3A_319 = arith.addi %add3A_318, %multiple_of3A_3 : i32
      "tpu.region"() ({
        %run_scoped3A = tpu.sem_alloc : memref<!tpu.dma_semaphore, #tpu.memory_space<semaphore_mem>>
        %dma_start3A_320 = arith.constant 640 : i32
        %dma_start3A_321 = tpu.memref_slice %arg15[%dma_start3A_320] : memref<1280xf32, #tpu.memory_space<vmem>> -> memref<640xf32, #tpu.memory_space<vmem>>
        %dma_start3A_322 = tpu.memref_slice %arg5[%add3A_319] : memref<20480xf32, #tpu.memory_space<vmem_shared>> -> memref<640xf32, #tpu.memory_space<vmem_shared>>
        %dma_start3A_323 = tpu.memref_slice %arg5[%add3A_319] : memref<20480xf32, #tpu.memory_space<vmem_shared>> -> memref<640xf32, #tpu.memory_space<vmem_shared>>
        %dma_start3A_324 = arith.constant 640 : i32
        %dma_start3A_325 = tpu.memref_slice %arg15[%dma_start3A_324] : memref<1280xf32, #tpu.memory_space<vmem>> -> memref<640xf32, #tpu.memory_space<vmem>>
        tpu.enqueue_dma source(%dma_start3A_325 : memref<640xf32, #tpu.memory_space<vmem>>) target(%dma_start3A_323 : memref<640xf32, #tpu.memory_space<vmem_shared>>) target_semaphore(%run_scoped3A : memref<!tpu.dma_semaphore, #tpu.memory_space<semaphore_mem>>)
        %dma_wait3A_326 = arith.constant 640 : i32
        %dma_wait3A_327 = tpu.memref_slice %arg15[%dma_wait3A_326] : memref<1280xf32, #tpu.memory_space<vmem>> -> memref<640xf32, #tpu.memory_space<vmem>>
        %dma_wait3A_328 = tpu.memref_slice %arg5[%add3A_319] : memref<20480xf32, #tpu.memory_space<vmem_shared>> -> memref<640xf32, #tpu.memory_space<vmem_shared>>
        %dma_wait3A_329 = tpu.memref_slice %arg5[%add3A_319] : memref<20480xf32, #tpu.memory_space<vmem_shared>> -> memref<640xf32, #tpu.memory_space<vmem_shared>>
        %dma_wait3A_330 = arith.constant 640 : i32
        %dma_wait3A_331 = tpu.memref_slice %arg15[%dma_wait3A_330] : memref<1280xf32, #tpu.memory_space<vmem>> -> memref<640xf32, #tpu.memory_space<vmem>>
        tpu.wait_dma2 semaphore(%run_scoped3A : memref<!tpu.dma_semaphore, #tpu.memory_space<semaphore_mem>>) src(%dma_wait3A_331 : memref<640xf32, #tpu.memory_space<vmem>>) dst(%dma_wait3A_329 : memref<640xf32, #tpu.memory_space<vmem_shared>>)
        tpu.yield
      }) : () -> ()
    } else {
    }
    %scan3A = arith.constant 0 : i32
    %scan3A_25 = arith.constant 640 : i32
    %scan3A_26 = arith.addi %scan3A, %scan3A_25 : i32
    %scan3A_27 = arith.constant 1 : i32
    scf.for %scan3A_308 = %scan3A to %scan3A_26 step %scan3A_27  : i32 {
      %mul3A_309 = arith.constant 16 : i32
      %mul3A_310 = arith.muli %scan3A_308, %mul3A_309 : i32
      %multiple_of3A_311 = tpu.assume_multiple %mul3A_310, 8 : i32
      %swap3A = arith.index_cast %multiple_of3A_311 : i32 to index
      %swap3A_312 = tpu.vector_load %arg11[%swap3A] {strides = array<i32>} : memref<20480xf32, #tpu.memory_space<vmem>>, vector<16xf32>,
      tpu.vector_store %arg11[%swap3A], %broadcast_in_dim3A_10 {strides = array<i32>} : memref<20480xf32, #tpu.memory_space<vmem>>, vector<16xf32>,
    }
    %scan3A_28 = arith.constant 640 : i32
    %parallel_loop3A = arith.constant 0 : i32
    %parallel_loop3A_29 = arith.constant 1250 : i32
    %parallel_loop3A_30 = arith.constant 1 : i32
    scf.for %parallel_loop3A_308 = %parallel_loop3A to %parallel_loop3A_29 step %parallel_loop3A_30  : i32 {
      %parallel_loop3A_309 = arith.constant 16 : i32
      %parallel_loop3A_310 = arith.muli %parallel_loop3A_308, %parallel_loop3A_309 : i32
      %parallel_loop3A_311 = tpu.assume_multiple %parallel_loop3A_310, 8 : i32
      %parallel_loop3A_312 = arith.index_cast %parallel_loop3A_311 : i32 to index
      %parallel_loop3A_313 = tpu.vector_load %arg8[%parallel_loop3A_312] {strides = array<i32>} : memref<20000xi32, #tpu.memory_space<vmem>>, vector<16xi32>,
      %parallel_loop3A_314 = arith.constant 14 : i32
      %parallel_loop3A_315 = vector.broadcast %parallel_loop3A_314 : i32 to vector<16xi32>
      %parallel_loop3A_316 = arith.shrui %parallel_loop3A_313, %parallel_loop3A_315 : vector<16xi32>
      tpu.vector_store_idx %arg11[%parallel_loop3A_316], %broadcast_in_dim3A_12 {add = true} : memref<20480xf32, #tpu.memory_space<vmem>>[vector<16xi32>], vector<16xf32>,
    } {sc.loop_unroll_factor = 4 : i64, sc.parallel_access}
    %multiple_of3A_31 = arith.constant 0 : i32
    %multiple_of3A_32 = tpu.assume_multiple %multiple_of3A_31, 8 : i32
    %add3A_33 = arith.addi %multiple_of3A_32, %multiple_of3A_3 : i32
    %dma_start3A = arith.constant 0 : i32
    %dma_start3A_34 = tpu.memref_slice %arg11[%dma_start3A] : memref<20480xf32, #tpu.memory_space<vmem>> -> memref<640xf32, #tpu.memory_space<vmem>>
    %dma_start3A_35 = tpu.memref_slice %arg6[%add3A_33] : memref<327680xf32, #tpu.memory_space<vmem_shared>> -> memref<640xf32, #tpu.memory_space<vmem_shared>>
    %dma_start3A_36 = tpu.memref_slice %arg6[%add3A_33] : memref<327680xf32, #tpu.memory_space<vmem_shared>> -> memref<640xf32, #tpu.memory_space<vmem_shared>>
    %dma_start3A_37 = arith.constant 0 : i32
    %dma_start3A_38 = tpu.memref_slice %arg11[%dma_start3A_37] : memref<20480xf32, #tpu.memory_space<vmem>> -> memref<640xf32, #tpu.memory_space<vmem>>
    tpu.enqueue_dma source(%dma_start3A_38 : memref<640xf32, #tpu.memory_space<vmem>>) target(%dma_start3A_36 : memref<640xf32, #tpu.memory_space<vmem_shared>>) target_semaphore(%arg16 : memref<!tpu.dma_semaphore, #tpu.memory_space<semaphore_mem>>)
    %multiple_of3A_39 = arith.constant 10240 : i32
    %multiple_of3A_40 = tpu.assume_multiple %multiple_of3A_39, 8 : i32
    %add3A_41 = arith.addi %multiple_of3A_40, %multiple_of3A_3 : i32
    %dma_start3A_42 = arith.constant 640 : i32
    %dma_start3A_43 = tpu.memref_slice %arg11[%dma_start3A_42] : memref<20480xf32, #tpu.memory_space<vmem>> -> memref<640xf32, #tpu.memory_space<vmem>>
    %dma_start3A_44 = tpu.memref_slice %arg6[%add3A_41] : memref<327680xf32, #tpu.memory_space<vmem_shared>> -> memref<640xf32, #tpu.memory_space<vmem_shared>>
    %dma_start3A_45 = tpu.memref_slice %arg6[%add3A_41] : memref<327680xf32, #tpu.memory_space<vmem_shared>> -> memref<640xf32, #tpu.memory_space<vmem_shared>>
    %dma_start3A_46 = arith.constant 640 : i32
    %dma_start3A_47 = tpu.memref_slice %arg11[%dma_start3A_46] : memref<20480xf32, #tpu.memory_space<vmem>> -> memref<640xf32, #tpu.memory_space<vmem>>
    tpu.enqueue_dma source(%dma_start3A_47 : memref<640xf32, #tpu.memory_space<vmem>>) target(%dma_start3A_45 : memref<640xf32, #tpu.memory_space<vmem_shared>>) target_semaphore(%arg16 : memref<!tpu.dma_semaphore, #tpu.memory_space<semaphore_mem>>)
    %multiple_of3A_48 = arith.constant 20480 : i32
    %multiple_of3A_49 = tpu.assume_multiple %multiple_of3A_48, 8 : i32
    %add3A_50 = arith.addi %multiple_of3A_49, %multiple_of3A_3 : i32
    %dma_start3A_51 = arith.constant 1280 : i32
    %dma_start3A_52 = tpu.memref_slice %arg11[%dma_start3A_51] : memref<20480xf32, #tpu.memory_space<vmem>> -> memref<640xf32, #tpu.memory_space<vmem>>
    %dma_start3A_53 = tpu.memref_slice %arg6[%add3A_50] : memref<327680xf32, #tpu.memory_space<vmem_shared>> -> memref<640xf32, #tpu.memory_space<vmem_shared>>
    %dma_start3A_54 = tpu.memref_slice %arg6[%add3A_50] : memref<327680xf32, #tpu.memory_space<vmem_shared>> -> memref<640xf32, #tpu.memory_space<vmem_shared>>
    %dma_start3A_55 = arith.constant 1280 : i32
    %dma_start3A_56 = tpu.memref_slice %arg11[%dma_start3A_55] : memref<20480xf32, #tpu.memory_space<vmem>> -> memref<640xf32, #tpu.memory_space<vmem>>
    tpu.enqueue_dma source(%dma_start3A_56 : memref<640xf32, #tpu.memory_space<vmem>>) target(%dma_start3A_54 : memref<640xf32, #tpu.memory_space<vmem_shared>>) target_semaphore(%arg16 : memref<!tpu.dma_semaphore, #tpu.memory_space<semaphore_mem>>)
    %multiple_of3A_57 = arith.constant 30720 : i32
    %multiple_of3A_58 = tpu.assume_multiple %multiple_of3A_57, 8 : i32
    %add3A_59 = arith.addi %multiple_of3A_58, %multiple_of3A_3 : i32
    %dma_start3A_60 = arith.constant 1920 : i32
    %dma_start3A_61 = tpu.memref_slice %arg11[%dma_start3A_60] : memref<20480xf32, #tpu.memory_space<vmem>> -> memref<640xf32, #tpu.memory_space<vmem>>
    %dma_start3A_62 = tpu.memref_slice %arg6[%add3A_59] : memref<327680xf32, #tpu.memory_space<vmem_shared>> -> memref<640xf32, #tpu.memory_space<vmem_shared>>
    %dma_start3A_63 = tpu.memref_slice %arg6[%add3A_59] : memref<327680xf32, #tpu.memory_space<vmem_shared>> -> memref<640xf32, #tpu.memory_space<vmem_shared>>
    %dma_start3A_64 = arith.constant 1920 : i32
    %dma_start3A_65 = tpu.memref_slice %arg11[%dma_start3A_64] : memref<20480xf32, #tpu.memory_space<vmem>> -> memref<640xf32, #tpu.memory_space<vmem>>
    tpu.enqueue_dma source(%dma_start3A_65 : memref<640xf32, #tpu.memory_space<vmem>>) target(%dma_start3A_63 : memref<640xf32, #tpu.memory_space<vmem_shared>>) target_semaphore(%arg16 : memref<!tpu.dma_semaphore, #tpu.memory_space<semaphore_mem>>)
    %multiple_of3A_66 = arith.constant 40960 : i32
    %multiple_of3A_67 = tpu.assume_multiple %multiple_of3A_66, 8 : i32
    %add3A_68 = arith.addi %multiple_of3A_67, %multiple_of3A_3 : i32
    %dma_start3A_69 = arith.constant 2560 : i32
    %dma_start3A_70 = tpu.memref_slice %arg11[%dma_start3A_69] : memref<20480xf32, #tpu.memory_space<vmem>> -> memref<640xf32, #tpu.memory_space<vmem>>
    %dma_start3A_71 = tpu.memref_slice %arg6[%add3A_68] : memref<327680xf32, #tpu.memory_space<vmem_shared>> -> memref<640xf32, #tpu.memory_space<vmem_shared>>
    %dma_start3A_72 = tpu.memref_slice %arg6[%add3A_68] : memref<327680xf32, #tpu.memory_space<vmem_shared>> -> memref<640xf32, #tpu.memory_space<vmem_shared>>
    %dma_start3A_73 = arith.constant 2560 : i32
    %dma_start3A_74 = tpu.memref_slice %arg11[%dma_start3A_73] : memref<20480xf32, #tpu.memory_space<vmem>> -> memref<640xf32, #tpu.memory_space<vmem>>
    tpu.enqueue_dma source(%dma_start3A_74 : memref<640xf32, #tpu.memory_space<vmem>>) target(%dma_start3A_72 : memref<640xf32, #tpu.memory_space<vmem_shared>>) target_semaphore(%arg16 : memref<!tpu.dma_semaphore, #tpu.memory_space<semaphore_mem>>)
    %multiple_of3A_75 = arith.constant 51200 : i32
    %multiple_of3A_76 = tpu.assume_multiple %multiple_of3A_75, 8 : i32
    %add3A_77 = arith.addi %multiple_of3A_76, %multiple_of3A_3 : i32
    %dma_start3A_78 = arith.constant 3200 : i32
    %dma_start3A_79 = tpu.memref_slice %arg11[%dma_start3A_78] : memref<20480xf32, #tpu.memory_space<vmem>> -> memref<640xf32, #tpu.memory_space<vmem>>
    %dma_start3A_80 = tpu.memref_slice %arg6[%add3A_77] : memref<327680xf32, #tpu.memory_space<vmem_shared>> -> memref<640xf32, #tpu.memory_space<vmem_shared>>
    %dma_start3A_81 = tpu.memref_slice %arg6[%add3A_77] : memref<327680xf32, #tpu.memory_space<vmem_shared>> -> memref<640xf32, #tpu.memory_space<vmem_shared>>
    %dma_start3A_82 = arith.constant 3200 : i32
    %dma_start3A_83 = tpu.memref_slice %arg11[%dma_start3A_82] : memref<20480xf32, #tpu.memory_space<vmem>> -> memref<640xf32, #tpu.memory_space<vmem>>
    tpu.enqueue_dma source(%dma_start3A_83 : memref<640xf32, #tpu.memory_space<vmem>>) target(%dma_start3A_81 : memref<640xf32, #tpu.memory_space<vmem_shared>>) target_semaphore(%arg16 : memref<!tpu.dma_semaphore, #tpu.memory_space<semaphore_mem>>)
    %multiple_of3A_84 = arith.constant 61440 : i32
    %multiple_of3A_85 = tpu.assume_multiple %multiple_of3A_84, 8 : i32
    %add3A_86 = arith.addi %multiple_of3A_85, %multiple_of3A_3 : i32
    %dma_start3A_87 = arith.constant 3840 : i32
    %dma_start3A_88 = tpu.memref_slice %arg11[%dma_start3A_87] : memref<20480xf32, #tpu.memory_space<vmem>> -> memref<640xf32, #tpu.memory_space<vmem>>
    %dma_start3A_89 = tpu.memref_slice %arg6[%add3A_86] : memref<327680xf32, #tpu.memory_space<vmem_shared>> -> memref<640xf32, #tpu.memory_space<vmem_shared>>
    %dma_start3A_90 = tpu.memref_slice %arg6[%add3A_86] : memref<327680xf32, #tpu.memory_space<vmem_shared>> -> memref<640xf32, #tpu.memory_space<vmem_shared>>
    %dma_start3A_91 = arith.constant 3840 : i32
    %dma_start3A_92 = tpu.memref_slice %arg11[%dma_start3A_91] : memref<20480xf32, #tpu.memory_space<vmem>> -> memref<640xf32, #tpu.memory_space<vmem>>
    tpu.enqueue_dma source(%dma_start3A_92 : memref<640xf32, #tpu.memory_space<vmem>>) target(%dma_start3A_90 : memref<640xf32, #tpu.memory_space<vmem_shared>>) target_semaphore(%arg16 : memref<!tpu.dma_semaphore, #tpu.memory_space<semaphore_mem>>)
    %multiple_of3A_93 = arith.constant 71680 : i32
    %multiple_of3A_94 = tpu.assume_multiple %multiple_of3A_93, 8 : i32
    %add3A_95 = arith.addi %multiple_of3A_94, %multiple_of3A_3 : i32
    %dma_start3A_96 = arith.constant 4480 : i32
    %dma_start3A_97 = tpu.memref_slice %arg11[%dma_start3A_96] : memref<20480xf32, #tpu.memory_space<vmem>> -> memref<640xf32, #tpu.memory_space<vmem>>
    %dma_start3A_98 = tpu.memref_slice %arg6[%add3A_95] : memref<327680xf32, #tpu.memory_space<vmem_shared>> -> memref<640xf32, #tpu.memory_space<vmem_shared>>
    %dma_start3A_99 = tpu.memref_slice %arg6[%add3A_95] : memref<327680xf32, #tpu.memory_space<vmem_shared>> -> memref<640xf32, #tpu.memory_space<vmem_shared>>
    %dma_start3A_100 = arith.constant 4480 : i32
    %dma_start3A_101 = tpu.memref_slice %arg11[%dma_start3A_100] : memref<20480xf32, #tpu.memory_space<vmem>> -> memref<640xf32, #tpu.memory_space<vmem>>
    tpu.enqueue_dma source(%dma_start3A_101 : memref<640xf32, #tpu.memory_space<vmem>>) target(%dma_start3A_99 : memref<640xf32, #tpu.memory_space<vmem_shared>>) target_semaphore(%arg16 : memref<!tpu.dma_semaphore, #tpu.memory_space<semaphore_mem>>)
    %multiple_of3A_102 = arith.constant 81920 : i32
    %multiple_of3A_103 = tpu.assume_multiple %multiple_of3A_102, 8 : i32
    %add3A_104 = arith.addi %multiple_of3A_103, %multiple_of3A_3 : i32
    %dma_start3A_105 = arith.constant 5120 : i32
    %dma_start3A_106 = tpu.memref_slice %arg11[%dma_start3A_105] : memref<20480xf32, #tpu.memory_space<vmem>> -> memref<640xf32, #tpu.memory_space<vmem>>
    %dma_start3A_107 = tpu.memref_slice %arg6[%add3A_104] : memref<327680xf32, #tpu.memory_space<vmem_shared>> -> memref<640xf32, #tpu.memory_space<vmem_shared>>
    %dma_start3A_108 = tpu.memref_slice %arg6[%add3A_104] : memref<327680xf32, #tpu.memory_space<vmem_shared>> -> memref<640xf32, #tpu.memory_space<vmem_shared>>
    %dma_start3A_109 = arith.constant 5120 : i32
    %dma_start3A_110 = tpu.memref_slice %arg11[%dma_start3A_109] : memref<20480xf32, #tpu.memory_space<vmem>> -> memref<640xf32, #tpu.memory_space<vmem>>
    tpu.enqueue_dma source(%dma_start3A_110 : memref<640xf32, #tpu.memory_space<vmem>>) target(%dma_start3A_108 : memref<640xf32, #tpu.memory_space<vmem_shared>>) target_semaphore(%arg16 : memref<!tpu.dma_semaphore, #tpu.memory_space<semaphore_mem>>)
    %multiple_of3A_111 = arith.constant 92160 : i32
    %multiple_of3A_112 = tpu.assume_multiple %multiple_of3A_111, 8 : i32
    %add3A_113 = arith.addi %multiple_of3A_112, %multiple_of3A_3 : i32
    %dma_start3A_114 = arith.constant 5760 : i32
    %dma_start3A_115 = tpu.memref_slice %arg11[%dma_start3A_114] : memref<20480xf32, #tpu.memory_space<vmem>> -> memref<640xf32, #tpu.memory_space<vmem>>
    %dma_start3A_116 = tpu.memref_slice %arg6[%add3A_113] : memref<327680xf32, #tpu.memory_space<vmem_shared>> -> memref<640xf32, #tpu.memory_space<vmem_shared>>
    %dma_start3A_117 = tpu.memref_slice %arg6[%add3A_113] : memref<327680xf32, #tpu.memory_space<vmem_shared>> -> memref<640xf32, #tpu.memory_space<vmem_shared>>
    %dma_start3A_118 = arith.constant 5760 : i32
    %dma_start3A_119 = tpu.memref_slice %arg11[%dma_start3A_118] : memref<20480xf32, #tpu.memory_space<vmem>> -> memref<640xf32, #tpu.memory_space<vmem>>
    tpu.enqueue_dma source(%dma_start3A_119 : memref<640xf32, #tpu.memory_space<vmem>>) target(%dma_start3A_117 : memref<640xf32, #tpu.memory_space<vmem_shared>>) target_semaphore(%arg16 : memref<!tpu.dma_semaphore, #tpu.memory_space<semaphore_mem>>)
    %multiple_of3A_120 = arith.constant 102400 : i32
    %multiple_of3A_121 = tpu.assume_multiple %multiple_of3A_120, 8 : i32
    %add3A_122 = arith.addi %multiple_of3A_121, %multiple_of3A_3 : i32
    %dma_start3A_123 = arith.constant 6400 : i32
    %dma_start3A_124 = tpu.memref_slice %arg11[%dma_start3A_123] : memref<20480xf32, #tpu.memory_space<vmem>> -> memref<640xf32, #tpu.memory_space<vmem>>
    %dma_start3A_125 = tpu.memref_slice %arg6[%add3A_122] : memref<327680xf32, #tpu.memory_space<vmem_shared>> -> memref<640xf32, #tpu.memory_space<vmem_shared>>
    %dma_start3A_126 = tpu.memref_slice %arg6[%add3A_122] : memref<327680xf32, #tpu.memory_space<vmem_shared>> -> memref<640xf32, #tpu.memory_space<vmem_shared>>
    %dma_start3A_127 = arith.constant 6400 : i32
    %dma_start3A_128 = tpu.memref_slice %arg11[%dma_start3A_127] : memref<20480xf32, #tpu.memory_space<vmem>> -> memref<640xf32, #tpu.memory_space<vmem>>
    tpu.enqueue_dma source(%dma_start3A_128 : memref<640xf32, #tpu.memory_space<vmem>>) target(%dma_start3A_126 : memref<640xf32, #tpu.memory_space<vmem_shared>>) target_semaphore(%arg16 : memref<!tpu.dma_semaphore, #tpu.memory_space<semaphore_mem>>)
    %multiple_of3A_129 = arith.constant 112640 : i32
    %multiple_of3A_130 = tpu.assume_multiple %multiple_of3A_129, 8 : i32
    %add3A_131 = arith.addi %multiple_of3A_130, %multiple_of3A_3 : i32
    %dma_start3A_132 = arith.constant 7040 : i32
    %dma_start3A_133 = tpu.memref_slice %arg11[%dma_start3A_132] : memref<20480xf32, #tpu.memory_space<vmem>> -> memref<640xf32, #tpu.memory_space<vmem>>
    %dma_start3A_134 = tpu.memref_slice %arg6[%add3A_131] : memref<327680xf32, #tpu.memory_space<vmem_shared>> -> memref<640xf32, #tpu.memory_space<vmem_shared>>
    %dma_start3A_135 = tpu.memref_slice %arg6[%add3A_131] : memref<327680xf32, #tpu.memory_space<vmem_shared>> -> memref<640xf32, #tpu.memory_space<vmem_shared>>
    %dma_start3A_136 = arith.constant 7040 : i32
    %dma_start3A_137 = tpu.memref_slice %arg11[%dma_start3A_136] : memref<20480xf32, #tpu.memory_space<vmem>> -> memref<640xf32, #tpu.memory_space<vmem>>
    tpu.enqueue_dma source(%dma_start3A_137 : memref<640xf32, #tpu.memory_space<vmem>>) target(%dma_start3A_135 : memref<640xf32, #tpu.memory_space<vmem_shared>>) target_semaphore(%arg16 : memref<!tpu.dma_semaphore, #tpu.memory_space<semaphore_mem>>)
    %multiple_of3A_138 = arith.constant 122880 : i32
    %multiple_of3A_139 = tpu.assume_multiple %multiple_of3A_138, 8 : i32
    %add3A_140 = arith.addi %multiple_of3A_139, %multiple_of3A_3 : i32
    %dma_start3A_141 = arith.constant 7680 : i32
    %dma_start3A_142 = tpu.memref_slice %arg11[%dma_start3A_141] : memref<20480xf32, #tpu.memory_space<vmem>> -> memref<640xf32, #tpu.memory_space<vmem>>
    %dma_start3A_143 = tpu.memref_slice %arg6[%add3A_140] : memref<327680xf32, #tpu.memory_space<vmem_shared>> -> memref<640xf32, #tpu.memory_space<vmem_shared>>
    %dma_start3A_144 = tpu.memref_slice %arg6[%add3A_140] : memref<327680xf32, #tpu.memory_space<vmem_shared>> -> memref<640xf32, #tpu.memory_space<vmem_shared>>
    %dma_start3A_145 = arith.constant 7680 : i32
    %dma_start3A_146 = tpu.memref_slice %arg11[%dma_start3A_145] : memref<20480xf32, #tpu.memory_space<vmem>> -> memref<640xf32, #tpu.memory_space<vmem>>
    tpu.enqueue_dma source(%dma_start3A_146 : memref<640xf32, #tpu.memory_space<vmem>>) target(%dma_start3A_144 : memref<640xf32, #tpu.memory_space<vmem_shared>>) target_semaphore(%arg16 : memref<!tpu.dma_semaphore, #tpu.memory_space<semaphore_mem>>)
    %multiple_of3A_147 = arith.constant 133120 : i32
    %multiple_of3A_148 = tpu.assume_multiple %multiple_of3A_147, 8 : i32
    %add3A_149 = arith.addi %multiple_of3A_148, %multiple_of3A_3 : i32
    %dma_start3A_150 = arith.constant 8320 : i32
    %dma_start3A_151 = tpu.memref_slice %arg11[%dma_start3A_150] : memref<20480xf32, #tpu.memory_space<vmem>> -> memref<640xf32, #tpu.memory_space<vmem>>
    %dma_start3A_152 = tpu.memref_slice %arg6[%add3A_149] : memref<327680xf32, #tpu.memory_space<vmem_shared>> -> memref<640xf32, #tpu.memory_space<vmem_shared>>
    %dma_start3A_153 = tpu.memref_slice %arg6[%add3A_149] : memref<327680xf32, #tpu.memory_space<vmem_shared>> -> memref<640xf32, #tpu.memory_space<vmem_shared>>
    %dma_start3A_154 = arith.constant 8320 : i32
    %dma_start3A_155 = tpu.memref_slice %arg11[%dma_start3A_154] : memref<20480xf32, #tpu.memory_space<vmem>> -> memref<640xf32, #tpu.memory_space<vmem>>
    tpu.enqueue_dma source(%dma_start3A_155 : memref<640xf32, #tpu.memory_space<vmem>>) target(%dma_start3A_153 : memref<640xf32, #tpu.memory_space<vmem_shared>>) target_semaphore(%arg16 : memref<!tpu.dma_semaphore, #tpu.memory_space<semaphore_mem>>)
    %multiple_of3A_156 = arith.constant 143360 : i32
    %multiple_of3A_157 = tpu.assume_multiple %multiple_of3A_156, 8 : i32
    %add3A_158 = arith.addi %multiple_of3A_157, %multiple_of3A_3 : i32
    %dma_start3A_159 = arith.constant 8960 : i32
    %dma_start3A_160 = tpu.memref_slice %arg11[%dma_start3A_159] : memref<20480xf32, #tpu.memory_space<vmem>> -> memref<640xf32, #tpu.memory_space<vmem>>
    %dma_start3A_161 = tpu.memref_slice %arg6[%add3A_158] : memref<327680xf32, #tpu.memory_space<vmem_shared>> -> memref<640xf32, #tpu.memory_space<vmem_shared>>
    %dma_start3A_162 = tpu.memref_slice %arg6[%add3A_158] : memref<327680xf32, #tpu.memory_space<vmem_shared>> -> memref<640xf32, #tpu.memory_space<vmem_shared>>
    %dma_start3A_163 = arith.constant 8960 : i32
    %dma_start3A_164 = tpu.memref_slice %arg11[%dma_start3A_163] : memref<20480xf32, #tpu.memory_space<vmem>> -> memref<640xf32, #tpu.memory_space<vmem>>
    tpu.enqueue_dma source(%dma_start3A_164 : memref<640xf32, #tpu.memory_space<vmem>>) target(%dma_start3A_162 : memref<640xf32, #tpu.memory_space<vmem_shared>>) target_semaphore(%arg16 : memref<!tpu.dma_semaphore, #tpu.memory_space<semaphore_mem>>)
    %multiple_of3A_165 = arith.constant 153600 : i32
    %multiple_of3A_166 = tpu.assume_multiple %multiple_of3A_165, 8 : i32
    %add3A_167 = arith.addi %multiple_of3A_166, %multiple_of3A_3 : i32
    %dma_start3A_168 = arith.constant 9600 : i32
    %dma_start3A_169 = tpu.memref_slice %arg11[%dma_start3A_168] : memref<20480xf32, #tpu.memory_space<vmem>> -> memref<640xf32, #tpu.memory_space<vmem>>
    %dma_start3A_170 = tpu.memref_slice %arg6[%add3A_167] : memref<327680xf32, #tpu.memory_space<vmem_shared>> -> memref<640xf32, #tpu.memory_space<vmem_shared>>
    %dma_start3A_171 = tpu.memref_slice %arg6[%add3A_167] : memref<327680xf32, #tpu.memory_space<vmem_shared>> -> memref<640xf32, #tpu.memory_space<vmem_shared>>
    %dma_start3A_172 = arith.constant 9600 : i32
    %dma_start3A_173 = tpu.memref_slice %arg11[%dma_start3A_172] : memref<20480xf32, #tpu.memory_space<vmem>> -> memref<640xf32, #tpu.memory_space<vmem>>
    tpu.enqueue_dma source(%dma_start3A_173 : memref<640xf32, #tpu.memory_space<vmem>>) target(%dma_start3A_171 : memref<640xf32, #tpu.memory_space<vmem_shared>>) target_semaphore(%arg16 : memref<!tpu.dma_semaphore, #tpu.memory_space<semaphore_mem>>)
    %dma_wait3A = arith.constant 0 : i32
    %dma_wait3A_174 = tpu.memref_slice %arg11[%dma_wait3A] : memref<20480xf32, #tpu.memory_space<vmem>> -> memref<640xf32, #tpu.memory_space<vmem>>
    %dma_wait3A_175 = tpu.memref_slice %arg6[%add3A_33] : memref<327680xf32, #tpu.memory_space<vmem_shared>> -> memref<640xf32, #tpu.memory_space<vmem_shared>>
    %dma_wait3A_176 = tpu.memref_slice %arg6[%add3A_33] : memref<327680xf32, #tpu.memory_space<vmem_shared>> -> memref<640xf32, #tpu.memory_space<vmem_shared>>
    %dma_wait3A_177 = arith.constant 0 : i32
    %dma_wait3A_178 = tpu.memref_slice %arg11[%dma_wait3A_177] : memref<20480xf32, #tpu.memory_space<vmem>> -> memref<640xf32, #tpu.memory_space<vmem>>
    tpu.wait_dma2 semaphore(%arg16 : memref<!tpu.dma_semaphore, #tpu.memory_space<semaphore_mem>>) src(%dma_wait3A_178 : memref<640xf32, #tpu.memory_space<vmem>>) dst(%dma_wait3A_176 : memref<640xf32, #tpu.memory_space<vmem_shared>>)
    %dma_wait3A_179 = arith.constant 640 : i32
    %dma_wait3A_180 = tpu.memref_slice %arg11[%dma_wait3A_179] : memref<20480xf32, #tpu.memory_space<vmem>> -> memref<640xf32, #tpu.memory_space<vmem>>
    %dma_wait3A_181 = tpu.memref_slice %arg6[%add3A_41] : memref<327680xf32, #tpu.memory_space<vmem_shared>> -> memref<640xf32, #tpu.memory_space<vmem_shared>>
    %dma_wait3A_182 = tpu.memref_slice %arg6[%add3A_41] : memref<327680xf32, #tpu.memory_space<vmem_shared>> -> memref<640xf32, #tpu.memory_space<vmem_shared>>
    %dma_wait3A_183 = arith.constant 640 : i32
    %dma_wait3A_184 = tpu.memref_slice %arg11[%dma_wait3A_183] : memref<20480xf32, #tpu.memory_space<vmem>> -> memref<640xf32, #tpu.memory_space<vmem>>
    tpu.wait_dma2 semaphore(%arg16 : memref<!tpu.dma_semaphore, #tpu.memory_space<semaphore_mem>>) src(%dma_wait3A_184 : memref<640xf32, #tpu.memory_space<vmem>>) dst(%dma_wait3A_182 : memref<640xf32, #tpu.memory_space<vmem_shared>>)
    %dma_wait3A_185 = arith.constant 1280 : i32
    %dma_wait3A_186 = tpu.memref_slice %arg11[%dma_wait3A_185] : memref<20480xf32, #tpu.memory_space<vmem>> -> memref<640xf32, #tpu.memory_space<vmem>>
    %dma_wait3A_187 = tpu.memref_slice %arg6[%add3A_50] : memref<327680xf32, #tpu.memory_space<vmem_shared>> -> memref<640xf32, #tpu.memory_space<vmem_shared>>
    %dma_wait3A_188 = tpu.memref_slice %arg6[%add3A_50] : memref<327680xf32, #tpu.memory_space<vmem_shared>> -> memref<640xf32, #tpu.memory_space<vmem_shared>>
    %dma_wait3A_189 = arith.constant 1280 : i32
    %dma_wait3A_190 = tpu.memref_slice %arg11[%dma_wait3A_189] : memref<20480xf32, #tpu.memory_space<vmem>> -> memref<640xf32, #tpu.memory_space<vmem>>
    tpu.wait_dma2 semaphore(%arg16 : memref<!tpu.dma_semaphore, #tpu.memory_space<semaphore_mem>>) src(%dma_wait3A_190 : memref<640xf32, #tpu.memory_space<vmem>>) dst(%dma_wait3A_188 : memref<640xf32, #tpu.memory_space<vmem_shared>>)
    %dma_wait3A_191 = arith.constant 1920 : i32
    %dma_wait3A_192 = tpu.memref_slice %arg11[%dma_wait3A_191] : memref<20480xf32, #tpu.memory_space<vmem>> -> memref<640xf32, #tpu.memory_space<vmem>>
    %dma_wait3A_193 = tpu.memref_slice %arg6[%add3A_59] : memref<327680xf32, #tpu.memory_space<vmem_shared>> -> memref<640xf32, #tpu.memory_space<vmem_shared>>
    %dma_wait3A_194 = tpu.memref_slice %arg6[%add3A_59] : memref<327680xf32, #tpu.memory_space<vmem_shared>> -> memref<640xf32, #tpu.memory_space<vmem_shared>>
    %dma_wait3A_195 = arith.constant 1920 : i32
    %dma_wait3A_196 = tpu.memref_slice %arg11[%dma_wait3A_195] : memref<20480xf32, #tpu.memory_space<vmem>> -> memref<640xf32, #tpu.memory_space<vmem>>
    tpu.wait_dma2 semaphore(%arg16 : memref<!tpu.dma_semaphore, #tpu.memory_space<semaphore_mem>>) src(%dma_wait3A_196 : memref<640xf32, #tpu.memory_space<vmem>>) dst(%dma_wait3A_194 : memref<640xf32, #tpu.memory_space<vmem_shared>>)
    %dma_wait3A_197 = arith.constant 2560 : i32
    %dma_wait3A_198 = tpu.memref_slice %arg11[%dma_wait3A_197] : memref<20480xf32, #tpu.memory_space<vmem>> -> memref<640xf32, #tpu.memory_space<vmem>>
    %dma_wait3A_199 = tpu.memref_slice %arg6[%add3A_68] : memref<327680xf32, #tpu.memory_space<vmem_shared>> -> memref<640xf32, #tpu.memory_space<vmem_shared>>
    %dma_wait3A_200 = tpu.memref_slice %arg6[%add3A_68] : memref<327680xf32, #tpu.memory_space<vmem_shared>> -> memref<640xf32, #tpu.memory_space<vmem_shared>>
    %dma_wait3A_201 = arith.constant 2560 : i32
    %dma_wait3A_202 = tpu.memref_slice %arg11[%dma_wait3A_201] : memref<20480xf32, #tpu.memory_space<vmem>> -> memref<640xf32, #tpu.memory_space<vmem>>
    tpu.wait_dma2 semaphore(%arg16 : memref<!tpu.dma_semaphore, #tpu.memory_space<semaphore_mem>>) src(%dma_wait3A_202 : memref<640xf32, #tpu.memory_space<vmem>>) dst(%dma_wait3A_200 : memref<640xf32, #tpu.memory_space<vmem_shared>>)
    %dma_wait3A_203 = arith.constant 3200 : i32
    %dma_wait3A_204 = tpu.memref_slice %arg11[%dma_wait3A_203] : memref<20480xf32, #tpu.memory_space<vmem>> -> memref<640xf32, #tpu.memory_space<vmem>>
    %dma_wait3A_205 = tpu.memref_slice %arg6[%add3A_77] : memref<327680xf32, #tpu.memory_space<vmem_shared>> -> memref<640xf32, #tpu.memory_space<vmem_shared>>
    %dma_wait3A_206 = tpu.memref_slice %arg6[%add3A_77] : memref<327680xf32, #tpu.memory_space<vmem_shared>> -> memref<640xf32, #tpu.memory_space<vmem_shared>>
    %dma_wait3A_207 = arith.constant 3200 : i32
    %dma_wait3A_208 = tpu.memref_slice %arg11[%dma_wait3A_207] : memref<20480xf32, #tpu.memory_space<vmem>> -> memref<640xf32, #tpu.memory_space<vmem>>
    tpu.wait_dma2 semaphore(%arg16 : memref<!tpu.dma_semaphore, #tpu.memory_space<semaphore_mem>>) src(%dma_wait3A_208 : memref<640xf32, #tpu.memory_space<vmem>>) dst(%dma_wait3A_206 : memref<640xf32, #tpu.memory_space<vmem_shared>>)
    %dma_wait3A_209 = arith.constant 3840 : i32
    %dma_wait3A_210 = tpu.memref_slice %arg11[%dma_wait3A_209] : memref<20480xf32, #tpu.memory_space<vmem>> -> memref<640xf32, #tpu.memory_space<vmem>>
    %dma_wait3A_211 = tpu.memref_slice %arg6[%add3A_86] : memref<327680xf32, #tpu.memory_space<vmem_shared>> -> memref<640xf32, #tpu.memory_space<vmem_shared>>
    %dma_wait3A_212 = tpu.memref_slice %arg6[%add3A_86] : memref<327680xf32, #tpu.memory_space<vmem_shared>> -> memref<640xf32, #tpu.memory_space<vmem_shared>>
    %dma_wait3A_213 = arith.constant 3840 : i32
    %dma_wait3A_214 = tpu.memref_slice %arg11[%dma_wait3A_213] : memref<20480xf32, #tpu.memory_space<vmem>> -> memref<640xf32, #tpu.memory_space<vmem>>
    tpu.wait_dma2 semaphore(%arg16 : memref<!tpu.dma_semaphore, #tpu.memory_space<semaphore_mem>>) src(%dma_wait3A_214 : memref<640xf32, #tpu.memory_space<vmem>>) dst(%dma_wait3A_212 : memref<640xf32, #tpu.memory_space<vmem_shared>>)
    %dma_wait3A_215 = arith.constant 4480 : i32
    %dma_wait3A_216 = tpu.memref_slice %arg11[%dma_wait3A_215] : memref<20480xf32, #tpu.memory_space<vmem>> -> memref<640xf32, #tpu.memory_space<vmem>>
    %dma_wait3A_217 = tpu.memref_slice %arg6[%add3A_95] : memref<327680xf32, #tpu.memory_space<vmem_shared>> -> memref<640xf32, #tpu.memory_space<vmem_shared>>
    %dma_wait3A_218 = tpu.memref_slice %arg6[%add3A_95] : memref<327680xf32, #tpu.memory_space<vmem_shared>> -> memref<640xf32, #tpu.memory_space<vmem_shared>>
    %dma_wait3A_219 = arith.constant 4480 : i32
    %dma_wait3A_220 = tpu.memref_slice %arg11[%dma_wait3A_219] : memref<20480xf32, #tpu.memory_space<vmem>> -> memref<640xf32, #tpu.memory_space<vmem>>
    tpu.wait_dma2 semaphore(%arg16 : memref<!tpu.dma_semaphore, #tpu.memory_space<semaphore_mem>>) src(%dma_wait3A_220 : memref<640xf32, #tpu.memory_space<vmem>>) dst(%dma_wait3A_218 : memref<640xf32, #tpu.memory_space<vmem_shared>>)
    %dma_wait3A_221 = arith.constant 5120 : i32
    %dma_wait3A_222 = tpu.memref_slice %arg11[%dma_wait3A_221] : memref<20480xf32, #tpu.memory_space<vmem>> -> memref<640xf32, #tpu.memory_space<vmem>>
    %dma_wait3A_223 = tpu.memref_slice %arg6[%add3A_104] : memref<327680xf32, #tpu.memory_space<vmem_shared>> -> memref<640xf32, #tpu.memory_space<vmem_shared>>
    %dma_wait3A_224 = tpu.memref_slice %arg6[%add3A_104] : memref<327680xf32, #tpu.memory_space<vmem_shared>> -> memref<640xf32, #tpu.memory_space<vmem_shared>>
    %dma_wait3A_225 = arith.constant 5120 : i32
    %dma_wait3A_226 = tpu.memref_slice %arg11[%dma_wait3A_225] : memref<20480xf32, #tpu.memory_space<vmem>> -> memref<640xf32, #tpu.memory_space<vmem>>
    tpu.wait_dma2 semaphore(%arg16 : memref<!tpu.dma_semaphore, #tpu.memory_space<semaphore_mem>>) src(%dma_wait3A_226 : memref<640xf32, #tpu.memory_space<vmem>>) dst(%dma_wait3A_224 : memref<640xf32, #tpu.memory_space<vmem_shared>>)
    %dma_wait3A_227 = arith.constant 5760 : i32
    %dma_wait3A_228 = tpu.memref_slice %arg11[%dma_wait3A_227] : memref<20480xf32, #tpu.memory_space<vmem>> -> memref<640xf32, #tpu.memory_space<vmem>>
    %dma_wait3A_229 = tpu.memref_slice %arg6[%add3A_113] : memref<327680xf32, #tpu.memory_space<vmem_shared>> -> memref<640xf32, #tpu.memory_space<vmem_shared>>
    %dma_wait3A_230 = tpu.memref_slice %arg6[%add3A_113] : memref<327680xf32, #tpu.memory_space<vmem_shared>> -> memref<640xf32, #tpu.memory_space<vmem_shared>>
    %dma_wait3A_231 = arith.constant 5760 : i32
    %dma_wait3A_232 = tpu.memref_slice %arg11[%dma_wait3A_231] : memref<20480xf32, #tpu.memory_space<vmem>> -> memref<640xf32, #tpu.memory_space<vmem>>
    tpu.wait_dma2 semaphore(%arg16 : memref<!tpu.dma_semaphore, #tpu.memory_space<semaphore_mem>>) src(%dma_wait3A_232 : memref<640xf32, #tpu.memory_space<vmem>>) dst(%dma_wait3A_230 : memref<640xf32, #tpu.memory_space<vmem_shared>>)
    %dma_wait3A_233 = arith.constant 6400 : i32
    %dma_wait3A_234 = tpu.memref_slice %arg11[%dma_wait3A_233] : memref<20480xf32, #tpu.memory_space<vmem>> -> memref<640xf32, #tpu.memory_space<vmem>>
    %dma_wait3A_235 = tpu.memref_slice %arg6[%add3A_122] : memref<327680xf32, #tpu.memory_space<vmem_shared>> -> memref<640xf32, #tpu.memory_space<vmem_shared>>
    %dma_wait3A_236 = tpu.memref_slice %arg6[%add3A_122] : memref<327680xf32, #tpu.memory_space<vmem_shared>> -> memref<640xf32, #tpu.memory_space<vmem_shared>>
    %dma_wait3A_237 = arith.constant 6400 : i32
    %dma_wait3A_238 = tpu.memref_slice %arg11[%dma_wait3A_237] : memref<20480xf32, #tpu.memory_space<vmem>> -> memref<640xf32, #tpu.memory_space<vmem>>
    tpu.wait_dma2 semaphore(%arg16 : memref<!tpu.dma_semaphore, #tpu.memory_space<semaphore_mem>>) src(%dma_wait3A_238 : memref<640xf32, #tpu.memory_space<vmem>>) dst(%dma_wait3A_236 : memref<640xf32, #tpu.memory_space<vmem_shared>>)
    %dma_wait3A_239 = arith.constant 7040 : i32
    %dma_wait3A_240 = tpu.memref_slice %arg11[%dma_wait3A_239] : memref<20480xf32, #tpu.memory_space<vmem>> -> memref<640xf32, #tpu.memory_space<vmem>>
    %dma_wait3A_241 = tpu.memref_slice %arg6[%add3A_131] : memref<327680xf32, #tpu.memory_space<vmem_shared>> -> memref<640xf32, #tpu.memory_space<vmem_shared>>
    %dma_wait3A_242 = tpu.memref_slice %arg6[%add3A_131] : memref<327680xf32, #tpu.memory_space<vmem_shared>> -> memref<640xf32, #tpu.memory_space<vmem_shared>>
    %dma_wait3A_243 = arith.constant 7040 : i32
    %dma_wait3A_244 = tpu.memref_slice %arg11[%dma_wait3A_243] : memref<20480xf32, #tpu.memory_space<vmem>> -> memref<640xf32, #tpu.memory_space<vmem>>
    tpu.wait_dma2 semaphore(%arg16 : memref<!tpu.dma_semaphore, #tpu.memory_space<semaphore_mem>>) src(%dma_wait3A_244 : memref<640xf32, #tpu.memory_space<vmem>>) dst(%dma_wait3A_242 : memref<640xf32, #tpu.memory_space<vmem_shared>>)
    %dma_wait3A_245 = arith.constant 7680 : i32
    %dma_wait3A_246 = tpu.memref_slice %arg11[%dma_wait3A_245] : memref<20480xf32, #tpu.memory_space<vmem>> -> memref<640xf32, #tpu.memory_space<vmem>>
    %dma_wait3A_247 = tpu.memref_slice %arg6[%add3A_140] : memref<327680xf32, #tpu.memory_space<vmem_shared>> -> memref<640xf32, #tpu.memory_space<vmem_shared>>
    %dma_wait3A_248 = tpu.memref_slice %arg6[%add3A_140] : memref<327680xf32, #tpu.memory_space<vmem_shared>> -> memref<640xf32, #tpu.memory_space<vmem_shared>>
    %dma_wait3A_249 = arith.constant 7680 : i32
    %dma_wait3A_250 = tpu.memref_slice %arg11[%dma_wait3A_249] : memref<20480xf32, #tpu.memory_space<vmem>> -> memref<640xf32, #tpu.memory_space<vmem>>
    tpu.wait_dma2 semaphore(%arg16 : memref<!tpu.dma_semaphore, #tpu.memory_space<semaphore_mem>>) src(%dma_wait3A_250 : memref<640xf32, #tpu.memory_space<vmem>>) dst(%dma_wait3A_248 : memref<640xf32, #tpu.memory_space<vmem_shared>>)
    %dma_wait3A_251 = arith.constant 8320 : i32
    %dma_wait3A_252 = tpu.memref_slice %arg11[%dma_wait3A_251] : memref<20480xf32, #tpu.memory_space<vmem>> -> memref<640xf32, #tpu.memory_space<vmem>>
    %dma_wait3A_253 = tpu.memref_slice %arg6[%add3A_149] : memref<327680xf32, #tpu.memory_space<vmem_shared>> -> memref<640xf32, #tpu.memory_space<vmem_shared>>
    %dma_wait3A_254 = tpu.memref_slice %arg6[%add3A_149] : memref<327680xf32, #tpu.memory_space<vmem_shared>> -> memref<640xf32, #tpu.memory_space<vmem_shared>>
    %dma_wait3A_255 = arith.constant 8320 : i32
    %dma_wait3A_256 = tpu.memref_slice %arg11[%dma_wait3A_255] : memref<20480xf32, #tpu.memory_space<vmem>> -> memref<640xf32, #tpu.memory_space<vmem>>
    tpu.wait_dma2 semaphore(%arg16 : memref<!tpu.dma_semaphore, #tpu.memory_space<semaphore_mem>>) src(%dma_wait3A_256 : memref<640xf32, #tpu.memory_space<vmem>>) dst(%dma_wait3A_254 : memref<640xf32, #tpu.memory_space<vmem_shared>>)
    %dma_wait3A_257 = arith.constant 8960 : i32
    %dma_wait3A_258 = tpu.memref_slice %arg11[%dma_wait3A_257] : memref<20480xf32, #tpu.memory_space<vmem>> -> memref<640xf32, #tpu.memory_space<vmem>>
    %dma_wait3A_259 = tpu.memref_slice %arg6[%add3A_158] : memref<327680xf32, #tpu.memory_space<vmem_shared>> -> memref<640xf32, #tpu.memory_space<vmem_shared>>
    %dma_wait3A_260 = tpu.memref_slice %arg6[%add3A_158] : memref<327680xf32, #tpu.memory_space<vmem_shared>> -> memref<640xf32, #tpu.memory_space<vmem_shared>>
    %dma_wait3A_261 = arith.constant 8960 : i32
    %dma_wait3A_262 = tpu.memref_slice %arg11[%dma_wait3A_261] : memref<20480xf32, #tpu.memory_space<vmem>> -> memref<640xf32, #tpu.memory_space<vmem>>
    tpu.wait_dma2 semaphore(%arg16 : memref<!tpu.dma_semaphore, #tpu.memory_space<semaphore_mem>>) src(%dma_wait3A_262 : memref<640xf32, #tpu.memory_space<vmem>>) dst(%dma_wait3A_260 : memref<640xf32, #tpu.memory_space<vmem_shared>>)
    %dma_wait3A_263 = arith.constant 9600 : i32
    %dma_wait3A_264 = tpu.memref_slice %arg11[%dma_wait3A_263] : memref<20480xf32, #tpu.memory_space<vmem>> -> memref<640xf32, #tpu.memory_space<vmem>>
    %dma_wait3A_265 = tpu.memref_slice %arg6[%add3A_167] : memref<327680xf32, #tpu.memory_space<vmem_shared>> -> memref<640xf32, #tpu.memory_space<vmem_shared>>
    %dma_wait3A_266 = tpu.memref_slice %arg6[%add3A_167] : memref<327680xf32, #tpu.memory_space<vmem_shared>> -> memref<640xf32, #tpu.memory_space<vmem_shared>>
    %dma_wait3A_267 = arith.constant 9600 : i32
    %dma_wait3A_268 = tpu.memref_slice %arg11[%dma_wait3A_267] : memref<20480xf32, #tpu.memory_space<vmem>> -> memref<640xf32, #tpu.memory_space<vmem>>
    tpu.wait_dma2 semaphore(%arg16 : memref<!tpu.dma_semaphore, #tpu.memory_space<semaphore_mem>>) src(%dma_wait3A_268 : memref<640xf32, #tpu.memory_space<vmem>>) dst(%dma_wait3A_266 : memref<640xf32, #tpu.memory_space<vmem_shared>>)
    %barrier3A = arith.constant 0 : index
    tpu.barrier barrier_id(%barrier3A)
    %multiple_of3A_269 = arith.constant 0 : i32
    %multiple_of3A_270 = tpu.assume_multiple %multiple_of3A_269, 8 : i32
    %add3A_271 = arith.addi %multiple_of3A_270, %multiple_of3A_6 : i32
    "tpu.region"() ({
      %run_scoped3A = tpu.sem_alloc : memref<!tpu.dma_semaphore, #tpu.memory_space<semaphore_mem>>
      %dma_start3A_308 = tpu.memref_slice %arg6[%add3A_271] : memref<327680xf32, #tpu.memory_space<vmem_shared>> -> memref<10240xf32, #tpu.memory_space<vmem_shared>>
      %dma_start3A_309 = tpu.memref_slice %arg6[%add3A_271] : memref<327680xf32, #tpu.memory_space<vmem_shared>> -> memref<10240xf32, #tpu.memory_space<vmem_shared>>
      tpu.enqueue_dma source(%dma_start3A_309 : memref<10240xf32, #tpu.memory_space<vmem_shared>>) target(%arg12 : memref<10240xf32, #tpu.memory_space<vmem>>) target_semaphore(%run_scoped3A : memref<!tpu.dma_semaphore, #tpu.memory_space<semaphore_mem>>)
      %dma_wait3A_310 = tpu.memref_slice %arg6[%add3A_271] : memref<327680xf32, #tpu.memory_space<vmem_shared>> -> memref<10240xf32, #tpu.memory_space<vmem_shared>>
      %dma_wait3A_311 = tpu.memref_slice %arg6[%add3A_271] : memref<327680xf32, #tpu.memory_space<vmem_shared>> -> memref<10240xf32, #tpu.memory_space<vmem_shared>>
      tpu.wait_dma2 semaphore(%run_scoped3A : memref<!tpu.dma_semaphore, #tpu.memory_space<semaphore_mem>>) src(%dma_wait3A_311 : memref<10240xf32, #tpu.memory_space<vmem_shared>>) dst(%arg12 : memref<10240xf32, #tpu.memory_space<vmem>>)
      tpu.yield
    }) : () -> ()
    %scan3A_272 = arith.constant 0 : i32
    %scan3A_273 = arith.constant 40 : i32
    %scan3A_274 = arith.addi %scan3A_272, %scan3A_273 : i32
    %scan3A_275 = arith.constant 1 : i32
    scf.for %scan3A_308 = %scan3A_272 to %scan3A_274 step %scan3A_275  : i32 {
      %mul3A_309 = arith.constant 16 : i32
      %mul3A_310 = arith.muli %scan3A_308, %mul3A_309 : i32
      %multiple_of3A_311 = tpu.assume_multiple %mul3A_310, 8 : i32
      %mul3A_312 = arith.constant 16 : i32
      %mul3A_313 = arith.muli %scan3A_308, %mul3A_312 : i32
      %multiple_of3A_314 = tpu.assume_multiple %mul3A_313, 8 : i32
      %get3A = arith.index_cast %multiple_of3A_314 : i32 to index
      %get3A_315 = tpu.vector_load %arg12[%get3A] {strides = array<i32>} : memref<10240xf32, #tpu.memory_space<vmem>>, vector<16xf32>,
      %mul3A_316 = arith.constant 16 : i32
      %mul3A_317 = arith.muli %scan3A_308, %mul3A_316 : i32
      %add3A_318 = arith.constant 640 : i32
      %add3A_319 = arith.addi %add3A_318, %mul3A_317 : i32
      %multiple_of3A_320 = tpu.assume_multiple %add3A_319, 8 : i32
      %get3A_321 = arith.index_cast %multiple_of3A_320 : i32 to index
      %get3A_322 = tpu.vector_load %arg12[%get3A_321] {strides = array<i32>} : memref<10240xf32, #tpu.memory_space<vmem>>, vector<16xf32>,
      %add3A_323 = arith.addf %get3A_315, %get3A_322 : vector<16xf32>
      %mul3A_324 = arith.constant 16 : i32
      %mul3A_325 = arith.muli %scan3A_308, %mul3A_324 : i32
      %add3A_326 = arith.constant 1280 : i32
      %add3A_327 = arith.addi %add3A_326, %mul3A_325 : i32
      %multiple_of3A_328 = tpu.assume_multiple %add3A_327, 8 : i32
      %get3A_329 = arith.index_cast %multiple_of3A_328 : i32 to index
      %get3A_330 = tpu.vector_load %arg12[%get3A_329] {strides = array<i32>} : memref<10240xf32, #tpu.memory_space<vmem>>, vector<16xf32>,
      %add3A_331 = arith.addf %add3A_323, %get3A_330 : vector<16xf32>
      %mul3A_332 = arith.constant 16 : i32
      %mul3A_333 = arith.muli %scan3A_308, %mul3A_332 : i32
      %add3A_334 = arith.constant 1920 : i32
      %add3A_335 = arith.addi %add3A_334, %mul3A_333 : i32
      %multiple_of3A_336 = tpu.assume_multiple %add3A_335, 8 : i32
      %get3A_337 = arith.index_cast %multiple_of3A_336 : i32 to index
      %get3A_338 = tpu.vector_load %arg12[%get3A_337] {strides = array<i32>} : memref<10240xf32, #tpu.memory_space<vmem>>, vector<16xf32>,
      %add3A_339 = arith.addf %add3A_331, %get3A_338 : vector<16xf32>
      %mul3A_340 = arith.constant 16 : i32
      %mul3A_341 = arith.muli %scan3A_308, %mul3A_340 : i32
      %add3A_342 = arith.constant 2560 : i32
      %add3A_343 = arith.addi %add3A_342, %mul3A_341 : i32
      %multiple_of3A_344 = tpu.assume_multiple %add3A_343, 8 : i32
      %get3A_345 = arith.index_cast %multiple_of3A_344 : i32 to index
      %get3A_346 = tpu.vector_load %arg12[%get3A_345] {strides = array<i32>} : memref<10240xf32, #tpu.memory_space<vmem>>, vector<16xf32>,
      %add3A_347 = arith.addf %add3A_339, %get3A_346 : vector<16xf32>
      %mul3A_348 = arith.constant 16 : i32
      %mul3A_349 = arith.muli %scan3A_308, %mul3A_348 : i32
      %add3A_350 = arith.constant 3200 : i32
      %add3A_351 = arith.addi %add3A_350, %mul3A_349 : i32
      %multiple_of3A_352 = tpu.assume_multiple %add3A_351, 8 : i32
      %get3A_353 = arith.index_cast %multiple_of3A_352 : i32 to index
      %get3A_354 = tpu.vector_load %arg12[%get3A_353] {strides = array<i32>} : memref<10240xf32, #tpu.memory_space<vmem>>, vector<16xf32>,
      %add3A_355 = arith.addf %add3A_347, %get3A_354 : vector<16xf32>
      %mul3A_356 = arith.constant 16 : i32
      %mul3A_357 = arith.muli %scan3A_308, %mul3A_356 : i32
      %add3A_358 = arith.constant 3840 : i32
      %add3A_359 = arith.addi %add3A_358, %mul3A_357 : i32
      %multiple_of3A_360 = tpu.assume_multiple %add3A_359, 8 : i32
      %get3A_361 = arith.index_cast %multiple_of3A_360 : i32 to index
      %get3A_362 = tpu.vector_load %arg12[%get3A_361] {strides = array<i32>} : memref<10240xf32, #tpu.memory_space<vmem>>, vector<16xf32>,
      %add3A_363 = arith.addf %add3A_355, %get3A_362 : vector<16xf32>
      %mul3A_364 = arith.constant 16 : i32
      %mul3A_365 = arith.muli %scan3A_308, %mul3A_364 : i32
      %add3A_366 = arith.constant 4480 : i32
      %add3A_367 = arith.addi %add3A_366, %mul3A_365 : i32
      %multiple_of3A_368 = tpu.assume_multiple %add3A_367, 8 : i32
      %get3A_369 = arith.index_cast %multiple_of3A_368 : i32 to index
      %get3A_370 = tpu.vector_load %arg12[%get3A_369] {strides = array<i32>} : memref<10240xf32, #tpu.memory_space<vmem>>, vector<16xf32>,
      %add3A_371 = arith.addf %add3A_363, %get3A_370 : vector<16xf32>
      %mul3A_372 = arith.constant 16 : i32
      %mul3A_373 = arith.muli %scan3A_308, %mul3A_372 : i32
      %add3A_374 = arith.constant 5120 : i32
      %add3A_375 = arith.addi %add3A_374, %mul3A_373 : i32
      %multiple_of3A_376 = tpu.assume_multiple %add3A_375, 8 : i32
      %get3A_377 = arith.index_cast %multiple_of3A_376 : i32 to index
      %get3A_378 = tpu.vector_load %arg12[%get3A_377] {strides = array<i32>} : memref<10240xf32, #tpu.memory_space<vmem>>, vector<16xf32>,
      %add3A_379 = arith.addf %add3A_371, %get3A_378 : vector<16xf32>
      %mul3A_380 = arith.constant 16 : i32
      %mul3A_381 = arith.muli %scan3A_308, %mul3A_380 : i32
      %add3A_382 = arith.constant 5760 : i32
      %add3A_383 = arith.addi %add3A_382, %mul3A_381 : i32
      %multiple_of3A_384 = tpu.assume_multiple %add3A_383, 8 : i32
      %get3A_385 = arith.index_cast %multiple_of3A_384 : i32 to index
      %get3A_386 = tpu.vector_load %arg12[%get3A_385] {strides = array<i32>} : memref<10240xf32, #tpu.memory_space<vmem>>, vector<16xf32>,
      %add3A_387 = arith.addf %add3A_379, %get3A_386 : vector<16xf32>
      %mul3A_388 = arith.constant 16 : i32
      %mul3A_389 = arith.muli %scan3A_308, %mul3A_388 : i32
      %add3A_390 = arith.constant 6400 : i32
      %add3A_391 = arith.addi %add3A_390, %mul3A_389 : i32
      %multiple_of3A_392 = tpu.assume_multiple %add3A_391, 8 : i32
      %get3A_393 = arith.index_cast %multiple_of3A_392 : i32 to index
      %get3A_394 = tpu.vector_load %arg12[%get3A_393] {strides = array<i32>} : memref<10240xf32, #tpu.memory_space<vmem>>, vector<16xf32>,
      %add3A_395 = arith.addf %add3A_387, %get3A_394 : vector<16xf32>
      %mul3A_396 = arith.constant 16 : i32
      %mul3A_397 = arith.muli %scan3A_308, %mul3A_396 : i32
      %add3A_398 = arith.constant 7040 : i32
      %add3A_399 = arith.addi %add3A_398, %mul3A_397 : i32
      %multiple_of3A_400 = tpu.assume_multiple %add3A_399, 8 : i32
      %get3A_401 = arith.index_cast %multiple_of3A_400 : i32 to index
      %get3A_402 = tpu.vector_load %arg12[%get3A_401] {strides = array<i32>} : memref<10240xf32, #tpu.memory_space<vmem>>, vector<16xf32>,
      %add3A_403 = arith.addf %add3A_395, %get3A_402 : vector<16xf32>
      %mul3A_404 = arith.constant 16 : i32
      %mul3A_405 = arith.muli %scan3A_308, %mul3A_404 : i32
      %add3A_406 = arith.constant 7680 : i32
      %add3A_407 = arith.addi %add3A_406, %mul3A_405 : i32
      %multiple_of3A_408 = tpu.assume_multiple %add3A_407, 8 : i32
      %get3A_409 = arith.index_cast %multiple_of3A_408 : i32 to index
      %get3A_410 = tpu.vector_load %arg12[%get3A_409] {strides = array<i32>} : memref<10240xf32, #tpu.memory_space<vmem>>, vector<16xf32>,
      %add3A_411 = arith.addf %add3A_403, %get3A_410 : vector<16xf32>
      %mul3A_412 = arith.constant 16 : i32
      %mul3A_413 = arith.muli %scan3A_308, %mul3A_412 : i32
      %add3A_414 = arith.constant 8320 : i32
      %add3A_415 = arith.addi %add3A_414, %mul3A_413 : i32
      %multiple_of3A_416 = tpu.assume_multiple %add3A_415, 8 : i32
      %get3A_417 = arith.index_cast %multiple_of3A_416 : i32 to index
      %get3A_418 = tpu.vector_load %arg12[%get3A_417] {strides = array<i32>} : memref<10240xf32, #tpu.memory_space<vmem>>, vector<16xf32>,
      %add3A_419 = arith.addf %add3A_411, %get3A_418 : vector<16xf32>
      %mul3A_420 = arith.constant 16 : i32
      %mul3A_421 = arith.muli %scan3A_308, %mul3A_420 : i32
      %add3A_422 = arith.constant 8960 : i32
      %add3A_423 = arith.addi %add3A_422, %mul3A_421 : i32
      %multiple_of3A_424 = tpu.assume_multiple %add3A_423, 8 : i32
      %get3A_425 = arith.index_cast %multiple_of3A_424 : i32 to index
      %get3A_426 = tpu.vector_load %arg12[%get3A_425] {strides = array<i32>} : memref<10240xf32, #tpu.memory_space<vmem>>, vector<16xf32>,
      %add3A_427 = arith.addf %add3A_419, %get3A_426 : vector<16xf32>
      %mul3A_428 = arith.constant 16 : i32
      %mul3A_429 = arith.muli %scan3A_308, %mul3A_428 : i32
      %add3A_430 = arith.constant 9600 : i32
      %add3A_431 = arith.addi %add3A_430, %mul3A_429 : i32
      %multiple_of3A_432 = tpu.assume_multiple %add3A_431, 8 : i32
      %get3A_433 = arith.index_cast %multiple_of3A_432 : i32 to index
      %get3A_434 = tpu.vector_load %arg12[%get3A_433] {strides = array<i32>} : memref<10240xf32, #tpu.memory_space<vmem>>, vector<16xf32>,
      %add3A_435 = arith.addf %add3A_427, %get3A_434 : vector<16xf32>
      %add3A_436 = arith.constant 1.000000e+00 : f32
      %add3A_437 = vector.broadcast %add3A_436 : f32 to vector<16xf32>
      %add3A_438 = arith.addf %add3A_435, %add3A_437 : vector<16xf32>
      %bitcast3A = vector.bitcast %add3A_438 : vector<16xf32> to vector<16xi32>
      %shift_right_arithmetic3A = arith.constant 1 : i32
      %shift_right_arithmetic3A_439 = vector.broadcast %shift_right_arithmetic3A : i32 to vector<16xi32>
      %shift_right_arithmetic3A_440 = arith.shrsi %bitcast3A, %shift_right_arithmetic3A_439 : vector<16xi32>
      %sub3A = arith.constant 1597463007 : i32
      %sub3A_441 = vector.broadcast %sub3A : i32 to vector<16xi32>
      %sub3A_442 = arith.subi %sub3A_441, %shift_right_arithmetic3A_440 : vector<16xi32>
      %bitcast3A_443 = vector.bitcast %sub3A_442 : vector<16xi32> to vector<16xf32>
      %mul3A_444 = arith.constant 5.000000e-01 : f32
      %mul3A_445 = vector.broadcast %mul3A_444 : f32 to vector<16xf32>
      %mul3A_446 = arith.mulf %mul3A_445, %add3A_438 : vector<16xf32>
      %mul3A_447 = arith.mulf %mul3A_446, %bitcast3A_443 : vector<16xf32>
      %mul3A_448 = arith.mulf %mul3A_447, %bitcast3A_443 : vector<16xf32>
      %sub3A_449 = arith.constant 1.500000e+00 : f32
      %sub3A_450 = vector.broadcast %sub3A_449 : f32 to vector<16xf32>
      %sub3A_451 = arith.subf %sub3A_450, %mul3A_448 : vector<16xf32>
      %mul3A_452 = arith.mulf %bitcast3A_443, %sub3A_451 : vector<16xf32>
      %mul3A_453 = arith.constant 5.000000e-01 : f32
      %mul3A_454 = vector.broadcast %mul3A_453 : f32 to vector<16xf32>
      %mul3A_455 = arith.mulf %mul3A_454, %add3A_438 : vector<16xf32>
      %mul3A_456 = arith.mulf %mul3A_455, %mul3A_452 : vector<16xf32>
      %mul3A_457 = arith.mulf %mul3A_456, %mul3A_452 : vector<16xf32>
      %sub3A_458 = arith.constant 1.500000e+00 : f32
      %sub3A_459 = vector.broadcast %sub3A_458 : f32 to vector<16xf32>
      %sub3A_460 = arith.subf %sub3A_459, %mul3A_457 : vector<16xf32>
      %mul3A_461 = arith.mulf %mul3A_452, %sub3A_460 : vector<16xf32>
      %mul3A_462 = arith.constant 5.000000e-01 : f32
      %mul3A_463 = vector.broadcast %mul3A_462 : f32 to vector<16xf32>
      %mul3A_464 = arith.mulf %mul3A_463, %add3A_438 : vector<16xf32>
      %mul3A_465 = arith.mulf %mul3A_464, %mul3A_461 : vector<16xf32>
      %mul3A_466 = arith.mulf %mul3A_465, %mul3A_461 : vector<16xf32>
      %sub3A_467 = arith.constant 1.500000e+00 : f32
      %sub3A_468 = vector.broadcast %sub3A_467 : f32 to vector<16xf32>
      %sub3A_469 = arith.subf %sub3A_468, %mul3A_466 : vector<16xf32>
      %mul3A_470 = arith.mulf %mul3A_461, %sub3A_469 : vector<16xf32>
      %swap3A = arith.index_cast %multiple_of3A_311 : i32 to index
      %swap3A_471 = tpu.vector_load %arg13[%swap3A] {strides = array<i32>} : memref<640xf32, #tpu.memory_space<vmem>>, vector<16xf32>,
      tpu.vector_store %arg13[%swap3A], %mul3A_470 {strides = array<i32>} : memref<640xf32, #tpu.memory_space<vmem>>, vector<16xf32>,
      %mul3A_472 = arith.mulf %mul3A_470, %mul3A_470 : vector<16xf32>
      %swap3A_473 = arith.index_cast %multiple_of3A_311 : i32 to index
      %swap3A_474 = tpu.vector_load %arg14[%swap3A_473] {strides = array<i32>} : memref<640xf32, #tpu.memory_space<vmem>>, vector<16xf32>,
      tpu.vector_store %arg14[%swap3A_473], %mul3A_472 {strides = array<i32>} : memref<640xf32, #tpu.memory_space<vmem>>, vector<16xf32>,
    }
    %scan3A_276 = arith.constant 40 : i32
    "tpu.region"() ({
      %run_scoped3A = tpu.sem_alloc : memref<!tpu.dma_semaphore, #tpu.memory_space<semaphore_mem>>
      %dma_start3A_308 = tpu.memref_slice %arg7[%multiple_of3A_3] : memref<10240xf32, #tpu.memory_space<vmem_shared>> -> memref<640xf32, #tpu.memory_space<vmem_shared>>
      %dma_start3A_309 = tpu.memref_slice %arg7[%multiple_of3A_3] : memref<10240xf32, #tpu.memory_space<vmem_shared>> -> memref<640xf32, #tpu.memory_space<vmem_shared>>
      tpu.enqueue_dma source(%arg13 : memref<640xf32, #tpu.memory_space<vmem>>) target(%dma_start3A_309 : memref<640xf32, #tpu.memory_space<vmem_shared>>) target_semaphore(%run_scoped3A : memref<!tpu.dma_semaphore, #tpu.memory_space<semaphore_mem>>)
      %dma_wait3A_310 = tpu.memref_slice %arg7[%multiple_of3A_3] : memref<10240xf32, #tpu.memory_space<vmem_shared>> -> memref<640xf32, #tpu.memory_space<vmem_shared>>
      %dma_wait3A_311 = tpu.memref_slice %arg7[%multiple_of3A_3] : memref<10240xf32, #tpu.memory_space<vmem_shared>> -> memref<640xf32, #tpu.memory_space<vmem_shared>>
      tpu.wait_dma2 semaphore(%run_scoped3A : memref<!tpu.dma_semaphore, #tpu.memory_space<semaphore_mem>>) src(%arg13 : memref<640xf32, #tpu.memory_space<vmem>>) dst(%dma_wait3A_311 : memref<640xf32, #tpu.memory_space<vmem_shared>>)
      tpu.yield
    }) : () -> ()
    %barrier3A_277 = arith.constant 0 : index
    tpu.barrier barrier_id(%barrier3A_277)
    "tpu.region"() ({
      %run_scoped3A = tpu.sem_alloc : memref<!tpu.dma_semaphore, #tpu.memory_space<semaphore_mem>>
      %dma_start3A_308 = arith.constant 0 : i32
      %dma_start3A_309 = tpu.memref_slice %arg11[%dma_start3A_308] : memref<20480xf32, #tpu.memory_space<vmem>> -> memref<10240xf32, #tpu.memory_space<vmem>>
      %dma_start3A_310 = arith.constant 0 : i32
      %dma_start3A_311 = tpu.memref_slice %arg11[%dma_start3A_310] : memref<20480xf32, #tpu.memory_space<vmem>> -> memref<10240xf32, #tpu.memory_space<vmem>>
      tpu.enqueue_dma source(%arg7 : memref<10240xf32, #tpu.memory_space<vmem_shared>>) target(%dma_start3A_311 : memref<10240xf32, #tpu.memory_space<vmem>>) target_semaphore(%run_scoped3A : memref<!tpu.dma_semaphore, #tpu.memory_space<semaphore_mem>>)
      %dma_wait3A_312 = arith.constant 0 : i32
      %dma_wait3A_313 = tpu.memref_slice %arg11[%dma_wait3A_312] : memref<20480xf32, #tpu.memory_space<vmem>> -> memref<10240xf32, #tpu.memory_space<vmem>>
      %dma_wait3A_314 = arith.constant 0 : i32
      %dma_wait3A_315 = tpu.memref_slice %arg11[%dma_wait3A_314] : memref<20480xf32, #tpu.memory_space<vmem>> -> memref<10240xf32, #tpu.memory_space<vmem>>
      tpu.wait_dma2 semaphore(%run_scoped3A : memref<!tpu.dma_semaphore, #tpu.memory_space<semaphore_mem>>) src(%arg7 : memref<10240xf32, #tpu.memory_space<vmem_shared>>) dst(%dma_wait3A_315 : memref<10240xf32, #tpu.memory_space<vmem>>)
      tpu.yield
    }) : () -> ()
    %parallel_loop3A_278 = arith.constant 0 : i32
    %parallel_loop3A_279 = arith.constant 1250 : i32
    %parallel_loop3A_280 = arith.constant 1 : i32
    scf.for %parallel_loop3A_308 = %parallel_loop3A_278 to %parallel_loop3A_279 step %parallel_loop3A_280  : i32 {
      %parallel_loop3A_309 = arith.constant 16 : i32
      %parallel_loop3A_310 = arith.muli %parallel_loop3A_308, %parallel_loop3A_309 : i32
      %parallel_loop3A_311 = tpu.assume_multiple %parallel_loop3A_310, 8 : i32
      %parallel_loop3A_312 = arith.index_cast %parallel_loop3A_311 : i32 to index
      %parallel_loop3A_313 = tpu.vector_load %arg8[%parallel_loop3A_312] {strides = array<i32>} : memref<20000xi32, #tpu.memory_space<vmem>>, vector<16xi32>,
      %parallel_loop3A_314 = arith.constant 16383 : i32
      %parallel_loop3A_315 = vector.broadcast %parallel_loop3A_314 : i32 to vector<16xi32>
      %parallel_loop3A_316 = arith.andi %parallel_loop3A_313, %parallel_loop3A_315 : vector<16xi32>
      %parallel_loop3A_317 = arith.constant 14 : i32
      %parallel_loop3A_318 = vector.broadcast %parallel_loop3A_317 : i32 to vector<16xi32>
      %parallel_loop3A_319 = arith.shrui %parallel_loop3A_313, %parallel_loop3A_318 : vector<16xi32>
      %parallel_loop3A_320 = tpu.vector_load_idx %arg11[%parallel_loop3A_316] : memref<20480xf32, #tpu.memory_space<vmem>>[vector<16xi32>], vector<16xf32>,
      %parallel_loop3A_321 = tpu.vector_load_idx %arg11[%parallel_loop3A_319] : memref<20480xf32, #tpu.memory_space<vmem>>[vector<16xi32>], vector<16xf32>,
      %parallel_loop3A_322 = arith.mulf %parallel_loop3A_320, %parallel_loop3A_321 : vector<16xf32>
      %parallel_loop3A_323 = arith.index_cast %parallel_loop3A_311 : i32 to index
      %parallel_loop3A_324 = tpu.vector_load %arg9[%parallel_loop3A_323] {strides = array<i32>} : memref<20000xf32, #tpu.memory_space<vmem>>, vector<16xf32>,
      tpu.vector_store %arg9[%parallel_loop3A_323], %parallel_loop3A_322 {strides = array<i32>} : memref<20000xf32, #tpu.memory_space<vmem>>, vector<16xf32>,
    } {sc.loop_unroll_factor = 4 : i64, sc.parallel_access}
    %scan3A_281 = arith.constant 0 : i32
    %scan3A_282 = arith.constant 1280 : i32
    %scan3A_283 = arith.addi %scan3A_281, %scan3A_282 : i32
    %scan3A_284 = arith.constant 1 : i32
    scf.for %scan3A_308 = %scan3A_281 to %scan3A_283 step %scan3A_284  : i32 {
      %mul3A_309 = arith.constant 16 : i32
      %mul3A_310 = arith.muli %scan3A_308, %mul3A_309 : i32
      %multiple_of3A_311 = tpu.assume_multiple %mul3A_310, 8 : i32
      %swap3A = arith.index_cast %multiple_of3A_311 : i32 to index
      %swap3A_312 = tpu.vector_load %arg11[%swap3A] {strides = array<i32>} : memref<20480xf32, #tpu.memory_space<vmem>>, vector<16xf32>,
      tpu.vector_store %arg11[%swap3A], %broadcast_in_dim3A_10 {strides = array<i32>} : memref<20480xf32, #tpu.memory_space<vmem>>, vector<16xf32>,
    }
    %scan3A_285 = arith.constant 1280 : i32
    %scan3A_286 = arith.constant 0 : i32
    %scan3A_287 = arith.constant 10 : i32
    %scan3A_288 = arith.addi %scan3A_286, %scan3A_287 : i32
    %scan3A_289 = arith.constant 1 : i32
    scf.for %scan3A_308 = %scan3A_286 to %scan3A_288 step %scan3A_289  : i32 {
      "tpu.region"() ({
        %run_scoped3A = tpu.sem_alloc : memref<!tpu.dma_semaphore, #tpu.memory_space<semaphore_mem>>
        %dma_start3A_584 = arith.constant 0 : i32
        %dma_start3A_585 = tpu.memref_slice %arg10[%dma_start3A_584] : memref<20480xf32, #tpu.memory_space<vmem>> -> memref<10240xf32, #tpu.memory_space<vmem>>
        %dma_start3A_586 = arith.constant 0 : i32
        %dma_start3A_587 = tpu.memref_slice %arg5[%dma_start3A_586] : memref<20480xf32, #tpu.memory_space<vmem_shared>> -> memref<10240xf32, #tpu.memory_space<vmem_shared>>
        %dma_start3A_588 = arith.constant 0 : i32
        %dma_start3A_589 = tpu.memref_slice %arg10[%dma_start3A_588] : memref<20480xf32, #tpu.memory_space<vmem>> -> memref<10240xf32, #tpu.memory_space<vmem>>
        %dma_start3A_590 = arith.constant 0 : i32
        %dma_start3A_591 = tpu.memref_slice %arg5[%dma_start3A_590] : memref<20480xf32, #tpu.memory_space<vmem_shared>> -> memref<10240xf32, #tpu.memory_space<vmem_shared>>
        tpu.enqueue_dma source(%dma_start3A_591 : memref<10240xf32, #tpu.memory_space<vmem_shared>>) target(%dma_start3A_589 : memref<10240xf32, #tpu.memory_space<vmem>>) target_semaphore(%run_scoped3A : memref<!tpu.dma_semaphore, #tpu.memory_space<semaphore_mem>>)
        %dma_wait3A_592 = arith.constant 0 : i32
        %dma_wait3A_593 = tpu.memref_slice %arg10[%dma_wait3A_592] : memref<20480xf32, #tpu.memory_space<vmem>> -> memref<10240xf32, #tpu.memory_space<vmem>>
        %dma_wait3A_594 = arith.constant 0 : i32
        %dma_wait3A_595 = tpu.memref_slice %arg5[%dma_wait3A_594] : memref<20480xf32, #tpu.memory_space<vmem_shared>> -> memref<10240xf32, #tpu.memory_space<vmem_shared>>
        %dma_wait3A_596 = arith.constant 0 : i32
        %dma_wait3A_597 = tpu.memref_slice %arg10[%dma_wait3A_596] : memref<20480xf32, #tpu.memory_space<vmem>> -> memref<10240xf32, #tpu.memory_space<vmem>>
        %dma_wait3A_598 = arith.constant 0 : i32
        %dma_wait3A_599 = tpu.memref_slice %arg5[%dma_wait3A_598] : memref<20480xf32, #tpu.memory_space<vmem_shared>> -> memref<10240xf32, #tpu.memory_space<vmem_shared>>
        tpu.wait_dma2 semaphore(%run_scoped3A : memref<!tpu.dma_semaphore, #tpu.memory_space<semaphore_mem>>) src(%dma_wait3A_599 : memref<10240xf32, #tpu.memory_space<vmem_shared>>) dst(%dma_wait3A_597 : memref<10240xf32, #tpu.memory_space<vmem>>)
        tpu.yield
      }) : () -> ()
      %eq3A_309 = arith.constant 0 : i32
      %eq3A_310 = arith.cmpi eq, %arg0, %eq3A_309 : i32
      %convert_element_type3A_311 = arith.extui %eq3A_310 : i1 to i32
      %cond3A_312 = arith.constant 0 : i32
      %cond3A_313 = arith.cmpi ne, %convert_element_type3A_311, %cond3A_312 : i32
      scf.if %cond3A_313 {
        "tpu.region"() ({
          %run_scoped3A = tpu.sem_alloc : memref<!tpu.dma_semaphore, #tpu.memory_space<semaphore_mem>>
          %dma_start3A_584 = arith.constant 10240 : i32
          %dma_start3A_585 = tpu.memref_slice %arg10[%dma_start3A_584] : memref<20480xf32, #tpu.memory_space<vmem>> -> memref<10240xf32, #tpu.memory_space<vmem>>
          %dma_start3A_586 = arith.constant 10240 : i32
          %dma_start3A_587 = tpu.memref_slice %arg5[%dma_start3A_586] : memref<20480xf32, #tpu.memory_space<vmem_shared>> -> memref<10240xf32, #tpu.memory_space<vmem_shared>>
          %dma_start3A_588 = arith.constant 10240 : i32
          %dma_start3A_589 = tpu.memref_slice %arg10[%dma_start3A_588] : memref<20480xf32, #tpu.memory_space<vmem>> -> memref<10240xf32, #tpu.memory_space<vmem>>
          %dma_start3A_590 = arith.constant 10240 : i32
          %dma_start3A_591 = tpu.memref_slice %arg5[%dma_start3A_590] : memref<20480xf32, #tpu.memory_space<vmem_shared>> -> memref<10240xf32, #tpu.memory_space<vmem_shared>>
          tpu.enqueue_dma source(%dma_start3A_591 : memref<10240xf32, #tpu.memory_space<vmem_shared>>) target(%dma_start3A_589 : memref<10240xf32, #tpu.memory_space<vmem>>) target_semaphore(%run_scoped3A : memref<!tpu.dma_semaphore, #tpu.memory_space<semaphore_mem>>)
          %dma_wait3A_592 = arith.constant 10240 : i32
          %dma_wait3A_593 = tpu.memref_slice %arg10[%dma_wait3A_592] : memref<20480xf32, #tpu.memory_space<vmem>> -> memref<10240xf32, #tpu.memory_space<vmem>>
          %dma_wait3A_594 = arith.constant 10240 : i32
          %dma_wait3A_595 = tpu.memref_slice %arg5[%dma_wait3A_594] : memref<20480xf32, #tpu.memory_space<vmem_shared>> -> memref<10240xf32, #tpu.memory_space<vmem_shared>>
          %dma_wait3A_596 = arith.constant 10240 : i32
          %dma_wait3A_597 = tpu.memref_slice %arg10[%dma_wait3A_596] : memref<20480xf32, #tpu.memory_space<vmem>> -> memref<10240xf32, #tpu.memory_space<vmem>>
          %dma_wait3A_598 = arith.constant 10240 : i32
          %dma_wait3A_599 = tpu.memref_slice %arg5[%dma_wait3A_598] : memref<20480xf32, #tpu.memory_space<vmem_shared>> -> memref<10240xf32, #tpu.memory_space<vmem_shared>>
          tpu.wait_dma2 semaphore(%run_scoped3A : memref<!tpu.dma_semaphore, #tpu.memory_space<semaphore_mem>>) src(%dma_wait3A_599 : memref<10240xf32, #tpu.memory_space<vmem_shared>>) dst(%dma_wait3A_597 : memref<10240xf32, #tpu.memory_space<vmem>>)
          tpu.yield
        }) : () -> ()
      } else {
      }
      %parallel_loop3A_314 = arith.constant 0 : i32
      %parallel_loop3A_315 = arith.constant 1250 : i32
      %parallel_loop3A_316 = arith.constant 1 : i32
      scf.for %parallel_loop3A_584 = %parallel_loop3A_314 to %parallel_loop3A_315 step %parallel_loop3A_316  : i32 {
        %parallel_loop3A_585 = arith.constant 16 : i32
        %parallel_loop3A_586 = arith.muli %parallel_loop3A_584, %parallel_loop3A_585 : i32
        %parallel_loop3A_587 = tpu.assume_multiple %parallel_loop3A_586, 8 : i32
        %parallel_loop3A_588 = arith.index_cast %parallel_loop3A_587 : i32 to index
        %parallel_loop3A_589 = tpu.vector_load %arg8[%parallel_loop3A_588] {strides = array<i32>} : memref<20000xi32, #tpu.memory_space<vmem>>, vector<16xi32>,
        %parallel_loop3A_590 = arith.index_cast %parallel_loop3A_587 : i32 to index
        %parallel_loop3A_591 = tpu.vector_load %arg9[%parallel_loop3A_590] {strides = array<i32>} : memref<20000xf32, #tpu.memory_space<vmem>>, vector<16xf32>,
        %parallel_loop3A_592 = arith.constant 16383 : i32
        %parallel_loop3A_593 = vector.broadcast %parallel_loop3A_592 : i32 to vector<16xi32>
        %parallel_loop3A_594 = arith.andi %parallel_loop3A_589, %parallel_loop3A_593 : vector<16xi32>
        %parallel_loop3A_595 = arith.constant 14 : i32
        %parallel_loop3A_596 = vector.broadcast %parallel_loop3A_595 : i32 to vector<16xi32>
        %parallel_loop3A_597 = arith.shrui %parallel_loop3A_589, %parallel_loop3A_596 : vector<16xi32>
        %parallel_loop3A_598 = tpu.vector_load_idx %arg10[%parallel_loop3A_594] : memref<20480xf32, #tpu.memory_space<vmem>>[vector<16xi32>], vector<16xf32>,
        %parallel_loop3A_599 = arith.mulf %parallel_loop3A_591, %parallel_loop3A_598 : vector<16xf32>
        tpu.vector_store_idx %arg11[%parallel_loop3A_597], %parallel_loop3A_599 {add = true} : memref<20480xf32, #tpu.memory_space<vmem>>[vector<16xi32>], vector<16xf32>,
        %parallel_loop3A_600 = arith.constant 0 : i32
        %parallel_loop3A_601 = arith.cmpi eq, %arg0, %parallel_loop3A_600 : i32
        %parallel_loop3A_602 = arith.extui %parallel_loop3A_601 : i1 to i32
        %parallel_loop3A_603 = arith.constant 0 : i32
        %parallel_loop3A_604 = arith.cmpi ne, %parallel_loop3A_602, %parallel_loop3A_603 : i32
        scf.if %parallel_loop3A_604 {
          %parallel_loop3A_605 = arith.constant 10240 : i32
          %parallel_loop3A_606 = vector.broadcast %parallel_loop3A_605 : i32 to vector<16xi32>
          %parallel_loop3A_607 = arith.addi %parallel_loop3A_594, %parallel_loop3A_606 : vector<16xi32>
          %parallel_loop3A_608 = arith.constant 10240 : i32
          %parallel_loop3A_609 = vector.broadcast %parallel_loop3A_608 : i32 to vector<16xi32>
          %parallel_loop3A_610 = arith.addi %parallel_loop3A_597, %parallel_loop3A_609 : vector<16xi32>
          %parallel_loop3A_611 = tpu.vector_load_idx %arg10[%parallel_loop3A_607] : memref<20480xf32, #tpu.memory_space<vmem>>[vector<16xi32>], vector<16xf32>,
          %parallel_loop3A_612 = arith.mulf %parallel_loop3A_591, %parallel_loop3A_611 : vector<16xf32>
          tpu.vector_store_idx %arg11[%parallel_loop3A_610], %parallel_loop3A_612 {add = true} : memref<20480xf32, #tpu.memory_space<vmem>>[vector<16xi32>], vector<16xf32>,
        } else {
        }
      } {sc.loop_unroll_factor = 4 : i64, sc.parallel_access}
      %multiple_of3A_317 = arith.constant 0 : i32
      %multiple_of3A_318 = tpu.assume_multiple %multiple_of3A_317, 8 : i32
      %add3A_319 = arith.addi %multiple_of3A_318, %multiple_of3A_3 : i32
      %dma_start3A_320 = arith.constant 0 : i32
      %dma_start3A_321 = tpu.memref_slice %arg11[%dma_start3A_320] : memref<20480xf32, #tpu.memory_space<vmem>> -> memref<640xf32, #tpu.memory_space<vmem>>
      %dma_start3A_322 = tpu.memref_slice %arg6[%add3A_319] : memref<327680xf32, #tpu.memory_space<vmem_shared>> -> memref<640xf32, #tpu.memory_space<vmem_shared>>
      %dma_start3A_323 = tpu.memref_slice %arg6[%add3A_319] : memref<327680xf32, #tpu.memory_space<vmem_shared>> -> memref<640xf32, #tpu.memory_space<vmem_shared>>
      %dma_start3A_324 = arith.constant 0 : i32
      %dma_start3A_325 = tpu.memref_slice %arg11[%dma_start3A_324] : memref<20480xf32, #tpu.memory_space<vmem>> -> memref<640xf32, #tpu.memory_space<vmem>>
      tpu.enqueue_dma source(%dma_start3A_325 : memref<640xf32, #tpu.memory_space<vmem>>) target(%dma_start3A_323 : memref<640xf32, #tpu.memory_space<vmem_shared>>) target_semaphore(%arg16 : memref<!tpu.dma_semaphore, #tpu.memory_space<semaphore_mem>>)
      %multiple_of3A_326 = arith.constant 10240 : i32
      %multiple_of3A_327 = tpu.assume_multiple %multiple_of3A_326, 8 : i32
      %add3A_328 = arith.addi %multiple_of3A_327, %multiple_of3A_3 : i32
      %dma_start3A_329 = arith.constant 640 : i32
      %dma_start3A_330 = tpu.memref_slice %arg11[%dma_start3A_329] : memref<20480xf32, #tpu.memory_space<vmem>> -> memref<640xf32, #tpu.memory_space<vmem>>
      %dma_start3A_331 = tpu.memref_slice %arg6[%add3A_328] : memref<327680xf32, #tpu.memory_space<vmem_shared>> -> memref<640xf32, #tpu.memory_space<vmem_shared>>
      %dma_start3A_332 = tpu.memref_slice %arg6[%add3A_328] : memref<327680xf32, #tpu.memory_space<vmem_shared>> -> memref<640xf32, #tpu.memory_space<vmem_shared>>
      %dma_start3A_333 = arith.constant 640 : i32
      %dma_start3A_334 = tpu.memref_slice %arg11[%dma_start3A_333] : memref<20480xf32, #tpu.memory_space<vmem>> -> memref<640xf32, #tpu.memory_space<vmem>>
      tpu.enqueue_dma source(%dma_start3A_334 : memref<640xf32, #tpu.memory_space<vmem>>) target(%dma_start3A_332 : memref<640xf32, #tpu.memory_space<vmem_shared>>) target_semaphore(%arg16 : memref<!tpu.dma_semaphore, #tpu.memory_space<semaphore_mem>>)
      %multiple_of3A_335 = arith.constant 20480 : i32
      %multiple_of3A_336 = tpu.assume_multiple %multiple_of3A_335, 8 : i32
      %add3A_337 = arith.addi %multiple_of3A_336, %multiple_of3A_3 : i32
      %dma_start3A_338 = arith.constant 1280 : i32
      %dma_start3A_339 = tpu.memref_slice %arg11[%dma_start3A_338] : memref<20480xf32, #tpu.memory_space<vmem>> -> memref<640xf32, #tpu.memory_space<vmem>>
      %dma_start3A_340 = tpu.memref_slice %arg6[%add3A_337] : memref<327680xf32, #tpu.memory_space<vmem_shared>> -> memref<640xf32, #tpu.memory_space<vmem_shared>>
      %dma_start3A_341 = tpu.memref_slice %arg6[%add3A_337] : memref<327680xf32, #tpu.memory_space<vmem_shared>> -> memref<640xf32, #tpu.memory_space<vmem_shared>>
      %dma_start3A_342 = arith.constant 1280 : i32
      %dma_start3A_343 = tpu.memref_slice %arg11[%dma_start3A_342] : memref<20480xf32, #tpu.memory_space<vmem>> -> memref<640xf32, #tpu.memory_space<vmem>>
      tpu.enqueue_dma source(%dma_start3A_343 : memref<640xf32, #tpu.memory_space<vmem>>) target(%dma_start3A_341 : memref<640xf32, #tpu.memory_space<vmem_shared>>) target_semaphore(%arg16 : memref<!tpu.dma_semaphore, #tpu.memory_space<semaphore_mem>>)
      %multiple_of3A_344 = arith.constant 30720 : i32
      %multiple_of3A_345 = tpu.assume_multiple %multiple_of3A_344, 8 : i32
      %add3A_346 = arith.addi %multiple_of3A_345, %multiple_of3A_3 : i32
      %dma_start3A_347 = arith.constant 1920 : i32
      %dma_start3A_348 = tpu.memref_slice %arg11[%dma_start3A_347] : memref<20480xf32, #tpu.memory_space<vmem>> -> memref<640xf32, #tpu.memory_space<vmem>>
      %dma_start3A_349 = tpu.memref_slice %arg6[%add3A_346] : memref<327680xf32, #tpu.memory_space<vmem_shared>> -> memref<640xf32, #tpu.memory_space<vmem_shared>>
      %dma_start3A_350 = tpu.memref_slice %arg6[%add3A_346] : memref<327680xf32, #tpu.memory_space<vmem_shared>> -> memref<640xf32, #tpu.memory_space<vmem_shared>>
      %dma_start3A_351 = arith.constant 1920 : i32
      %dma_start3A_352 = tpu.memref_slice %arg11[%dma_start3A_351] : memref<20480xf32, #tpu.memory_space<vmem>> -> memref<640xf32, #tpu.memory_space<vmem>>
      tpu.enqueue_dma source(%dma_start3A_352 : memref<640xf32, #tpu.memory_space<vmem>>) target(%dma_start3A_350 : memref<640xf32, #tpu.memory_space<vmem_shared>>) target_semaphore(%arg16 : memref<!tpu.dma_semaphore, #tpu.memory_space<semaphore_mem>>)
      %multiple_of3A_353 = arith.constant 40960 : i32
      %multiple_of3A_354 = tpu.assume_multiple %multiple_of3A_353, 8 : i32
      %add3A_355 = arith.addi %multiple_of3A_354, %multiple_of3A_3 : i32
      %dma_start3A_356 = arith.constant 2560 : i32
      %dma_start3A_357 = tpu.memref_slice %arg11[%dma_start3A_356] : memref<20480xf32, #tpu.memory_space<vmem>> -> memref<640xf32, #tpu.memory_space<vmem>>
      %dma_start3A_358 = tpu.memref_slice %arg6[%add3A_355] : memref<327680xf32, #tpu.memory_space<vmem_shared>> -> memref<640xf32, #tpu.memory_space<vmem_shared>>
      %dma_start3A_359 = tpu.memref_slice %arg6[%add3A_355] : memref<327680xf32, #tpu.memory_space<vmem_shared>> -> memref<640xf32, #tpu.memory_space<vmem_shared>>
      %dma_start3A_360 = arith.constant 2560 : i32
      %dma_start3A_361 = tpu.memref_slice %arg11[%dma_start3A_360] : memref<20480xf32, #tpu.memory_space<vmem>> -> memref<640xf32, #tpu.memory_space<vmem>>
      tpu.enqueue_dma source(%dma_start3A_361 : memref<640xf32, #tpu.memory_space<vmem>>) target(%dma_start3A_359 : memref<640xf32, #tpu.memory_space<vmem_shared>>) target_semaphore(%arg16 : memref<!tpu.dma_semaphore, #tpu.memory_space<semaphore_mem>>)
      %multiple_of3A_362 = arith.constant 51200 : i32
      %multiple_of3A_363 = tpu.assume_multiple %multiple_of3A_362, 8 : i32
      %add3A_364 = arith.addi %multiple_of3A_363, %multiple_of3A_3 : i32
      %dma_start3A_365 = arith.constant 3200 : i32
      %dma_start3A_366 = tpu.memref_slice %arg11[%dma_start3A_365] : memref<20480xf32, #tpu.memory_space<vmem>> -> memref<640xf32, #tpu.memory_space<vmem>>
      %dma_start3A_367 = tpu.memref_slice %arg6[%add3A_364] : memref<327680xf32, #tpu.memory_space<vmem_shared>> -> memref<640xf32, #tpu.memory_space<vmem_shared>>
      %dma_start3A_368 = tpu.memref_slice %arg6[%add3A_364] : memref<327680xf32, #tpu.memory_space<vmem_shared>> -> memref<640xf32, #tpu.memory_space<vmem_shared>>
      %dma_start3A_369 = arith.constant 3200 : i32
      %dma_start3A_370 = tpu.memref_slice %arg11[%dma_start3A_369] : memref<20480xf32, #tpu.memory_space<vmem>> -> memref<640xf32, #tpu.memory_space<vmem>>
      tpu.enqueue_dma source(%dma_start3A_370 : memref<640xf32, #tpu.memory_space<vmem>>) target(%dma_start3A_368 : memref<640xf32, #tpu.memory_space<vmem_shared>>) target_semaphore(%arg16 : memref<!tpu.dma_semaphore, #tpu.memory_space<semaphore_mem>>)
      %multiple_of3A_371 = arith.constant 61440 : i32
      %multiple_of3A_372 = tpu.assume_multiple %multiple_of3A_371, 8 : i32
      %add3A_373 = arith.addi %multiple_of3A_372, %multiple_of3A_3 : i32
      %dma_start3A_374 = arith.constant 3840 : i32
      %dma_start3A_375 = tpu.memref_slice %arg11[%dma_start3A_374] : memref<20480xf32, #tpu.memory_space<vmem>> -> memref<640xf32, #tpu.memory_space<vmem>>
      %dma_start3A_376 = tpu.memref_slice %arg6[%add3A_373] : memref<327680xf32, #tpu.memory_space<vmem_shared>> -> memref<640xf32, #tpu.memory_space<vmem_shared>>
      %dma_start3A_377 = tpu.memref_slice %arg6[%add3A_373] : memref<327680xf32, #tpu.memory_space<vmem_shared>> -> memref<640xf32, #tpu.memory_space<vmem_shared>>
      %dma_start3A_378 = arith.constant 3840 : i32
      %dma_start3A_379 = tpu.memref_slice %arg11[%dma_start3A_378] : memref<20480xf32, #tpu.memory_space<vmem>> -> memref<640xf32, #tpu.memory_space<vmem>>
      tpu.enqueue_dma source(%dma_start3A_379 : memref<640xf32, #tpu.memory_space<vmem>>) target(%dma_start3A_377 : memref<640xf32, #tpu.memory_space<vmem_shared>>) target_semaphore(%arg16 : memref<!tpu.dma_semaphore, #tpu.memory_space<semaphore_mem>>)
      %multiple_of3A_380 = arith.constant 71680 : i32
      %multiple_of3A_381 = tpu.assume_multiple %multiple_of3A_380, 8 : i32
      %add3A_382 = arith.addi %multiple_of3A_381, %multiple_of3A_3 : i32
      %dma_start3A_383 = arith.constant 4480 : i32
      %dma_start3A_384 = tpu.memref_slice %arg11[%dma_start3A_383] : memref<20480xf32, #tpu.memory_space<vmem>> -> memref<640xf32, #tpu.memory_space<vmem>>
      %dma_start3A_385 = tpu.memref_slice %arg6[%add3A_382] : memref<327680xf32, #tpu.memory_space<vmem_shared>> -> memref<640xf32, #tpu.memory_space<vmem_shared>>
      %dma_start3A_386 = tpu.memref_slice %arg6[%add3A_382] : memref<327680xf32, #tpu.memory_space<vmem_shared>> -> memref<640xf32, #tpu.memory_space<vmem_shared>>
      %dma_start3A_387 = arith.constant 4480 : i32
      %dma_start3A_388 = tpu.memref_slice %arg11[%dma_start3A_387] : memref<20480xf32, #tpu.memory_space<vmem>> -> memref<640xf32, #tpu.memory_space<vmem>>
      tpu.enqueue_dma source(%dma_start3A_388 : memref<640xf32, #tpu.memory_space<vmem>>) target(%dma_start3A_386 : memref<640xf32, #tpu.memory_space<vmem_shared>>) target_semaphore(%arg16 : memref<!tpu.dma_semaphore, #tpu.memory_space<semaphore_mem>>)
      %multiple_of3A_389 = arith.constant 81920 : i32
      %multiple_of3A_390 = tpu.assume_multiple %multiple_of3A_389, 8 : i32
      %add3A_391 = arith.addi %multiple_of3A_390, %multiple_of3A_3 : i32
      %dma_start3A_392 = arith.constant 5120 : i32
      %dma_start3A_393 = tpu.memref_slice %arg11[%dma_start3A_392] : memref<20480xf32, #tpu.memory_space<vmem>> -> memref<640xf32, #tpu.memory_space<vmem>>
      %dma_start3A_394 = tpu.memref_slice %arg6[%add3A_391] : memref<327680xf32, #tpu.memory_space<vmem_shared>> -> memref<640xf32, #tpu.memory_space<vmem_shared>>
      %dma_start3A_395 = tpu.memref_slice %arg6[%add3A_391] : memref<327680xf32, #tpu.memory_space<vmem_shared>> -> memref<640xf32, #tpu.memory_space<vmem_shared>>
      %dma_start3A_396 = arith.constant 5120 : i32
      %dma_start3A_397 = tpu.memref_slice %arg11[%dma_start3A_396] : memref<20480xf32, #tpu.memory_space<vmem>> -> memref<640xf32, #tpu.memory_space<vmem>>
      tpu.enqueue_dma source(%dma_start3A_397 : memref<640xf32, #tpu.memory_space<vmem>>) target(%dma_start3A_395 : memref<640xf32, #tpu.memory_space<vmem_shared>>) target_semaphore(%arg16 : memref<!tpu.dma_semaphore, #tpu.memory_space<semaphore_mem>>)
      %multiple_of3A_398 = arith.constant 92160 : i32
      %multiple_of3A_399 = tpu.assume_multiple %multiple_of3A_398, 8 : i32
      %add3A_400 = arith.addi %multiple_of3A_399, %multiple_of3A_3 : i32
      %dma_start3A_401 = arith.constant 5760 : i32
      %dma_start3A_402 = tpu.memref_slice %arg11[%dma_start3A_401] : memref<20480xf32, #tpu.memory_space<vmem>> -> memref<640xf32, #tpu.memory_space<vmem>>
      %dma_start3A_403 = tpu.memref_slice %arg6[%add3A_400] : memref<327680xf32, #tpu.memory_space<vmem_shared>> -> memref<640xf32, #tpu.memory_space<vmem_shared>>
      %dma_start3A_404 = tpu.memref_slice %arg6[%add3A_400] : memref<327680xf32, #tpu.memory_space<vmem_shared>> -> memref<640xf32, #tpu.memory_space<vmem_shared>>
      %dma_start3A_405 = arith.constant 5760 : i32
      %dma_start3A_406 = tpu.memref_slice %arg11[%dma_start3A_405] : memref<20480xf32, #tpu.memory_space<vmem>> -> memref<640xf32, #tpu.memory_space<vmem>>
      tpu.enqueue_dma source(%dma_start3A_406 : memref<640xf32, #tpu.memory_space<vmem>>) target(%dma_start3A_404 : memref<640xf32, #tpu.memory_space<vmem_shared>>) target_semaphore(%arg16 : memref<!tpu.dma_semaphore, #tpu.memory_space<semaphore_mem>>)
      %multiple_of3A_407 = arith.constant 102400 : i32
      %multiple_of3A_408 = tpu.assume_multiple %multiple_of3A_407, 8 : i32
      %add3A_409 = arith.addi %multiple_of3A_408, %multiple_of3A_3 : i32
      %dma_start3A_410 = arith.constant 6400 : i32
      %dma_start3A_411 = tpu.memref_slice %arg11[%dma_start3A_410] : memref<20480xf32, #tpu.memory_space<vmem>> -> memref<640xf32, #tpu.memory_space<vmem>>
      %dma_start3A_412 = tpu.memref_slice %arg6[%add3A_409] : memref<327680xf32, #tpu.memory_space<vmem_shared>> -> memref<640xf32, #tpu.memory_space<vmem_shared>>
      %dma_start3A_413 = tpu.memref_slice %arg6[%add3A_409] : memref<327680xf32, #tpu.memory_space<vmem_shared>> -> memref<640xf32, #tpu.memory_space<vmem_shared>>
      %dma_start3A_414 = arith.constant 6400 : i32
      %dma_start3A_415 = tpu.memref_slice %arg11[%dma_start3A_414] : memref<20480xf32, #tpu.memory_space<vmem>> -> memref<640xf32, #tpu.memory_space<vmem>>
      tpu.enqueue_dma source(%dma_start3A_415 : memref<640xf32, #tpu.memory_space<vmem>>) target(%dma_start3A_413 : memref<640xf32, #tpu.memory_space<vmem_shared>>) target_semaphore(%arg16 : memref<!tpu.dma_semaphore, #tpu.memory_space<semaphore_mem>>)
      %multiple_of3A_416 = arith.constant 112640 : i32
      %multiple_of3A_417 = tpu.assume_multiple %multiple_of3A_416, 8 : i32
      %add3A_418 = arith.addi %multiple_of3A_417, %multiple_of3A_3 : i32
      %dma_start3A_419 = arith.constant 7040 : i32
      %dma_start3A_420 = tpu.memref_slice %arg11[%dma_start3A_419] : memref<20480xf32, #tpu.memory_space<vmem>> -> memref<640xf32, #tpu.memory_space<vmem>>
      %dma_start3A_421 = tpu.memref_slice %arg6[%add3A_418] : memref<327680xf32, #tpu.memory_space<vmem_shared>> -> memref<640xf32, #tpu.memory_space<vmem_shared>>
      %dma_start3A_422 = tpu.memref_slice %arg6[%add3A_418] : memref<327680xf32, #tpu.memory_space<vmem_shared>> -> memref<640xf32, #tpu.memory_space<vmem_shared>>
      %dma_start3A_423 = arith.constant 7040 : i32
      %dma_start3A_424 = tpu.memref_slice %arg11[%dma_start3A_423] : memref<20480xf32, #tpu.memory_space<vmem>> -> memref<640xf32, #tpu.memory_space<vmem>>
      tpu.enqueue_dma source(%dma_start3A_424 : memref<640xf32, #tpu.memory_space<vmem>>) target(%dma_start3A_422 : memref<640xf32, #tpu.memory_space<vmem_shared>>) target_semaphore(%arg16 : memref<!tpu.dma_semaphore, #tpu.memory_space<semaphore_mem>>)
      %multiple_of3A_425 = arith.constant 122880 : i32
      %multiple_of3A_426 = tpu.assume_multiple %multiple_of3A_425, 8 : i32
      %add3A_427 = arith.addi %multiple_of3A_426, %multiple_of3A_3 : i32
      %dma_start3A_428 = arith.constant 7680 : i32
      %dma_start3A_429 = tpu.memref_slice %arg11[%dma_start3A_428] : memref<20480xf32, #tpu.memory_space<vmem>> -> memref<640xf32, #tpu.memory_space<vmem>>
      %dma_start3A_430 = tpu.memref_slice %arg6[%add3A_427] : memref<327680xf32, #tpu.memory_space<vmem_shared>> -> memref<640xf32, #tpu.memory_space<vmem_shared>>
      %dma_start3A_431 = tpu.memref_slice %arg6[%add3A_427] : memref<327680xf32, #tpu.memory_space<vmem_shared>> -> memref<640xf32, #tpu.memory_space<vmem_shared>>
      %dma_start3A_432 = arith.constant 7680 : i32
      %dma_start3A_433 = tpu.memref_slice %arg11[%dma_start3A_432] : memref<20480xf32, #tpu.memory_space<vmem>> -> memref<640xf32, #tpu.memory_space<vmem>>
      tpu.enqueue_dma source(%dma_start3A_433 : memref<640xf32, #tpu.memory_space<vmem>>) target(%dma_start3A_431 : memref<640xf32, #tpu.memory_space<vmem_shared>>) target_semaphore(%arg16 : memref<!tpu.dma_semaphore, #tpu.memory_space<semaphore_mem>>)
      %multiple_of3A_434 = arith.constant 133120 : i32
      %multiple_of3A_435 = tpu.assume_multiple %multiple_of3A_434, 8 : i32
      %add3A_436 = arith.addi %multiple_of3A_435, %multiple_of3A_3 : i32
      %dma_start3A_437 = arith.constant 8320 : i32
      %dma_start3A_438 = tpu.memref_slice %arg11[%dma_start3A_437] : memref<20480xf32, #tpu.memory_space<vmem>> -> memref<640xf32, #tpu.memory_space<vmem>>
      %dma_start3A_439 = tpu.memref_slice %arg6[%add3A_436] : memref<327680xf32, #tpu.memory_space<vmem_shared>> -> memref<640xf32, #tpu.memory_space<vmem_shared>>
      %dma_start3A_440 = tpu.memref_slice %arg6[%add3A_436] : memref<327680xf32, #tpu.memory_space<vmem_shared>> -> memref<640xf32, #tpu.memory_space<vmem_shared>>
      %dma_start3A_441 = arith.constant 8320 : i32
      %dma_start3A_442 = tpu.memref_slice %arg11[%dma_start3A_441] : memref<20480xf32, #tpu.memory_space<vmem>> -> memref<640xf32, #tpu.memory_space<vmem>>
      tpu.enqueue_dma source(%dma_start3A_442 : memref<640xf32, #tpu.memory_space<vmem>>) target(%dma_start3A_440 : memref<640xf32, #tpu.memory_space<vmem_shared>>) target_semaphore(%arg16 : memref<!tpu.dma_semaphore, #tpu.memory_space<semaphore_mem>>)
      %multiple_of3A_443 = arith.constant 143360 : i32
      %multiple_of3A_444 = tpu.assume_multiple %multiple_of3A_443, 8 : i32
      %add3A_445 = arith.addi %multiple_of3A_444, %multiple_of3A_3 : i32
      %dma_start3A_446 = arith.constant 8960 : i32
      %dma_start3A_447 = tpu.memref_slice %arg11[%dma_start3A_446] : memref<20480xf32, #tpu.memory_space<vmem>> -> memref<640xf32, #tpu.memory_space<vmem>>
      %dma_start3A_448 = tpu.memref_slice %arg6[%add3A_445] : memref<327680xf32, #tpu.memory_space<vmem_shared>> -> memref<640xf32, #tpu.memory_space<vmem_shared>>
      %dma_start3A_449 = tpu.memref_slice %arg6[%add3A_445] : memref<327680xf32, #tpu.memory_space<vmem_shared>> -> memref<640xf32, #tpu.memory_space<vmem_shared>>
      %dma_start3A_450 = arith.constant 8960 : i32
      %dma_start3A_451 = tpu.memref_slice %arg11[%dma_start3A_450] : memref<20480xf32, #tpu.memory_space<vmem>> -> memref<640xf32, #tpu.memory_space<vmem>>
      tpu.enqueue_dma source(%dma_start3A_451 : memref<640xf32, #tpu.memory_space<vmem>>) target(%dma_start3A_449 : memref<640xf32, #tpu.memory_space<vmem_shared>>) target_semaphore(%arg16 : memref<!tpu.dma_semaphore, #tpu.memory_space<semaphore_mem>>)
      %multiple_of3A_452 = arith.constant 153600 : i32
      %multiple_of3A_453 = tpu.assume_multiple %multiple_of3A_452, 8 : i32
      %add3A_454 = arith.addi %multiple_of3A_453, %multiple_of3A_3 : i32
      %dma_start3A_455 = arith.constant 9600 : i32
      %dma_start3A_456 = tpu.memref_slice %arg11[%dma_start3A_455] : memref<20480xf32, #tpu.memory_space<vmem>> -> memref<640xf32, #tpu.memory_space<vmem>>
      %dma_start3A_457 = tpu.memref_slice %arg6[%add3A_454] : memref<327680xf32, #tpu.memory_space<vmem_shared>> -> memref<640xf32, #tpu.memory_space<vmem_shared>>
      %dma_start3A_458 = tpu.memref_slice %arg6[%add3A_454] : memref<327680xf32, #tpu.memory_space<vmem_shared>> -> memref<640xf32, #tpu.memory_space<vmem_shared>>
      %dma_start3A_459 = arith.constant 9600 : i32
      %dma_start3A_460 = tpu.memref_slice %arg11[%dma_start3A_459] : memref<20480xf32, #tpu.memory_space<vmem>> -> memref<640xf32, #tpu.memory_space<vmem>>
      tpu.enqueue_dma source(%dma_start3A_460 : memref<640xf32, #tpu.memory_space<vmem>>) target(%dma_start3A_458 : memref<640xf32, #tpu.memory_space<vmem_shared>>) target_semaphore(%arg16 : memref<!tpu.dma_semaphore, #tpu.memory_space<semaphore_mem>>)
      %dma_wait3A_461 = arith.constant 0 : i32
      %dma_wait3A_462 = tpu.memref_slice %arg11[%dma_wait3A_461] : memref<20480xf32, #tpu.memory_space<vmem>> -> memref<640xf32, #tpu.memory_space<vmem>>
      %dma_wait3A_463 = tpu.memref_slice %arg6[%add3A_319] : memref<327680xf32, #tpu.memory_space<vmem_shared>> -> memref<640xf32, #tpu.memory_space<vmem_shared>>
      %dma_wait3A_464 = tpu.memref_slice %arg6[%add3A_319] : memref<327680xf32, #tpu.memory_space<vmem_shared>> -> memref<640xf32, #tpu.memory_space<vmem_shared>>
      %dma_wait3A_465 = arith.constant 0 : i32
      %dma_wait3A_466 = tpu.memref_slice %arg11[%dma_wait3A_465] : memref<20480xf32, #tpu.memory_space<vmem>> -> memref<640xf32, #tpu.memory_space<vmem>>
      tpu.wait_dma2 semaphore(%arg16 : memref<!tpu.dma_semaphore, #tpu.memory_space<semaphore_mem>>) src(%dma_wait3A_466 : memref<640xf32, #tpu.memory_space<vmem>>) dst(%dma_wait3A_464 : memref<640xf32, #tpu.memory_space<vmem_shared>>)
      %dma_wait3A_467 = arith.constant 640 : i32
      %dma_wait3A_468 = tpu.memref_slice %arg11[%dma_wait3A_467] : memref<20480xf32, #tpu.memory_space<vmem>> -> memref<640xf32, #tpu.memory_space<vmem>>
      %dma_wait3A_469 = tpu.memref_slice %arg6[%add3A_328] : memref<327680xf32, #tpu.memory_space<vmem_shared>> -> memref<640xf32, #tpu.memory_space<vmem_shared>>
      %dma_wait3A_470 = tpu.memref_slice %arg6[%add3A_328] : memref<327680xf32, #tpu.memory_space<vmem_shared>> -> memref<640xf32, #tpu.memory_space<vmem_shared>>
      %dma_wait3A_471 = arith.constant 640 : i32
      %dma_wait3A_472 = tpu.memref_slice %arg11[%dma_wait3A_471] : memref<20480xf32, #tpu.memory_space<vmem>> -> memref<640xf32, #tpu.memory_space<vmem>>
      tpu.wait_dma2 semaphore(%arg16 : memref<!tpu.dma_semaphore, #tpu.memory_space<semaphore_mem>>) src(%dma_wait3A_472 : memref<640xf32, #tpu.memory_space<vmem>>) dst(%dma_wait3A_470 : memref<640xf32, #tpu.memory_space<vmem_shared>>)
      %dma_wait3A_473 = arith.constant 1280 : i32
      %dma_wait3A_474 = tpu.memref_slice %arg11[%dma_wait3A_473] : memref<20480xf32, #tpu.memory_space<vmem>> -> memref<640xf32, #tpu.memory_space<vmem>>
      %dma_wait3A_475 = tpu.memref_slice %arg6[%add3A_337] : memref<327680xf32, #tpu.memory_space<vmem_shared>> -> memref<640xf32, #tpu.memory_space<vmem_shared>>
      %dma_wait3A_476 = tpu.memref_slice %arg6[%add3A_337] : memref<327680xf32, #tpu.memory_space<vmem_shared>> -> memref<640xf32, #tpu.memory_space<vmem_shared>>
      %dma_wait3A_477 = arith.constant 1280 : i32
      %dma_wait3A_478 = tpu.memref_slice %arg11[%dma_wait3A_477] : memref<20480xf32, #tpu.memory_space<vmem>> -> memref<640xf32, #tpu.memory_space<vmem>>
      tpu.wait_dma2 semaphore(%arg16 : memref<!tpu.dma_semaphore, #tpu.memory_space<semaphore_mem>>) src(%dma_wait3A_478 : memref<640xf32, #tpu.memory_space<vmem>>) dst(%dma_wait3A_476 : memref<640xf32, #tpu.memory_space<vmem_shared>>)
      %dma_wait3A_479 = arith.constant 1920 : i32
      %dma_wait3A_480 = tpu.memref_slice %arg11[%dma_wait3A_479] : memref<20480xf32, #tpu.memory_space<vmem>> -> memref<640xf32, #tpu.memory_space<vmem>>
      %dma_wait3A_481 = tpu.memref_slice %arg6[%add3A_346] : memref<327680xf32, #tpu.memory_space<vmem_shared>> -> memref<640xf32, #tpu.memory_space<vmem_shared>>
      %dma_wait3A_482 = tpu.memref_slice %arg6[%add3A_346] : memref<327680xf32, #tpu.memory_space<vmem_shared>> -> memref<640xf32, #tpu.memory_space<vmem_shared>>
      %dma_wait3A_483 = arith.constant 1920 : i32
      %dma_wait3A_484 = tpu.memref_slice %arg11[%dma_wait3A_483] : memref<20480xf32, #tpu.memory_space<vmem>> -> memref<640xf32, #tpu.memory_space<vmem>>
      tpu.wait_dma2 semaphore(%arg16 : memref<!tpu.dma_semaphore, #tpu.memory_space<semaphore_mem>>) src(%dma_wait3A_484 : memref<640xf32, #tpu.memory_space<vmem>>) dst(%dma_wait3A_482 : memref<640xf32, #tpu.memory_space<vmem_shared>>)
      %dma_wait3A_485 = arith.constant 2560 : i32
      %dma_wait3A_486 = tpu.memref_slice %arg11[%dma_wait3A_485] : memref<20480xf32, #tpu.memory_space<vmem>> -> memref<640xf32, #tpu.memory_space<vmem>>
      %dma_wait3A_487 = tpu.memref_slice %arg6[%add3A_355] : memref<327680xf32, #tpu.memory_space<vmem_shared>> -> memref<640xf32, #tpu.memory_space<vmem_shared>>
      %dma_wait3A_488 = tpu.memref_slice %arg6[%add3A_355] : memref<327680xf32, #tpu.memory_space<vmem_shared>> -> memref<640xf32, #tpu.memory_space<vmem_shared>>
      %dma_wait3A_489 = arith.constant 2560 : i32
      %dma_wait3A_490 = tpu.memref_slice %arg11[%dma_wait3A_489] : memref<20480xf32, #tpu.memory_space<vmem>> -> memref<640xf32, #tpu.memory_space<vmem>>
      tpu.wait_dma2 semaphore(%arg16 : memref<!tpu.dma_semaphore, #tpu.memory_space<semaphore_mem>>) src(%dma_wait3A_490 : memref<640xf32, #tpu.memory_space<vmem>>) dst(%dma_wait3A_488 : memref<640xf32, #tpu.memory_space<vmem_shared>>)
      %dma_wait3A_491 = arith.constant 3200 : i32
      %dma_wait3A_492 = tpu.memref_slice %arg11[%dma_wait3A_491] : memref<20480xf32, #tpu.memory_space<vmem>> -> memref<640xf32, #tpu.memory_space<vmem>>
      %dma_wait3A_493 = tpu.memref_slice %arg6[%add3A_364] : memref<327680xf32, #tpu.memory_space<vmem_shared>> -> memref<640xf32, #tpu.memory_space<vmem_shared>>
      %dma_wait3A_494 = tpu.memref_slice %arg6[%add3A_364] : memref<327680xf32, #tpu.memory_space<vmem_shared>> -> memref<640xf32, #tpu.memory_space<vmem_shared>>
      %dma_wait3A_495 = arith.constant 3200 : i32
      %dma_wait3A_496 = tpu.memref_slice %arg11[%dma_wait3A_495] : memref<20480xf32, #tpu.memory_space<vmem>> -> memref<640xf32, #tpu.memory_space<vmem>>
      tpu.wait_dma2 semaphore(%arg16 : memref<!tpu.dma_semaphore, #tpu.memory_space<semaphore_mem>>) src(%dma_wait3A_496 : memref<640xf32, #tpu.memory_space<vmem>>) dst(%dma_wait3A_494 : memref<640xf32, #tpu.memory_space<vmem_shared>>)
      %dma_wait3A_497 = arith.constant 3840 : i32
      %dma_wait3A_498 = tpu.memref_slice %arg11[%dma_wait3A_497] : memref<20480xf32, #tpu.memory_space<vmem>> -> memref<640xf32, #tpu.memory_space<vmem>>
      %dma_wait3A_499 = tpu.memref_slice %arg6[%add3A_373] : memref<327680xf32, #tpu.memory_space<vmem_shared>> -> memref<640xf32, #tpu.memory_space<vmem_shared>>
      %dma_wait3A_500 = tpu.memref_slice %arg6[%add3A_373] : memref<327680xf32, #tpu.memory_space<vmem_shared>> -> memref<640xf32, #tpu.memory_space<vmem_shared>>
      %dma_wait3A_501 = arith.constant 3840 : i32
      %dma_wait3A_502 = tpu.memref_slice %arg11[%dma_wait3A_501] : memref<20480xf32, #tpu.memory_space<vmem>> -> memref<640xf32, #tpu.memory_space<vmem>>
      tpu.wait_dma2 semaphore(%arg16 : memref<!tpu.dma_semaphore, #tpu.memory_space<semaphore_mem>>) src(%dma_wait3A_502 : memref<640xf32, #tpu.memory_space<vmem>>) dst(%dma_wait3A_500 : memref<640xf32, #tpu.memory_space<vmem_shared>>)
      %dma_wait3A_503 = arith.constant 4480 : i32
      %dma_wait3A_504 = tpu.memref_slice %arg11[%dma_wait3A_503] : memref<20480xf32, #tpu.memory_space<vmem>> -> memref<640xf32, #tpu.memory_space<vmem>>
      %dma_wait3A_505 = tpu.memref_slice %arg6[%add3A_382] : memref<327680xf32, #tpu.memory_space<vmem_shared>> -> memref<640xf32, #tpu.memory_space<vmem_shared>>
      %dma_wait3A_506 = tpu.memref_slice %arg6[%add3A_382] : memref<327680xf32, #tpu.memory_space<vmem_shared>> -> memref<640xf32, #tpu.memory_space<vmem_shared>>
      %dma_wait3A_507 = arith.constant 4480 : i32
      %dma_wait3A_508 = tpu.memref_slice %arg11[%dma_wait3A_507] : memref<20480xf32, #tpu.memory_space<vmem>> -> memref<640xf32, #tpu.memory_space<vmem>>
      tpu.wait_dma2 semaphore(%arg16 : memref<!tpu.dma_semaphore, #tpu.memory_space<semaphore_mem>>) src(%dma_wait3A_508 : memref<640xf32, #tpu.memory_space<vmem>>) dst(%dma_wait3A_506 : memref<640xf32, #tpu.memory_space<vmem_shared>>)
      %dma_wait3A_509 = arith.constant 5120 : i32
      %dma_wait3A_510 = tpu.memref_slice %arg11[%dma_wait3A_509] : memref<20480xf32, #tpu.memory_space<vmem>> -> memref<640xf32, #tpu.memory_space<vmem>>
      %dma_wait3A_511 = tpu.memref_slice %arg6[%add3A_391] : memref<327680xf32, #tpu.memory_space<vmem_shared>> -> memref<640xf32, #tpu.memory_space<vmem_shared>>
      %dma_wait3A_512 = tpu.memref_slice %arg6[%add3A_391] : memref<327680xf32, #tpu.memory_space<vmem_shared>> -> memref<640xf32, #tpu.memory_space<vmem_shared>>
      %dma_wait3A_513 = arith.constant 5120 : i32
      %dma_wait3A_514 = tpu.memref_slice %arg11[%dma_wait3A_513] : memref<20480xf32, #tpu.memory_space<vmem>> -> memref<640xf32, #tpu.memory_space<vmem>>
      tpu.wait_dma2 semaphore(%arg16 : memref<!tpu.dma_semaphore, #tpu.memory_space<semaphore_mem>>) src(%dma_wait3A_514 : memref<640xf32, #tpu.memory_space<vmem>>) dst(%dma_wait3A_512 : memref<640xf32, #tpu.memory_space<vmem_shared>>)
      %dma_wait3A_515 = arith.constant 5760 : i32
      %dma_wait3A_516 = tpu.memref_slice %arg11[%dma_wait3A_515] : memref<20480xf32, #tpu.memory_space<vmem>> -> memref<640xf32, #tpu.memory_space<vmem>>
      %dma_wait3A_517 = tpu.memref_slice %arg6[%add3A_400] : memref<327680xf32, #tpu.memory_space<vmem_shared>> -> memref<640xf32, #tpu.memory_space<vmem_shared>>
      %dma_wait3A_518 = tpu.memref_slice %arg6[%add3A_400] : memref<327680xf32, #tpu.memory_space<vmem_shared>> -> memref<640xf32, #tpu.memory_space<vmem_shared>>
      %dma_wait3A_519 = arith.constant 5760 : i32
      %dma_wait3A_520 = tpu.memref_slice %arg11[%dma_wait3A_519] : memref<20480xf32, #tpu.memory_space<vmem>> -> memref<640xf32, #tpu.memory_space<vmem>>
      tpu.wait_dma2 semaphore(%arg16 : memref<!tpu.dma_semaphore, #tpu.memory_space<semaphore_mem>>) src(%dma_wait3A_520 : memref<640xf32, #tpu.memory_space<vmem>>) dst(%dma_wait3A_518 : memref<640xf32, #tpu.memory_space<vmem_shared>>)
      %dma_wait3A_521 = arith.constant 6400 : i32
      %dma_wait3A_522 = tpu.memref_slice %arg11[%dma_wait3A_521] : memref<20480xf32, #tpu.memory_space<vmem>> -> memref<640xf32, #tpu.memory_space<vmem>>
      %dma_wait3A_523 = tpu.memref_slice %arg6[%add3A_409] : memref<327680xf32, #tpu.memory_space<vmem_shared>> -> memref<640xf32, #tpu.memory_space<vmem_shared>>
      %dma_wait3A_524 = tpu.memref_slice %arg6[%add3A_409] : memref<327680xf32, #tpu.memory_space<vmem_shared>> -> memref<640xf32, #tpu.memory_space<vmem_shared>>
      %dma_wait3A_525 = arith.constant 6400 : i32
      %dma_wait3A_526 = tpu.memref_slice %arg11[%dma_wait3A_525] : memref<20480xf32, #tpu.memory_space<vmem>> -> memref<640xf32, #tpu.memory_space<vmem>>
      tpu.wait_dma2 semaphore(%arg16 : memref<!tpu.dma_semaphore, #tpu.memory_space<semaphore_mem>>) src(%dma_wait3A_526 : memref<640xf32, #tpu.memory_space<vmem>>) dst(%dma_wait3A_524 : memref<640xf32, #tpu.memory_space<vmem_shared>>)
      %dma_wait3A_527 = arith.constant 7040 : i32
      %dma_wait3A_528 = tpu.memref_slice %arg11[%dma_wait3A_527] : memref<20480xf32, #tpu.memory_space<vmem>> -> memref<640xf32, #tpu.memory_space<vmem>>
      %dma_wait3A_529 = tpu.memref_slice %arg6[%add3A_418] : memref<327680xf32, #tpu.memory_space<vmem_shared>> -> memref<640xf32, #tpu.memory_space<vmem_shared>>
      %dma_wait3A_530 = tpu.memref_slice %arg6[%add3A_418] : memref<327680xf32, #tpu.memory_space<vmem_shared>> -> memref<640xf32, #tpu.memory_space<vmem_shared>>
      %dma_wait3A_531 = arith.constant 7040 : i32
      %dma_wait3A_532 = tpu.memref_slice %arg11[%dma_wait3A_531] : memref<20480xf32, #tpu.memory_space<vmem>> -> memref<640xf32, #tpu.memory_space<vmem>>
      tpu.wait_dma2 semaphore(%arg16 : memref<!tpu.dma_semaphore, #tpu.memory_space<semaphore_mem>>) src(%dma_wait3A_532 : memref<640xf32, #tpu.memory_space<vmem>>) dst(%dma_wait3A_530 : memref<640xf32, #tpu.memory_space<vmem_shared>>)
      %dma_wait3A_533 = arith.constant 7680 : i32
      %dma_wait3A_534 = tpu.memref_slice %arg11[%dma_wait3A_533] : memref<20480xf32, #tpu.memory_space<vmem>> -> memref<640xf32, #tpu.memory_space<vmem>>
      %dma_wait3A_535 = tpu.memref_slice %arg6[%add3A_427] : memref<327680xf32, #tpu.memory_space<vmem_shared>> -> memref<640xf32, #tpu.memory_space<vmem_shared>>
      %dma_wait3A_536 = tpu.memref_slice %arg6[%add3A_427] : memref<327680xf32, #tpu.memory_space<vmem_shared>> -> memref<640xf32, #tpu.memory_space<vmem_shared>>
      %dma_wait3A_537 = arith.constant 7680 : i32
      %dma_wait3A_538 = tpu.memref_slice %arg11[%dma_wait3A_537] : memref<20480xf32, #tpu.memory_space<vmem>> -> memref<640xf32, #tpu.memory_space<vmem>>
      tpu.wait_dma2 semaphore(%arg16 : memref<!tpu.dma_semaphore, #tpu.memory_space<semaphore_mem>>) src(%dma_wait3A_538 : memref<640xf32, #tpu.memory_space<vmem>>) dst(%dma_wait3A_536 : memref<640xf32, #tpu.memory_space<vmem_shared>>)
      %dma_wait3A_539 = arith.constant 8320 : i32
      %dma_wait3A_540 = tpu.memref_slice %arg11[%dma_wait3A_539] : memref<20480xf32, #tpu.memory_space<vmem>> -> memref<640xf32, #tpu.memory_space<vmem>>
      %dma_wait3A_541 = tpu.memref_slice %arg6[%add3A_436] : memref<327680xf32, #tpu.memory_space<vmem_shared>> -> memref<640xf32, #tpu.memory_space<vmem_shared>>
      %dma_wait3A_542 = tpu.memref_slice %arg6[%add3A_436] : memref<327680xf32, #tpu.memory_space<vmem_shared>> -> memref<640xf32, #tpu.memory_space<vmem_shared>>
      %dma_wait3A_543 = arith.constant 8320 : i32
      %dma_wait3A_544 = tpu.memref_slice %arg11[%dma_wait3A_543] : memref<20480xf32, #tpu.memory_space<vmem>> -> memref<640xf32, #tpu.memory_space<vmem>>
      tpu.wait_dma2 semaphore(%arg16 : memref<!tpu.dma_semaphore, #tpu.memory_space<semaphore_mem>>) src(%dma_wait3A_544 : memref<640xf32, #tpu.memory_space<vmem>>) dst(%dma_wait3A_542 : memref<640xf32, #tpu.memory_space<vmem_shared>>)
      %dma_wait3A_545 = arith.constant 8960 : i32
      %dma_wait3A_546 = tpu.memref_slice %arg11[%dma_wait3A_545] : memref<20480xf32, #tpu.memory_space<vmem>> -> memref<640xf32, #tpu.memory_space<vmem>>
      %dma_wait3A_547 = tpu.memref_slice %arg6[%add3A_445] : memref<327680xf32, #tpu.memory_space<vmem_shared>> -> memref<640xf32, #tpu.memory_space<vmem_shared>>
      %dma_wait3A_548 = tpu.memref_slice %arg6[%add3A_445] : memref<327680xf32, #tpu.memory_space<vmem_shared>> -> memref<640xf32, #tpu.memory_space<vmem_shared>>
      %dma_wait3A_549 = arith.constant 8960 : i32
      %dma_wait3A_550 = tpu.memref_slice %arg11[%dma_wait3A_549] : memref<20480xf32, #tpu.memory_space<vmem>> -> memref<640xf32, #tpu.memory_space<vmem>>
      tpu.wait_dma2 semaphore(%arg16 : memref<!tpu.dma_semaphore, #tpu.memory_space<semaphore_mem>>) src(%dma_wait3A_550 : memref<640xf32, #tpu.memory_space<vmem>>) dst(%dma_wait3A_548 : memref<640xf32, #tpu.memory_space<vmem_shared>>)
      %dma_wait3A_551 = arith.constant 9600 : i32
      %dma_wait3A_552 = tpu.memref_slice %arg11[%dma_wait3A_551] : memref<20480xf32, #tpu.memory_space<vmem>> -> memref<640xf32, #tpu.memory_space<vmem>>
      %dma_wait3A_553 = tpu.memref_slice %arg6[%add3A_454] : memref<327680xf32, #tpu.memory_space<vmem_shared>> -> memref<640xf32, #tpu.memory_space<vmem_shared>>
      %dma_wait3A_554 = tpu.memref_slice %arg6[%add3A_454] : memref<327680xf32, #tpu.memory_space<vmem_shared>> -> memref<640xf32, #tpu.memory_space<vmem_shared>>
      %dma_wait3A_555 = arith.constant 9600 : i32
      %dma_wait3A_556 = tpu.memref_slice %arg11[%dma_wait3A_555] : memref<20480xf32, #tpu.memory_space<vmem>> -> memref<640xf32, #tpu.memory_space<vmem>>
      tpu.wait_dma2 semaphore(%arg16 : memref<!tpu.dma_semaphore, #tpu.memory_space<semaphore_mem>>) src(%dma_wait3A_556 : memref<640xf32, #tpu.memory_space<vmem>>) dst(%dma_wait3A_554 : memref<640xf32, #tpu.memory_space<vmem_shared>>)
      %eq3A_557 = arith.constant 0 : i32
      %eq3A_558 = arith.cmpi eq, %arg0, %eq3A_557 : i32
      %convert_element_type3A_559 = arith.extui %eq3A_558 : i1 to i32
      %cond3A_560 = arith.constant 0 : i32
      %cond3A_561 = arith.cmpi ne, %convert_element_type3A_559, %cond3A_560 : i32
      scf.if %cond3A_561 {
        %multiple_of3A_584 = arith.constant 163840 : i32
        %multiple_of3A_585 = tpu.assume_multiple %multiple_of3A_584, 8 : i32
        %add3A_586 = arith.addi %multiple_of3A_585, %multiple_of3A_3 : i32
        %dma_start3A_587 = arith.constant 10240 : i32
        %dma_start3A_588 = tpu.memref_slice %arg11[%dma_start3A_587] : memref<20480xf32, #tpu.memory_space<vmem>> -> memref<640xf32, #tpu.memory_space<vmem>>
        %dma_start3A_589 = tpu.memref_slice %arg6[%add3A_586] : memref<327680xf32, #tpu.memory_space<vmem_shared>> -> memref<640xf32, #tpu.memory_space<vmem_shared>>
        %dma_start3A_590 = tpu.memref_slice %arg6[%add3A_586] : memref<327680xf32, #tpu.memory_space<vmem_shared>> -> memref<640xf32, #tpu.memory_space<vmem_shared>>
        %dma_start3A_591 = arith.constant 10240 : i32
        %dma_start3A_592 = tpu.memref_slice %arg11[%dma_start3A_591] : memref<20480xf32, #tpu.memory_space<vmem>> -> memref<640xf32, #tpu.memory_space<vmem>>
        tpu.enqueue_dma source(%dma_start3A_592 : memref<640xf32, #tpu.memory_space<vmem>>) target(%dma_start3A_590 : memref<640xf32, #tpu.memory_space<vmem_shared>>) target_semaphore(%arg16 : memref<!tpu.dma_semaphore, #tpu.memory_space<semaphore_mem>>)
        %multiple_of3A_593 = arith.constant 174080 : i32
        %multiple_of3A_594 = tpu.assume_multiple %multiple_of3A_593, 8 : i32
        %add3A_595 = arith.addi %multiple_of3A_594, %multiple_of3A_3 : i32
        %dma_start3A_596 = arith.constant 10880 : i32
        %dma_start3A_597 = tpu.memref_slice %arg11[%dma_start3A_596] : memref<20480xf32, #tpu.memory_space<vmem>> -> memref<640xf32, #tpu.memory_space<vmem>>
        %dma_start3A_598 = tpu.memref_slice %arg6[%add3A_595] : memref<327680xf32, #tpu.memory_space<vmem_shared>> -> memref<640xf32, #tpu.memory_space<vmem_shared>>
        %dma_start3A_599 = tpu.memref_slice %arg6[%add3A_595] : memref<327680xf32, #tpu.memory_space<vmem_shared>> -> memref<640xf32, #tpu.memory_space<vmem_shared>>
        %dma_start3A_600 = arith.constant 10880 : i32
        %dma_start3A_601 = tpu.memref_slice %arg11[%dma_start3A_600] : memref<20480xf32, #tpu.memory_space<vmem>> -> memref<640xf32, #tpu.memory_space<vmem>>
        tpu.enqueue_dma source(%dma_start3A_601 : memref<640xf32, #tpu.memory_space<vmem>>) target(%dma_start3A_599 : memref<640xf32, #tpu.memory_space<vmem_shared>>) target_semaphore(%arg16 : memref<!tpu.dma_semaphore, #tpu.memory_space<semaphore_mem>>)
        %multiple_of3A_602 = arith.constant 184320 : i32
        %multiple_of3A_603 = tpu.assume_multiple %multiple_of3A_602, 8 : i32
        %add3A_604 = arith.addi %multiple_of3A_603, %multiple_of3A_3 : i32
        %dma_start3A_605 = arith.constant 11520 : i32
        %dma_start3A_606 = tpu.memref_slice %arg11[%dma_start3A_605] : memref<20480xf32, #tpu.memory_space<vmem>> -> memref<640xf32, #tpu.memory_space<vmem>>
        %dma_start3A_607 = tpu.memref_slice %arg6[%add3A_604] : memref<327680xf32, #tpu.memory_space<vmem_shared>> -> memref<640xf32, #tpu.memory_space<vmem_shared>>
        %dma_start3A_608 = tpu.memref_slice %arg6[%add3A_604] : memref<327680xf32, #tpu.memory_space<vmem_shared>> -> memref<640xf32, #tpu.memory_space<vmem_shared>>
        %dma_start3A_609 = arith.constant 11520 : i32
        %dma_start3A_610 = tpu.memref_slice %arg11[%dma_start3A_609] : memref<20480xf32, #tpu.memory_space<vmem>> -> memref<640xf32, #tpu.memory_space<vmem>>
        tpu.enqueue_dma source(%dma_start3A_610 : memref<640xf32, #tpu.memory_space<vmem>>) target(%dma_start3A_608 : memref<640xf32, #tpu.memory_space<vmem_shared>>) target_semaphore(%arg16 : memref<!tpu.dma_semaphore, #tpu.memory_space<semaphore_mem>>)
        %multiple_of3A_611 = arith.constant 194560 : i32
        %multiple_of3A_612 = tpu.assume_multiple %multiple_of3A_611, 8 : i32
        %add3A_613 = arith.addi %multiple_of3A_612, %multiple_of3A_3 : i32
        %dma_start3A_614 = arith.constant 12160 : i32
        %dma_start3A_615 = tpu.memref_slice %arg11[%dma_start3A_614] : memref<20480xf32, #tpu.memory_space<vmem>> -> memref<640xf32, #tpu.memory_space<vmem>>
        %dma_start3A_616 = tpu.memref_slice %arg6[%add3A_613] : memref<327680xf32, #tpu.memory_space<vmem_shared>> -> memref<640xf32, #tpu.memory_space<vmem_shared>>
        %dma_start3A_617 = tpu.memref_slice %arg6[%add3A_613] : memref<327680xf32, #tpu.memory_space<vmem_shared>> -> memref<640xf32, #tpu.memory_space<vmem_shared>>
        %dma_start3A_618 = arith.constant 12160 : i32
        %dma_start3A_619 = tpu.memref_slice %arg11[%dma_start3A_618] : memref<20480xf32, #tpu.memory_space<vmem>> -> memref<640xf32, #tpu.memory_space<vmem>>
        tpu.enqueue_dma source(%dma_start3A_619 : memref<640xf32, #tpu.memory_space<vmem>>) target(%dma_start3A_617 : memref<640xf32, #tpu.memory_space<vmem_shared>>) target_semaphore(%arg16 : memref<!tpu.dma_semaphore, #tpu.memory_space<semaphore_mem>>)
        %multiple_of3A_620 = arith.constant 204800 : i32
        %multiple_of3A_621 = tpu.assume_multiple %multiple_of3A_620, 8 : i32
        %add3A_622 = arith.addi %multiple_of3A_621, %multiple_of3A_3 : i32
        %dma_start3A_623 = arith.constant 12800 : i32
        %dma_start3A_624 = tpu.memref_slice %arg11[%dma_start3A_623] : memref<20480xf32, #tpu.memory_space<vmem>> -> memref<640xf32, #tpu.memory_space<vmem>>
        %dma_start3A_625 = tpu.memref_slice %arg6[%add3A_622] : memref<327680xf32, #tpu.memory_space<vmem_shared>> -> memref<640xf32, #tpu.memory_space<vmem_shared>>
        %dma_start3A_626 = tpu.memref_slice %arg6[%add3A_622] : memref<327680xf32, #tpu.memory_space<vmem_shared>> -> memref<640xf32, #tpu.memory_space<vmem_shared>>
        %dma_start3A_627 = arith.constant 12800 : i32
        %dma_start3A_628 = tpu.memref_slice %arg11[%dma_start3A_627] : memref<20480xf32, #tpu.memory_space<vmem>> -> memref<640xf32, #tpu.memory_space<vmem>>
        tpu.enqueue_dma source(%dma_start3A_628 : memref<640xf32, #tpu.memory_space<vmem>>) target(%dma_start3A_626 : memref<640xf32, #tpu.memory_space<vmem_shared>>) target_semaphore(%arg16 : memref<!tpu.dma_semaphore, #tpu.memory_space<semaphore_mem>>)
        %multiple_of3A_629 = arith.constant 215040 : i32
        %multiple_of3A_630 = tpu.assume_multiple %multiple_of3A_629, 8 : i32
        %add3A_631 = arith.addi %multiple_of3A_630, %multiple_of3A_3 : i32
        %dma_start3A_632 = arith.constant 13440 : i32
        %dma_start3A_633 = tpu.memref_slice %arg11[%dma_start3A_632] : memref<20480xf32, #tpu.memory_space<vmem>> -> memref<640xf32, #tpu.memory_space<vmem>>
        %dma_start3A_634 = tpu.memref_slice %arg6[%add3A_631] : memref<327680xf32, #tpu.memory_space<vmem_shared>> -> memref<640xf32, #tpu.memory_space<vmem_shared>>
        %dma_start3A_635 = tpu.memref_slice %arg6[%add3A_631] : memref<327680xf32, #tpu.memory_space<vmem_shared>> -> memref<640xf32, #tpu.memory_space<vmem_shared>>
        %dma_start3A_636 = arith.constant 13440 : i32
        %dma_start3A_637 = tpu.memref_slice %arg11[%dma_start3A_636] : memref<20480xf32, #tpu.memory_space<vmem>> -> memref<640xf32, #tpu.memory_space<vmem>>
        tpu.enqueue_dma source(%dma_start3A_637 : memref<640xf32, #tpu.memory_space<vmem>>) target(%dma_start3A_635 : memref<640xf32, #tpu.memory_space<vmem_shared>>) target_semaphore(%arg16 : memref<!tpu.dma_semaphore, #tpu.memory_space<semaphore_mem>>)
        %multiple_of3A_638 = arith.constant 225280 : i32
        %multiple_of3A_639 = tpu.assume_multiple %multiple_of3A_638, 8 : i32
        %add3A_640 = arith.addi %multiple_of3A_639, %multiple_of3A_3 : i32
        %dma_start3A_641 = arith.constant 14080 : i32
        %dma_start3A_642 = tpu.memref_slice %arg11[%dma_start3A_641] : memref<20480xf32, #tpu.memory_space<vmem>> -> memref<640xf32, #tpu.memory_space<vmem>>
        %dma_start3A_643 = tpu.memref_slice %arg6[%add3A_640] : memref<327680xf32, #tpu.memory_space<vmem_shared>> -> memref<640xf32, #tpu.memory_space<vmem_shared>>
        %dma_start3A_644 = tpu.memref_slice %arg6[%add3A_640] : memref<327680xf32, #tpu.memory_space<vmem_shared>> -> memref<640xf32, #tpu.memory_space<vmem_shared>>
        %dma_start3A_645 = arith.constant 14080 : i32
        %dma_start3A_646 = tpu.memref_slice %arg11[%dma_start3A_645] : memref<20480xf32, #tpu.memory_space<vmem>> -> memref<640xf32, #tpu.memory_space<vmem>>
        tpu.enqueue_dma source(%dma_start3A_646 : memref<640xf32, #tpu.memory_space<vmem>>) target(%dma_start3A_644 : memref<640xf32, #tpu.memory_space<vmem_shared>>) target_semaphore(%arg16 : memref<!tpu.dma_semaphore, #tpu.memory_space<semaphore_mem>>)
        %multiple_of3A_647 = arith.constant 235520 : i32
        %multiple_of3A_648 = tpu.assume_multiple %multiple_of3A_647, 8 : i32
        %add3A_649 = arith.addi %multiple_of3A_648, %multiple_of3A_3 : i32
        %dma_start3A_650 = arith.constant 14720 : i32
        %dma_start3A_651 = tpu.memref_slice %arg11[%dma_start3A_650] : memref<20480xf32, #tpu.memory_space<vmem>> -> memref<640xf32, #tpu.memory_space<vmem>>
        %dma_start3A_652 = tpu.memref_slice %arg6[%add3A_649] : memref<327680xf32, #tpu.memory_space<vmem_shared>> -> memref<640xf32, #tpu.memory_space<vmem_shared>>
        %dma_start3A_653 = tpu.memref_slice %arg6[%add3A_649] : memref<327680xf32, #tpu.memory_space<vmem_shared>> -> memref<640xf32, #tpu.memory_space<vmem_shared>>
        %dma_start3A_654 = arith.constant 14720 : i32
        %dma_start3A_655 = tpu.memref_slice %arg11[%dma_start3A_654] : memref<20480xf32, #tpu.memory_space<vmem>> -> memref<640xf32, #tpu.memory_space<vmem>>
        tpu.enqueue_dma source(%dma_start3A_655 : memref<640xf32, #tpu.memory_space<vmem>>) target(%dma_start3A_653 : memref<640xf32, #tpu.memory_space<vmem_shared>>) target_semaphore(%arg16 : memref<!tpu.dma_semaphore, #tpu.memory_space<semaphore_mem>>)
        %multiple_of3A_656 = arith.constant 245760 : i32
        %multiple_of3A_657 = tpu.assume_multiple %multiple_of3A_656, 8 : i32
        %add3A_658 = arith.addi %multiple_of3A_657, %multiple_of3A_3 : i32
        %dma_start3A_659 = arith.constant 15360 : i32
        %dma_start3A_660 = tpu.memref_slice %arg11[%dma_start3A_659] : memref<20480xf32, #tpu.memory_space<vmem>> -> memref<640xf32, #tpu.memory_space<vmem>>
        %dma_start3A_661 = tpu.memref_slice %arg6[%add3A_658] : memref<327680xf32, #tpu.memory_space<vmem_shared>> -> memref<640xf32, #tpu.memory_space<vmem_shared>>
        %dma_start3A_662 = tpu.memref_slice %arg6[%add3A_658] : memref<327680xf32, #tpu.memory_space<vmem_shared>> -> memref<640xf32, #tpu.memory_space<vmem_shared>>
        %dma_start3A_663 = arith.constant 15360 : i32
        %dma_start3A_664 = tpu.memref_slice %arg11[%dma_start3A_663] : memref<20480xf32, #tpu.memory_space<vmem>> -> memref<640xf32, #tpu.memory_space<vmem>>
        tpu.enqueue_dma source(%dma_start3A_664 : memref<640xf32, #tpu.memory_space<vmem>>) target(%dma_start3A_662 : memref<640xf32, #tpu.memory_space<vmem_shared>>) target_semaphore(%arg16 : memref<!tpu.dma_semaphore, #tpu.memory_space<semaphore_mem>>)
        %multiple_of3A_665 = arith.constant 256000 : i32
        %multiple_of3A_666 = tpu.assume_multiple %multiple_of3A_665, 8 : i32
        %add3A_667 = arith.addi %multiple_of3A_666, %multiple_of3A_3 : i32
        %dma_start3A_668 = arith.constant 16000 : i32
        %dma_start3A_669 = tpu.memref_slice %arg11[%dma_start3A_668] : memref<20480xf32, #tpu.memory_space<vmem>> -> memref<640xf32, #tpu.memory_space<vmem>>
        %dma_start3A_670 = tpu.memref_slice %arg6[%add3A_667] : memref<327680xf32, #tpu.memory_space<vmem_shared>> -> memref<640xf32, #tpu.memory_space<vmem_shared>>
        %dma_start3A_671 = tpu.memref_slice %arg6[%add3A_667] : memref<327680xf32, #tpu.memory_space<vmem_shared>> -> memref<640xf32, #tpu.memory_space<vmem_shared>>
        %dma_start3A_672 = arith.constant 16000 : i32
        %dma_start3A_673 = tpu.memref_slice %arg11[%dma_start3A_672] : memref<20480xf32, #tpu.memory_space<vmem>> -> memref<640xf32, #tpu.memory_space<vmem>>
        tpu.enqueue_dma source(%dma_start3A_673 : memref<640xf32, #tpu.memory_space<vmem>>) target(%dma_start3A_671 : memref<640xf32, #tpu.memory_space<vmem_shared>>) target_semaphore(%arg16 : memref<!tpu.dma_semaphore, #tpu.memory_space<semaphore_mem>>)
        %multiple_of3A_674 = arith.constant 266240 : i32
        %multiple_of3A_675 = tpu.assume_multiple %multiple_of3A_674, 8 : i32
        %add3A_676 = arith.addi %multiple_of3A_675, %multiple_of3A_3 : i32
        %dma_start3A_677 = arith.constant 16640 : i32
        %dma_start3A_678 = tpu.memref_slice %arg11[%dma_start3A_677] : memref<20480xf32, #tpu.memory_space<vmem>> -> memref<640xf32, #tpu.memory_space<vmem>>
        %dma_start3A_679 = tpu.memref_slice %arg6[%add3A_676] : memref<327680xf32, #tpu.memory_space<vmem_shared>> -> memref<640xf32, #tpu.memory_space<vmem_shared>>
        %dma_start3A_680 = tpu.memref_slice %arg6[%add3A_676] : memref<327680xf32, #tpu.memory_space<vmem_shared>> -> memref<640xf32, #tpu.memory_space<vmem_shared>>
        %dma_start3A_681 = arith.constant 16640 : i32
        %dma_start3A_682 = tpu.memref_slice %arg11[%dma_start3A_681] : memref<20480xf32, #tpu.memory_space<vmem>> -> memref<640xf32, #tpu.memory_space<vmem>>
        tpu.enqueue_dma source(%dma_start3A_682 : memref<640xf32, #tpu.memory_space<vmem>>) target(%dma_start3A_680 : memref<640xf32, #tpu.memory_space<vmem_shared>>) target_semaphore(%arg16 : memref<!tpu.dma_semaphore, #tpu.memory_space<semaphore_mem>>)
        %multiple_of3A_683 = arith.constant 276480 : i32
        %multiple_of3A_684 = tpu.assume_multiple %multiple_of3A_683, 8 : i32
        %add3A_685 = arith.addi %multiple_of3A_684, %multiple_of3A_3 : i32
        %dma_start3A_686 = arith.constant 17280 : i32
        %dma_start3A_687 = tpu.memref_slice %arg11[%dma_start3A_686] : memref<20480xf32, #tpu.memory_space<vmem>> -> memref<640xf32, #tpu.memory_space<vmem>>
        %dma_start3A_688 = tpu.memref_slice %arg6[%add3A_685] : memref<327680xf32, #tpu.memory_space<vmem_shared>> -> memref<640xf32, #tpu.memory_space<vmem_shared>>
        %dma_start3A_689 = tpu.memref_slice %arg6[%add3A_685] : memref<327680xf32, #tpu.memory_space<vmem_shared>> -> memref<640xf32, #tpu.memory_space<vmem_shared>>
        %dma_start3A_690 = arith.constant 17280 : i32
        %dma_start3A_691 = tpu.memref_slice %arg11[%dma_start3A_690] : memref<20480xf32, #tpu.memory_space<vmem>> -> memref<640xf32, #tpu.memory_space<vmem>>
        tpu.enqueue_dma source(%dma_start3A_691 : memref<640xf32, #tpu.memory_space<vmem>>) target(%dma_start3A_689 : memref<640xf32, #tpu.memory_space<vmem_shared>>) target_semaphore(%arg16 : memref<!tpu.dma_semaphore, #tpu.memory_space<semaphore_mem>>)
        %multiple_of3A_692 = arith.constant 286720 : i32
        %multiple_of3A_693 = tpu.assume_multiple %multiple_of3A_692, 8 : i32
        %add3A_694 = arith.addi %multiple_of3A_693, %multiple_of3A_3 : i32
        %dma_start3A_695 = arith.constant 17920 : i32
        %dma_start3A_696 = tpu.memref_slice %arg11[%dma_start3A_695] : memref<20480xf32, #tpu.memory_space<vmem>> -> memref<640xf32, #tpu.memory_space<vmem>>
        %dma_start3A_697 = tpu.memref_slice %arg6[%add3A_694] : memref<327680xf32, #tpu.memory_space<vmem_shared>> -> memref<640xf32, #tpu.memory_space<vmem_shared>>
        %dma_start3A_698 = tpu.memref_slice %arg6[%add3A_694] : memref<327680xf32, #tpu.memory_space<vmem_shared>> -> memref<640xf32, #tpu.memory_space<vmem_shared>>
        %dma_start3A_699 = arith.constant 17920 : i32
        %dma_start3A_700 = tpu.memref_slice %arg11[%dma_start3A_699] : memref<20480xf32, #tpu.memory_space<vmem>> -> memref<640xf32, #tpu.memory_space<vmem>>
        tpu.enqueue_dma source(%dma_start3A_700 : memref<640xf32, #tpu.memory_space<vmem>>) target(%dma_start3A_698 : memref<640xf32, #tpu.memory_space<vmem_shared>>) target_semaphore(%arg16 : memref<!tpu.dma_semaphore, #tpu.memory_space<semaphore_mem>>)
        %multiple_of3A_701 = arith.constant 296960 : i32
        %multiple_of3A_702 = tpu.assume_multiple %multiple_of3A_701, 8 : i32
        %add3A_703 = arith.addi %multiple_of3A_702, %multiple_of3A_3 : i32
        %dma_start3A_704 = arith.constant 18560 : i32
        %dma_start3A_705 = tpu.memref_slice %arg11[%dma_start3A_704] : memref<20480xf32, #tpu.memory_space<vmem>> -> memref<640xf32, #tpu.memory_space<vmem>>
        %dma_start3A_706 = tpu.memref_slice %arg6[%add3A_703] : memref<327680xf32, #tpu.memory_space<vmem_shared>> -> memref<640xf32, #tpu.memory_space<vmem_shared>>
        %dma_start3A_707 = tpu.memref_slice %arg6[%add3A_703] : memref<327680xf32, #tpu.memory_space<vmem_shared>> -> memref<640xf32, #tpu.memory_space<vmem_shared>>
        %dma_start3A_708 = arith.constant 18560 : i32
        %dma_start3A_709 = tpu.memref_slice %arg11[%dma_start3A_708] : memref<20480xf32, #tpu.memory_space<vmem>> -> memref<640xf32, #tpu.memory_space<vmem>>
        tpu.enqueue_dma source(%dma_start3A_709 : memref<640xf32, #tpu.memory_space<vmem>>) target(%dma_start3A_707 : memref<640xf32, #tpu.memory_space<vmem_shared>>) target_semaphore(%arg16 : memref<!tpu.dma_semaphore, #tpu.memory_space<semaphore_mem>>)
        %multiple_of3A_710 = arith.constant 307200 : i32
        %multiple_of3A_711 = tpu.assume_multiple %multiple_of3A_710, 8 : i32
        %add3A_712 = arith.addi %multiple_of3A_711, %multiple_of3A_3 : i32
        %dma_start3A_713 = arith.constant 19200 : i32
        %dma_start3A_714 = tpu.memref_slice %arg11[%dma_start3A_713] : memref<20480xf32, #tpu.memory_space<vmem>> -> memref<640xf32, #tpu.memory_space<vmem>>
        %dma_start3A_715 = tpu.memref_slice %arg6[%add3A_712] : memref<327680xf32, #tpu.memory_space<vmem_shared>> -> memref<640xf32, #tpu.memory_space<vmem_shared>>
        %dma_start3A_716 = tpu.memref_slice %arg6[%add3A_712] : memref<327680xf32, #tpu.memory_space<vmem_shared>> -> memref<640xf32, #tpu.memory_space<vmem_shared>>
        %dma_start3A_717 = arith.constant 19200 : i32
        %dma_start3A_718 = tpu.memref_slice %arg11[%dma_start3A_717] : memref<20480xf32, #tpu.memory_space<vmem>> -> memref<640xf32, #tpu.memory_space<vmem>>
        tpu.enqueue_dma source(%dma_start3A_718 : memref<640xf32, #tpu.memory_space<vmem>>) target(%dma_start3A_716 : memref<640xf32, #tpu.memory_space<vmem_shared>>) target_semaphore(%arg16 : memref<!tpu.dma_semaphore, #tpu.memory_space<semaphore_mem>>)
        %multiple_of3A_719 = arith.constant 317440 : i32
        %multiple_of3A_720 = tpu.assume_multiple %multiple_of3A_719, 8 : i32
        %add3A_721 = arith.addi %multiple_of3A_720, %multiple_of3A_3 : i32
        %dma_start3A_722 = arith.constant 19840 : i32
        %dma_start3A_723 = tpu.memref_slice %arg11[%dma_start3A_722] : memref<20480xf32, #tpu.memory_space<vmem>> -> memref<640xf32, #tpu.memory_space<vmem>>
        %dma_start3A_724 = tpu.memref_slice %arg6[%add3A_721] : memref<327680xf32, #tpu.memory_space<vmem_shared>> -> memref<640xf32, #tpu.memory_space<vmem_shared>>
        %dma_start3A_725 = tpu.memref_slice %arg6[%add3A_721] : memref<327680xf32, #tpu.memory_space<vmem_shared>> -> memref<640xf32, #tpu.memory_space<vmem_shared>>
        %dma_start3A_726 = arith.constant 19840 : i32
        %dma_start3A_727 = tpu.memref_slice %arg11[%dma_start3A_726] : memref<20480xf32, #tpu.memory_space<vmem>> -> memref<640xf32, #tpu.memory_space<vmem>>
        tpu.enqueue_dma source(%dma_start3A_727 : memref<640xf32, #tpu.memory_space<vmem>>) target(%dma_start3A_725 : memref<640xf32, #tpu.memory_space<vmem_shared>>) target_semaphore(%arg16 : memref<!tpu.dma_semaphore, #tpu.memory_space<semaphore_mem>>)
        %dma_wait3A_728 = arith.constant 10240 : i32
        %dma_wait3A_729 = tpu.memref_slice %arg11[%dma_wait3A_728] : memref<20480xf32, #tpu.memory_space<vmem>> -> memref<640xf32, #tpu.memory_space<vmem>>
        %dma_wait3A_730 = tpu.memref_slice %arg6[%add3A_586] : memref<327680xf32, #tpu.memory_space<vmem_shared>> -> memref<640xf32, #tpu.memory_space<vmem_shared>>
        %dma_wait3A_731 = tpu.memref_slice %arg6[%add3A_586] : memref<327680xf32, #tpu.memory_space<vmem_shared>> -> memref<640xf32, #tpu.memory_space<vmem_shared>>
        %dma_wait3A_732 = arith.constant 10240 : i32
        %dma_wait3A_733 = tpu.memref_slice %arg11[%dma_wait3A_732] : memref<20480xf32, #tpu.memory_space<vmem>> -> memref<640xf32, #tpu.memory_space<vmem>>
        tpu.wait_dma2 semaphore(%arg16 : memref<!tpu.dma_semaphore, #tpu.memory_space<semaphore_mem>>) src(%dma_wait3A_733 : memref<640xf32, #tpu.memory_space<vmem>>) dst(%dma_wait3A_731 : memref<640xf32, #tpu.memory_space<vmem_shared>>)
        %dma_wait3A_734 = arith.constant 10880 : i32
        %dma_wait3A_735 = tpu.memref_slice %arg11[%dma_wait3A_734] : memref<20480xf32, #tpu.memory_space<vmem>> -> memref<640xf32, #tpu.memory_space<vmem>>
        %dma_wait3A_736 = tpu.memref_slice %arg6[%add3A_595] : memref<327680xf32, #tpu.memory_space<vmem_shared>> -> memref<640xf32, #tpu.memory_space<vmem_shared>>
        %dma_wait3A_737 = tpu.memref_slice %arg6[%add3A_595] : memref<327680xf32, #tpu.memory_space<vmem_shared>> -> memref<640xf32, #tpu.memory_space<vmem_shared>>
        %dma_wait3A_738 = arith.constant 10880 : i32
        %dma_wait3A_739 = tpu.memref_slice %arg11[%dma_wait3A_738] : memref<20480xf32, #tpu.memory_space<vmem>> -> memref<640xf32, #tpu.memory_space<vmem>>
        tpu.wait_dma2 semaphore(%arg16 : memref<!tpu.dma_semaphore, #tpu.memory_space<semaphore_mem>>) src(%dma_wait3A_739 : memref<640xf32, #tpu.memory_space<vmem>>) dst(%dma_wait3A_737 : memref<640xf32, #tpu.memory_space<vmem_shared>>)
        %dma_wait3A_740 = arith.constant 11520 : i32
        %dma_wait3A_741 = tpu.memref_slice %arg11[%dma_wait3A_740] : memref<20480xf32, #tpu.memory_space<vmem>> -> memref<640xf32, #tpu.memory_space<vmem>>
        %dma_wait3A_742 = tpu.memref_slice %arg6[%add3A_604] : memref<327680xf32, #tpu.memory_space<vmem_shared>> -> memref<640xf32, #tpu.memory_space<vmem_shared>>
        %dma_wait3A_743 = tpu.memref_slice %arg6[%add3A_604] : memref<327680xf32, #tpu.memory_space<vmem_shared>> -> memref<640xf32, #tpu.memory_space<vmem_shared>>
        %dma_wait3A_744 = arith.constant 11520 : i32
        %dma_wait3A_745 = tpu.memref_slice %arg11[%dma_wait3A_744] : memref<20480xf32, #tpu.memory_space<vmem>> -> memref<640xf32, #tpu.memory_space<vmem>>
        tpu.wait_dma2 semaphore(%arg16 : memref<!tpu.dma_semaphore, #tpu.memory_space<semaphore_mem>>) src(%dma_wait3A_745 : memref<640xf32, #tpu.memory_space<vmem>>) dst(%dma_wait3A_743 : memref<640xf32, #tpu.memory_space<vmem_shared>>)
        %dma_wait3A_746 = arith.constant 12160 : i32
        %dma_wait3A_747 = tpu.memref_slice %arg11[%dma_wait3A_746] : memref<20480xf32, #tpu.memory_space<vmem>> -> memref<640xf32, #tpu.memory_space<vmem>>
        %dma_wait3A_748 = tpu.memref_slice %arg6[%add3A_613] : memref<327680xf32, #tpu.memory_space<vmem_shared>> -> memref<640xf32, #tpu.memory_space<vmem_shared>>
        %dma_wait3A_749 = tpu.memref_slice %arg6[%add3A_613] : memref<327680xf32, #tpu.memory_space<vmem_shared>> -> memref<640xf32, #tpu.memory_space<vmem_shared>>
        %dma_wait3A_750 = arith.constant 12160 : i32
        %dma_wait3A_751 = tpu.memref_slice %arg11[%dma_wait3A_750] : memref<20480xf32, #tpu.memory_space<vmem>> -> memref<640xf32, #tpu.memory_space<vmem>>
        tpu.wait_dma2 semaphore(%arg16 : memref<!tpu.dma_semaphore, #tpu.memory_space<semaphore_mem>>) src(%dma_wait3A_751 : memref<640xf32, #tpu.memory_space<vmem>>) dst(%dma_wait3A_749 : memref<640xf32, #tpu.memory_space<vmem_shared>>)
        %dma_wait3A_752 = arith.constant 12800 : i32
        %dma_wait3A_753 = tpu.memref_slice %arg11[%dma_wait3A_752] : memref<20480xf32, #tpu.memory_space<vmem>> -> memref<640xf32, #tpu.memory_space<vmem>>
        %dma_wait3A_754 = tpu.memref_slice %arg6[%add3A_622] : memref<327680xf32, #tpu.memory_space<vmem_shared>> -> memref<640xf32, #tpu.memory_space<vmem_shared>>
        %dma_wait3A_755 = tpu.memref_slice %arg6[%add3A_622] : memref<327680xf32, #tpu.memory_space<vmem_shared>> -> memref<640xf32, #tpu.memory_space<vmem_shared>>
        %dma_wait3A_756 = arith.constant 12800 : i32
        %dma_wait3A_757 = tpu.memref_slice %arg11[%dma_wait3A_756] : memref<20480xf32, #tpu.memory_space<vmem>> -> memref<640xf32, #tpu.memory_space<vmem>>
        tpu.wait_dma2 semaphore(%arg16 : memref<!tpu.dma_semaphore, #tpu.memory_space<semaphore_mem>>) src(%dma_wait3A_757 : memref<640xf32, #tpu.memory_space<vmem>>) dst(%dma_wait3A_755 : memref<640xf32, #tpu.memory_space<vmem_shared>>)
        %dma_wait3A_758 = arith.constant 13440 : i32
        %dma_wait3A_759 = tpu.memref_slice %arg11[%dma_wait3A_758] : memref<20480xf32, #tpu.memory_space<vmem>> -> memref<640xf32, #tpu.memory_space<vmem>>
        %dma_wait3A_760 = tpu.memref_slice %arg6[%add3A_631] : memref<327680xf32, #tpu.memory_space<vmem_shared>> -> memref<640xf32, #tpu.memory_space<vmem_shared>>
        %dma_wait3A_761 = tpu.memref_slice %arg6[%add3A_631] : memref<327680xf32, #tpu.memory_space<vmem_shared>> -> memref<640xf32, #tpu.memory_space<vmem_shared>>
        %dma_wait3A_762 = arith.constant 13440 : i32
        %dma_wait3A_763 = tpu.memref_slice %arg11[%dma_wait3A_762] : memref<20480xf32, #tpu.memory_space<vmem>> -> memref<640xf32, #tpu.memory_space<vmem>>
        tpu.wait_dma2 semaphore(%arg16 : memref<!tpu.dma_semaphore, #tpu.memory_space<semaphore_mem>>) src(%dma_wait3A_763 : memref<640xf32, #tpu.memory_space<vmem>>) dst(%dma_wait3A_761 : memref<640xf32, #tpu.memory_space<vmem_shared>>)
        %dma_wait3A_764 = arith.constant 14080 : i32
        %dma_wait3A_765 = tpu.memref_slice %arg11[%dma_wait3A_764] : memref<20480xf32, #tpu.memory_space<vmem>> -> memref<640xf32, #tpu.memory_space<vmem>>
        %dma_wait3A_766 = tpu.memref_slice %arg6[%add3A_640] : memref<327680xf32, #tpu.memory_space<vmem_shared>> -> memref<640xf32, #tpu.memory_space<vmem_shared>>
        %dma_wait3A_767 = tpu.memref_slice %arg6[%add3A_640] : memref<327680xf32, #tpu.memory_space<vmem_shared>> -> memref<640xf32, #tpu.memory_space<vmem_shared>>
        %dma_wait3A_768 = arith.constant 14080 : i32
        %dma_wait3A_769 = tpu.memref_slice %arg11[%dma_wait3A_768] : memref<20480xf32, #tpu.memory_space<vmem>> -> memref<640xf32, #tpu.memory_space<vmem>>
        tpu.wait_dma2 semaphore(%arg16 : memref<!tpu.dma_semaphore, #tpu.memory_space<semaphore_mem>>) src(%dma_wait3A_769 : memref<640xf32, #tpu.memory_space<vmem>>) dst(%dma_wait3A_767 : memref<640xf32, #tpu.memory_space<vmem_shared>>)
        %dma_wait3A_770 = arith.constant 14720 : i32
        %dma_wait3A_771 = tpu.memref_slice %arg11[%dma_wait3A_770] : memref<20480xf32, #tpu.memory_space<vmem>> -> memref<640xf32, #tpu.memory_space<vmem>>
        %dma_wait3A_772 = tpu.memref_slice %arg6[%add3A_649] : memref<327680xf32, #tpu.memory_space<vmem_shared>> -> memref<640xf32, #tpu.memory_space<vmem_shared>>
        %dma_wait3A_773 = tpu.memref_slice %arg6[%add3A_649] : memref<327680xf32, #tpu.memory_space<vmem_shared>> -> memref<640xf32, #tpu.memory_space<vmem_shared>>
        %dma_wait3A_774 = arith.constant 14720 : i32
        %dma_wait3A_775 = tpu.memref_slice %arg11[%dma_wait3A_774] : memref<20480xf32, #tpu.memory_space<vmem>> -> memref<640xf32, #tpu.memory_space<vmem>>
        tpu.wait_dma2 semaphore(%arg16 : memref<!tpu.dma_semaphore, #tpu.memory_space<semaphore_mem>>) src(%dma_wait3A_775 : memref<640xf32, #tpu.memory_space<vmem>>) dst(%dma_wait3A_773 : memref<640xf32, #tpu.memory_space<vmem_shared>>)
        %dma_wait3A_776 = arith.constant 15360 : i32
        %dma_wait3A_777 = tpu.memref_slice %arg11[%dma_wait3A_776] : memref<20480xf32, #tpu.memory_space<vmem>> -> memref<640xf32, #tpu.memory_space<vmem>>
        %dma_wait3A_778 = tpu.memref_slice %arg6[%add3A_658] : memref<327680xf32, #tpu.memory_space<vmem_shared>> -> memref<640xf32, #tpu.memory_space<vmem_shared>>
        %dma_wait3A_779 = tpu.memref_slice %arg6[%add3A_658] : memref<327680xf32, #tpu.memory_space<vmem_shared>> -> memref<640xf32, #tpu.memory_space<vmem_shared>>
        %dma_wait3A_780 = arith.constant 15360 : i32
        %dma_wait3A_781 = tpu.memref_slice %arg11[%dma_wait3A_780] : memref<20480xf32, #tpu.memory_space<vmem>> -> memref<640xf32, #tpu.memory_space<vmem>>
        tpu.wait_dma2 semaphore(%arg16 : memref<!tpu.dma_semaphore, #tpu.memory_space<semaphore_mem>>) src(%dma_wait3A_781 : memref<640xf32, #tpu.memory_space<vmem>>) dst(%dma_wait3A_779 : memref<640xf32, #tpu.memory_space<vmem_shared>>)
        %dma_wait3A_782 = arith.constant 16000 : i32
        %dma_wait3A_783 = tpu.memref_slice %arg11[%dma_wait3A_782] : memref<20480xf32, #tpu.memory_space<vmem>> -> memref<640xf32, #tpu.memory_space<vmem>>
        %dma_wait3A_784 = tpu.memref_slice %arg6[%add3A_667] : memref<327680xf32, #tpu.memory_space<vmem_shared>> -> memref<640xf32, #tpu.memory_space<vmem_shared>>
        %dma_wait3A_785 = tpu.memref_slice %arg6[%add3A_667] : memref<327680xf32, #tpu.memory_space<vmem_shared>> -> memref<640xf32, #tpu.memory_space<vmem_shared>>
        %dma_wait3A_786 = arith.constant 16000 : i32
        %dma_wait3A_787 = tpu.memref_slice %arg11[%dma_wait3A_786] : memref<20480xf32, #tpu.memory_space<vmem>> -> memref<640xf32, #tpu.memory_space<vmem>>
        tpu.wait_dma2 semaphore(%arg16 : memref<!tpu.dma_semaphore, #tpu.memory_space<semaphore_mem>>) src(%dma_wait3A_787 : memref<640xf32, #tpu.memory_space<vmem>>) dst(%dma_wait3A_785 : memref<640xf32, #tpu.memory_space<vmem_shared>>)
        %dma_wait3A_788 = arith.constant 16640 : i32
        %dma_wait3A_789 = tpu.memref_slice %arg11[%dma_wait3A_788] : memref<20480xf32, #tpu.memory_space<vmem>> -> memref<640xf32, #tpu.memory_space<vmem>>
        %dma_wait3A_790 = tpu.memref_slice %arg6[%add3A_676] : memref<327680xf32, #tpu.memory_space<vmem_shared>> -> memref<640xf32, #tpu.memory_space<vmem_shared>>
        %dma_wait3A_791 = tpu.memref_slice %arg6[%add3A_676] : memref<327680xf32, #tpu.memory_space<vmem_shared>> -> memref<640xf32, #tpu.memory_space<vmem_shared>>
        %dma_wait3A_792 = arith.constant 16640 : i32
        %dma_wait3A_793 = tpu.memref_slice %arg11[%dma_wait3A_792] : memref<20480xf32, #tpu.memory_space<vmem>> -> memref<640xf32, #tpu.memory_space<vmem>>
        tpu.wait_dma2 semaphore(%arg16 : memref<!tpu.dma_semaphore, #tpu.memory_space<semaphore_mem>>) src(%dma_wait3A_793 : memref<640xf32, #tpu.memory_space<vmem>>) dst(%dma_wait3A_791 : memref<640xf32, #tpu.memory_space<vmem_shared>>)
        %dma_wait3A_794 = arith.constant 17280 : i32
        %dma_wait3A_795 = tpu.memref_slice %arg11[%dma_wait3A_794] : memref<20480xf32, #tpu.memory_space<vmem>> -> memref<640xf32, #tpu.memory_space<vmem>>
        %dma_wait3A_796 = tpu.memref_slice %arg6[%add3A_685] : memref<327680xf32, #tpu.memory_space<vmem_shared>> -> memref<640xf32, #tpu.memory_space<vmem_shared>>
        %dma_wait3A_797 = tpu.memref_slice %arg6[%add3A_685] : memref<327680xf32, #tpu.memory_space<vmem_shared>> -> memref<640xf32, #tpu.memory_space<vmem_shared>>
        %dma_wait3A_798 = arith.constant 17280 : i32
        %dma_wait3A_799 = tpu.memref_slice %arg11[%dma_wait3A_798] : memref<20480xf32, #tpu.memory_space<vmem>> -> memref<640xf32, #tpu.memory_space<vmem>>
        tpu.wait_dma2 semaphore(%arg16 : memref<!tpu.dma_semaphore, #tpu.memory_space<semaphore_mem>>) src(%dma_wait3A_799 : memref<640xf32, #tpu.memory_space<vmem>>) dst(%dma_wait3A_797 : memref<640xf32, #tpu.memory_space<vmem_shared>>)
        %dma_wait3A_800 = arith.constant 17920 : i32
        %dma_wait3A_801 = tpu.memref_slice %arg11[%dma_wait3A_800] : memref<20480xf32, #tpu.memory_space<vmem>> -> memref<640xf32, #tpu.memory_space<vmem>>
        %dma_wait3A_802 = tpu.memref_slice %arg6[%add3A_694] : memref<327680xf32, #tpu.memory_space<vmem_shared>> -> memref<640xf32, #tpu.memory_space<vmem_shared>>
        %dma_wait3A_803 = tpu.memref_slice %arg6[%add3A_694] : memref<327680xf32, #tpu.memory_space<vmem_shared>> -> memref<640xf32, #tpu.memory_space<vmem_shared>>
        %dma_wait3A_804 = arith.constant 17920 : i32
        %dma_wait3A_805 = tpu.memref_slice %arg11[%dma_wait3A_804] : memref<20480xf32, #tpu.memory_space<vmem>> -> memref<640xf32, #tpu.memory_space<vmem>>
        tpu.wait_dma2 semaphore(%arg16 : memref<!tpu.dma_semaphore, #tpu.memory_space<semaphore_mem>>) src(%dma_wait3A_805 : memref<640xf32, #tpu.memory_space<vmem>>) dst(%dma_wait3A_803 : memref<640xf32, #tpu.memory_space<vmem_shared>>)
        %dma_wait3A_806 = arith.constant 18560 : i32
        %dma_wait3A_807 = tpu.memref_slice %arg11[%dma_wait3A_806] : memref<20480xf32, #tpu.memory_space<vmem>> -> memref<640xf32, #tpu.memory_space<vmem>>
        %dma_wait3A_808 = tpu.memref_slice %arg6[%add3A_703] : memref<327680xf32, #tpu.memory_space<vmem_shared>> -> memref<640xf32, #tpu.memory_space<vmem_shared>>
        %dma_wait3A_809 = tpu.memref_slice %arg6[%add3A_703] : memref<327680xf32, #tpu.memory_space<vmem_shared>> -> memref<640xf32, #tpu.memory_space<vmem_shared>>
        %dma_wait3A_810 = arith.constant 18560 : i32
        %dma_wait3A_811 = tpu.memref_slice %arg11[%dma_wait3A_810] : memref<20480xf32, #tpu.memory_space<vmem>> -> memref<640xf32, #tpu.memory_space<vmem>>
        tpu.wait_dma2 semaphore(%arg16 : memref<!tpu.dma_semaphore, #tpu.memory_space<semaphore_mem>>) src(%dma_wait3A_811 : memref<640xf32, #tpu.memory_space<vmem>>) dst(%dma_wait3A_809 : memref<640xf32, #tpu.memory_space<vmem_shared>>)
        %dma_wait3A_812 = arith.constant 19200 : i32
        %dma_wait3A_813 = tpu.memref_slice %arg11[%dma_wait3A_812] : memref<20480xf32, #tpu.memory_space<vmem>> -> memref<640xf32, #tpu.memory_space<vmem>>
        %dma_wait3A_814 = tpu.memref_slice %arg6[%add3A_712] : memref<327680xf32, #tpu.memory_space<vmem_shared>> -> memref<640xf32, #tpu.memory_space<vmem_shared>>
        %dma_wait3A_815 = tpu.memref_slice %arg6[%add3A_712] : memref<327680xf32, #tpu.memory_space<vmem_shared>> -> memref<640xf32, #tpu.memory_space<vmem_shared>>
        %dma_wait3A_816 = arith.constant 19200 : i32
        %dma_wait3A_817 = tpu.memref_slice %arg11[%dma_wait3A_816] : memref<20480xf32, #tpu.memory_space<vmem>> -> memref<640xf32, #tpu.memory_space<vmem>>
        tpu.wait_dma2 semaphore(%arg16 : memref<!tpu.dma_semaphore, #tpu.memory_space<semaphore_mem>>) src(%dma_wait3A_817 : memref<640xf32, #tpu.memory_space<vmem>>) dst(%dma_wait3A_815 : memref<640xf32, #tpu.memory_space<vmem_shared>>)
        %dma_wait3A_818 = arith.constant 19840 : i32
        %dma_wait3A_819 = tpu.memref_slice %arg11[%dma_wait3A_818] : memref<20480xf32, #tpu.memory_space<vmem>> -> memref<640xf32, #tpu.memory_space<vmem>>
        %dma_wait3A_820 = tpu.memref_slice %arg6[%add3A_721] : memref<327680xf32, #tpu.memory_space<vmem_shared>> -> memref<640xf32, #tpu.memory_space<vmem_shared>>
        %dma_wait3A_821 = tpu.memref_slice %arg6[%add3A_721] : memref<327680xf32, #tpu.memory_space<vmem_shared>> -> memref<640xf32, #tpu.memory_space<vmem_shared>>
        %dma_wait3A_822 = arith.constant 19840 : i32
        %dma_wait3A_823 = tpu.memref_slice %arg11[%dma_wait3A_822] : memref<20480xf32, #tpu.memory_space<vmem>> -> memref<640xf32, #tpu.memory_space<vmem>>
        tpu.wait_dma2 semaphore(%arg16 : memref<!tpu.dma_semaphore, #tpu.memory_space<semaphore_mem>>) src(%dma_wait3A_823 : memref<640xf32, #tpu.memory_space<vmem>>) dst(%dma_wait3A_821 : memref<640xf32, #tpu.memory_space<vmem_shared>>)
      } else {
      }
      %barrier3A_562 = arith.constant 0 : index
      tpu.barrier barrier_id(%barrier3A_562)
      %multiple_of3A_563 = arith.constant 0 : i32
      %multiple_of3A_564 = tpu.assume_multiple %multiple_of3A_563, 8 : i32
      %add3A_565 = arith.addi %multiple_of3A_564, %multiple_of3A_6 : i32
      "tpu.region"() ({
        %run_scoped3A = tpu.sem_alloc : memref<!tpu.dma_semaphore, #tpu.memory_space<semaphore_mem>>
        %dma_start3A_584 = tpu.memref_slice %arg6[%add3A_565] : memref<327680xf32, #tpu.memory_space<vmem_shared>> -> memref<10240xf32, #tpu.memory_space<vmem_shared>>
        %dma_start3A_585 = tpu.memref_slice %arg6[%add3A_565] : memref<327680xf32, #tpu.memory_space<vmem_shared>> -> memref<10240xf32, #tpu.memory_space<vmem_shared>>
        tpu.enqueue_dma source(%dma_start3A_585 : memref<10240xf32, #tpu.memory_space<vmem_shared>>) target(%arg12 : memref<10240xf32, #tpu.memory_space<vmem>>) target_semaphore(%run_scoped3A : memref<!tpu.dma_semaphore, #tpu.memory_space<semaphore_mem>>)
        %dma_wait3A_586 = tpu.memref_slice %arg6[%add3A_565] : memref<327680xf32, #tpu.memory_space<vmem_shared>> -> memref<10240xf32, #tpu.memory_space<vmem_shared>>
        %dma_wait3A_587 = tpu.memref_slice %arg6[%add3A_565] : memref<327680xf32, #tpu.memory_space<vmem_shared>> -> memref<10240xf32, #tpu.memory_space<vmem_shared>>
        tpu.wait_dma2 semaphore(%run_scoped3A : memref<!tpu.dma_semaphore, #tpu.memory_space<semaphore_mem>>) src(%dma_wait3A_587 : memref<10240xf32, #tpu.memory_space<vmem_shared>>) dst(%arg12 : memref<10240xf32, #tpu.memory_space<vmem>>)
        tpu.yield
      }) : () -> ()
      %scan3A_566 = arith.constant 0 : i32
      %scan3A_567 = arith.constant 40 : i32
      %scan3A_568 = arith.addi %scan3A_566, %scan3A_567 : i32
      %scan3A_569 = arith.constant 1 : i32
      scf.for %scan3A_584 = %scan3A_566 to %scan3A_568 step %scan3A_569  : i32 {
        %mul3A_585 = arith.constant 16 : i32
        %mul3A_586 = arith.muli %scan3A_584, %mul3A_585 : i32
        %multiple_of3A_587 = tpu.assume_multiple %mul3A_586, 8 : i32
        %mul3A_588 = arith.constant 16 : i32
        %mul3A_589 = arith.muli %scan3A_584, %mul3A_588 : i32
        %multiple_of3A_590 = tpu.assume_multiple %mul3A_589, 8 : i32
        %get3A = arith.index_cast %multiple_of3A_590 : i32 to index
        %get3A_591 = tpu.vector_load %arg12[%get3A] {strides = array<i32>} : memref<10240xf32, #tpu.memory_space<vmem>>, vector<16xf32>,
        %mul3A_592 = arith.constant 16 : i32
        %mul3A_593 = arith.muli %scan3A_584, %mul3A_592 : i32
        %add3A_594 = arith.constant 640 : i32
        %add3A_595 = arith.addi %add3A_594, %mul3A_593 : i32
        %multiple_of3A_596 = tpu.assume_multiple %add3A_595, 8 : i32
        %get3A_597 = arith.index_cast %multiple_of3A_596 : i32 to index
        %get3A_598 = tpu.vector_load %arg12[%get3A_597] {strides = array<i32>} : memref<10240xf32, #tpu.memory_space<vmem>>, vector<16xf32>,
        %add3A_599 = arith.addf %get3A_591, %get3A_598 : vector<16xf32>
        %mul3A_600 = arith.constant 16 : i32
        %mul3A_601 = arith.muli %scan3A_584, %mul3A_600 : i32
        %add3A_602 = arith.constant 1280 : i32
        %add3A_603 = arith.addi %add3A_602, %mul3A_601 : i32
        %multiple_of3A_604 = tpu.assume_multiple %add3A_603, 8 : i32
        %get3A_605 = arith.index_cast %multiple_of3A_604 : i32 to index
        %get3A_606 = tpu.vector_load %arg12[%get3A_605] {strides = array<i32>} : memref<10240xf32, #tpu.memory_space<vmem>>, vector<16xf32>,
        %add3A_607 = arith.addf %add3A_599, %get3A_606 : vector<16xf32>
        %mul3A_608 = arith.constant 16 : i32
        %mul3A_609 = arith.muli %scan3A_584, %mul3A_608 : i32
        %add3A_610 = arith.constant 1920 : i32
        %add3A_611 = arith.addi %add3A_610, %mul3A_609 : i32
        %multiple_of3A_612 = tpu.assume_multiple %add3A_611, 8 : i32
        %get3A_613 = arith.index_cast %multiple_of3A_612 : i32 to index
        %get3A_614 = tpu.vector_load %arg12[%get3A_613] {strides = array<i32>} : memref<10240xf32, #tpu.memory_space<vmem>>, vector<16xf32>,
        %add3A_615 = arith.addf %add3A_607, %get3A_614 : vector<16xf32>
        %mul3A_616 = arith.constant 16 : i32
        %mul3A_617 = arith.muli %scan3A_584, %mul3A_616 : i32
        %add3A_618 = arith.constant 2560 : i32
        %add3A_619 = arith.addi %add3A_618, %mul3A_617 : i32
        %multiple_of3A_620 = tpu.assume_multiple %add3A_619, 8 : i32
        %get3A_621 = arith.index_cast %multiple_of3A_620 : i32 to index
        %get3A_622 = tpu.vector_load %arg12[%get3A_621] {strides = array<i32>} : memref<10240xf32, #tpu.memory_space<vmem>>, vector<16xf32>,
        %add3A_623 = arith.addf %add3A_615, %get3A_622 : vector<16xf32>
        %mul3A_624 = arith.constant 16 : i32
        %mul3A_625 = arith.muli %scan3A_584, %mul3A_624 : i32
        %add3A_626 = arith.constant 3200 : i32
        %add3A_627 = arith.addi %add3A_626, %mul3A_625 : i32
        %multiple_of3A_628 = tpu.assume_multiple %add3A_627, 8 : i32
        %get3A_629 = arith.index_cast %multiple_of3A_628 : i32 to index
        %get3A_630 = tpu.vector_load %arg12[%get3A_629] {strides = array<i32>} : memref<10240xf32, #tpu.memory_space<vmem>>, vector<16xf32>,
        %add3A_631 = arith.addf %add3A_623, %get3A_630 : vector<16xf32>
        %mul3A_632 = arith.constant 16 : i32
        %mul3A_633 = arith.muli %scan3A_584, %mul3A_632 : i32
        %add3A_634 = arith.constant 3840 : i32
        %add3A_635 = arith.addi %add3A_634, %mul3A_633 : i32
        %multiple_of3A_636 = tpu.assume_multiple %add3A_635, 8 : i32
        %get3A_637 = arith.index_cast %multiple_of3A_636 : i32 to index
        %get3A_638 = tpu.vector_load %arg12[%get3A_637] {strides = array<i32>} : memref<10240xf32, #tpu.memory_space<vmem>>, vector<16xf32>,
        %add3A_639 = arith.addf %add3A_631, %get3A_638 : vector<16xf32>
        %mul3A_640 = arith.constant 16 : i32
        %mul3A_641 = arith.muli %scan3A_584, %mul3A_640 : i32
        %add3A_642 = arith.constant 4480 : i32
        %add3A_643 = arith.addi %add3A_642, %mul3A_641 : i32
        %multiple_of3A_644 = tpu.assume_multiple %add3A_643, 8 : i32
        %get3A_645 = arith.index_cast %multiple_of3A_644 : i32 to index
        %get3A_646 = tpu.vector_load %arg12[%get3A_645] {strides = array<i32>} : memref<10240xf32, #tpu.memory_space<vmem>>, vector<16xf32>,
        %add3A_647 = arith.addf %add3A_639, %get3A_646 : vector<16xf32>
        %mul3A_648 = arith.constant 16 : i32
        %mul3A_649 = arith.muli %scan3A_584, %mul3A_648 : i32
        %add3A_650 = arith.constant 5120 : i32
        %add3A_651 = arith.addi %add3A_650, %mul3A_649 : i32
        %multiple_of3A_652 = tpu.assume_multiple %add3A_651, 8 : i32
        %get3A_653 = arith.index_cast %multiple_of3A_652 : i32 to index
        %get3A_654 = tpu.vector_load %arg12[%get3A_653] {strides = array<i32>} : memref<10240xf32, #tpu.memory_space<vmem>>, vector<16xf32>,
        %add3A_655 = arith.addf %add3A_647, %get3A_654 : vector<16xf32>
        %mul3A_656 = arith.constant 16 : i32
        %mul3A_657 = arith.muli %scan3A_584, %mul3A_656 : i32
        %add3A_658 = arith.constant 5760 : i32
        %add3A_659 = arith.addi %add3A_658, %mul3A_657 : i32
        %multiple_of3A_660 = tpu.assume_multiple %add3A_659, 8 : i32
        %get3A_661 = arith.index_cast %multiple_of3A_660 : i32 to index
        %get3A_662 = tpu.vector_load %arg12[%get3A_661] {strides = array<i32>} : memref<10240xf32, #tpu.memory_space<vmem>>, vector<16xf32>,
        %add3A_663 = arith.addf %add3A_655, %get3A_662 : vector<16xf32>
        %mul3A_664 = arith.constant 16 : i32
        %mul3A_665 = arith.muli %scan3A_584, %mul3A_664 : i32
        %add3A_666 = arith.constant 6400 : i32
        %add3A_667 = arith.addi %add3A_666, %mul3A_665 : i32
        %multiple_of3A_668 = tpu.assume_multiple %add3A_667, 8 : i32
        %get3A_669 = arith.index_cast %multiple_of3A_668 : i32 to index
        %get3A_670 = tpu.vector_load %arg12[%get3A_669] {strides = array<i32>} : memref<10240xf32, #tpu.memory_space<vmem>>, vector<16xf32>,
        %add3A_671 = arith.addf %add3A_663, %get3A_670 : vector<16xf32>
        %mul3A_672 = arith.constant 16 : i32
        %mul3A_673 = arith.muli %scan3A_584, %mul3A_672 : i32
        %add3A_674 = arith.constant 7040 : i32
        %add3A_675 = arith.addi %add3A_674, %mul3A_673 : i32
        %multiple_of3A_676 = tpu.assume_multiple %add3A_675, 8 : i32
        %get3A_677 = arith.index_cast %multiple_of3A_676 : i32 to index
        %get3A_678 = tpu.vector_load %arg12[%get3A_677] {strides = array<i32>} : memref<10240xf32, #tpu.memory_space<vmem>>, vector<16xf32>,
        %add3A_679 = arith.addf %add3A_671, %get3A_678 : vector<16xf32>
        %mul3A_680 = arith.constant 16 : i32
        %mul3A_681 = arith.muli %scan3A_584, %mul3A_680 : i32
        %add3A_682 = arith.constant 7680 : i32
        %add3A_683 = arith.addi %add3A_682, %mul3A_681 : i32
        %multiple_of3A_684 = tpu.assume_multiple %add3A_683, 8 : i32
        %get3A_685 = arith.index_cast %multiple_of3A_684 : i32 to index
        %get3A_686 = tpu.vector_load %arg12[%get3A_685] {strides = array<i32>} : memref<10240xf32, #tpu.memory_space<vmem>>, vector<16xf32>,
        %add3A_687 = arith.addf %add3A_679, %get3A_686 : vector<16xf32>
        %mul3A_688 = arith.constant 16 : i32
        %mul3A_689 = arith.muli %scan3A_584, %mul3A_688 : i32
        %add3A_690 = arith.constant 8320 : i32
        %add3A_691 = arith.addi %add3A_690, %mul3A_689 : i32
        %multiple_of3A_692 = tpu.assume_multiple %add3A_691, 8 : i32
        %get3A_693 = arith.index_cast %multiple_of3A_692 : i32 to index
        %get3A_694 = tpu.vector_load %arg12[%get3A_693] {strides = array<i32>} : memref<10240xf32, #tpu.memory_space<vmem>>, vector<16xf32>,
        %add3A_695 = arith.addf %add3A_687, %get3A_694 : vector<16xf32>
        %mul3A_696 = arith.constant 16 : i32
        %mul3A_697 = arith.muli %scan3A_584, %mul3A_696 : i32
        %add3A_698 = arith.constant 8960 : i32
        %add3A_699 = arith.addi %add3A_698, %mul3A_697 : i32
        %multiple_of3A_700 = tpu.assume_multiple %add3A_699, 8 : i32
        %get3A_701 = arith.index_cast %multiple_of3A_700 : i32 to index
        %get3A_702 = tpu.vector_load %arg12[%get3A_701] {strides = array<i32>} : memref<10240xf32, #tpu.memory_space<vmem>>, vector<16xf32>,
        %add3A_703 = arith.addf %add3A_695, %get3A_702 : vector<16xf32>
        %mul3A_704 = arith.constant 16 : i32
        %mul3A_705 = arith.muli %scan3A_584, %mul3A_704 : i32
        %add3A_706 = arith.constant 9600 : i32
        %add3A_707 = arith.addi %add3A_706, %mul3A_705 : i32
        %multiple_of3A_708 = tpu.assume_multiple %add3A_707, 8 : i32
        %get3A_709 = arith.index_cast %multiple_of3A_708 : i32 to index
        %get3A_710 = tpu.vector_load %arg12[%get3A_709] {strides = array<i32>} : memref<10240xf32, #tpu.memory_space<vmem>>, vector<16xf32>,
        %add3A_711 = arith.addf %add3A_703, %get3A_710 : vector<16xf32>
        %add3A_712 = arith.constant 0 : i32
        %add3A_713 = arith.addi %add3A_712, %multiple_of3A_3 : i32
        %mul3A_714 = arith.constant 16 : i32
        %mul3A_715 = arith.muli %scan3A_584, %mul3A_714 : i32
        %add3A_716 = arith.addi %add3A_713, %mul3A_715 : i32
        %multiple_of3A_717 = tpu.assume_multiple %add3A_716, 8 : i32
        %get3A_718 = arith.index_cast %multiple_of3A_717 : i32 to index
        %get3A_719 = tpu.vector_load %arg10[%get3A_718] {strides = array<i32>} : memref<20480xf32, #tpu.memory_space<vmem>>, vector<16xf32>,
        %mul3A_720 = arith.constant 16 : i32
        %mul3A_721 = arith.muli %scan3A_584, %mul3A_720 : i32
        %add3A_722 = arith.constant 0 : i32
        %add3A_723 = arith.addi %add3A_722, %mul3A_721 : i32
        %multiple_of3A_724 = tpu.assume_multiple %add3A_723, 8 : i32
        %get3A_725 = arith.index_cast %multiple_of3A_724 : i32 to index
        %get3A_726 = tpu.vector_load %arg15[%get3A_725] {strides = array<i32>} : memref<1280xf32, #tpu.memory_space<vmem>>, vector<16xf32>,
        %get3A_727 = arith.index_cast %multiple_of3A_587 : i32 to index
        %get3A_728 = tpu.vector_load %arg14[%get3A_727] {strides = array<i32>} : memref<640xf32, #tpu.memory_space<vmem>>, vector<16xf32>,
        %mul3A_729 = arith.mulf %get3A_728, %get3A_719 : vector<16xf32>
        %add3A_730 = arith.addf %add3A_711, %mul3A_729 : vector<16xf32>
        %mul3A_731 = arith.constant 0.899999976 : f32
        %mul3A_732 = vector.broadcast %mul3A_731 : f32 to vector<16xf32>
        %mul3A_733 = arith.mulf %mul3A_732, %add3A_730 : vector<16xf32>
        %mul3A_734 = arith.constant 1.000000e-01 : f32
        %mul3A_735 = vector.broadcast %mul3A_734 : f32 to vector<16xf32>
        %mul3A_736 = arith.mulf %mul3A_735, %get3A_726 : vector<16xf32>
        %add3A_737 = arith.addf %mul3A_733, %mul3A_736 : vector<16xf32>
        %swap3A = arith.index_cast %multiple_of3A_587 : i32 to index
        %swap3A_738 = tpu.vector_load %arg13[%swap3A] {strides = array<i32>} : memref<640xf32, #tpu.memory_space<vmem>>, vector<16xf32>,
        tpu.vector_store %arg13[%swap3A], %add3A_737 {strides = array<i32>} : memref<640xf32, #tpu.memory_space<vmem>>, vector<16xf32>,
      }
      %scan3A_570 = arith.constant 40 : i32
      %add3A_571 = arith.constant 0 : i32
      %add3A_572 = arith.addi %add3A_571, %multiple_of3A_3 : i32
      "tpu.region"() ({
        %run_scoped3A = tpu.sem_alloc : memref<!tpu.dma_semaphore, #tpu.memory_space<semaphore_mem>>
        %dma_start3A_584 = tpu.memref_slice %arg5[%add3A_572] : memref<20480xf32, #tpu.memory_space<vmem_shared>> -> memref<640xf32, #tpu.memory_space<vmem_shared>>
        %dma_start3A_585 = tpu.memref_slice %arg5[%add3A_572] : memref<20480xf32, #tpu.memory_space<vmem_shared>> -> memref<640xf32, #tpu.memory_space<vmem_shared>>
        tpu.enqueue_dma source(%arg13 : memref<640xf32, #tpu.memory_space<vmem>>) target(%dma_start3A_585 : memref<640xf32, #tpu.memory_space<vmem_shared>>) target_semaphore(%run_scoped3A : memref<!tpu.dma_semaphore, #tpu.memory_space<semaphore_mem>>)
        %dma_wait3A_586 = tpu.memref_slice %arg5[%add3A_572] : memref<20480xf32, #tpu.memory_space<vmem_shared>> -> memref<640xf32, #tpu.memory_space<vmem_shared>>
        %dma_wait3A_587 = tpu.memref_slice %arg5[%add3A_572] : memref<20480xf32, #tpu.memory_space<vmem_shared>> -> memref<640xf32, #tpu.memory_space<vmem_shared>>
        tpu.wait_dma2 semaphore(%run_scoped3A : memref<!tpu.dma_semaphore, #tpu.memory_space<semaphore_mem>>) src(%arg13 : memref<640xf32, #tpu.memory_space<vmem>>) dst(%dma_wait3A_587 : memref<640xf32, #tpu.memory_space<vmem_shared>>)
        tpu.yield
      }) : () -> ()
      %scan3A_573 = arith.constant 0 : i32
      %scan3A_574 = arith.constant 640 : i32
      %scan3A_575 = arith.addi %scan3A_573, %scan3A_574 : i32
      %scan3A_576 = arith.constant 1 : i32
      scf.for %scan3A_584 = %scan3A_573 to %scan3A_575 step %scan3A_576  : i32 {
        %mul3A_585 = arith.constant 16 : i32
        %mul3A_586 = arith.muli %scan3A_584, %mul3A_585 : i32
        %add3A_587 = arith.constant 0 : i32
        %add3A_588 = arith.addi %add3A_587, %mul3A_586 : i32
        %multiple_of3A_589 = tpu.assume_multiple %add3A_588, 8 : i32
        %swap3A = arith.index_cast %multiple_of3A_589 : i32 to index
        %swap3A_590 = tpu.vector_load %arg11[%swap3A] {strides = array<i32>} : memref<20480xf32, #tpu.memory_space<vmem>>, vector<16xf32>,
        tpu.vector_store %arg11[%swap3A], %broadcast_in_dim3A_10 {strides = array<i32>} : memref<20480xf32, #tpu.memory_space<vmem>>, vector<16xf32>,
      }
      %scan3A_577 = arith.constant 640 : i32
      %eq3A_578 = arith.constant 0 : i32
      %eq3A_579 = arith.cmpi eq, %arg0, %eq3A_578 : i32
      %convert_element_type3A_580 = arith.extui %eq3A_579 : i1 to i32
      %cond3A_581 = arith.constant 0 : i32
      %cond3A_582 = arith.cmpi ne, %convert_element_type3A_580, %cond3A_581 : i32
      scf.if %cond3A_582 {
        %multiple_of3A_584 = arith.constant 163840 : i32
        %multiple_of3A_585 = tpu.assume_multiple %multiple_of3A_584, 8 : i32
        %add3A_586 = arith.addi %multiple_of3A_585, %multiple_of3A_6 : i32
        "tpu.region"() ({
          %run_scoped3A = tpu.sem_alloc : memref<!tpu.dma_semaphore, #tpu.memory_space<semaphore_mem>>
          %dma_start3A_599 = tpu.memref_slice %arg6[%add3A_586] : memref<327680xf32, #tpu.memory_space<vmem_shared>> -> memref<10240xf32, #tpu.memory_space<vmem_shared>>
          %dma_start3A_600 = tpu.memref_slice %arg6[%add3A_586] : memref<327680xf32, #tpu.memory_space<vmem_shared>> -> memref<10240xf32, #tpu.memory_space<vmem_shared>>
          tpu.enqueue_dma source(%dma_start3A_600 : memref<10240xf32, #tpu.memory_space<vmem_shared>>) target(%arg12 : memref<10240xf32, #tpu.memory_space<vmem>>) target_semaphore(%run_scoped3A : memref<!tpu.dma_semaphore, #tpu.memory_space<semaphore_mem>>)
          %dma_wait3A_601 = tpu.memref_slice %arg6[%add3A_586] : memref<327680xf32, #tpu.memory_space<vmem_shared>> -> memref<10240xf32, #tpu.memory_space<vmem_shared>>
          %dma_wait3A_602 = tpu.memref_slice %arg6[%add3A_586] : memref<327680xf32, #tpu.memory_space<vmem_shared>> -> memref<10240xf32, #tpu.memory_space<vmem_shared>>
          tpu.wait_dma2 semaphore(%run_scoped3A : memref<!tpu.dma_semaphore, #tpu.memory_space<semaphore_mem>>) src(%dma_wait3A_602 : memref<10240xf32, #tpu.memory_space<vmem_shared>>) dst(%arg12 : memref<10240xf32, #tpu.memory_space<vmem>>)
          tpu.yield
        }) : () -> ()
        %scan3A_587 = arith.constant 0 : i32
        %scan3A_588 = arith.constant 40 : i32
        %scan3A_589 = arith.addi %scan3A_587, %scan3A_588 : i32
        %scan3A_590 = arith.constant 1 : i32
        scf.for %scan3A_599 = %scan3A_587 to %scan3A_589 step %scan3A_590  : i32 {
          %mul3A_600 = arith.constant 16 : i32
          %mul3A_601 = arith.muli %scan3A_599, %mul3A_600 : i32
          %multiple_of3A_602 = tpu.assume_multiple %mul3A_601, 8 : i32
          %mul3A_603 = arith.constant 16 : i32
          %mul3A_604 = arith.muli %scan3A_599, %mul3A_603 : i32
          %multiple_of3A_605 = tpu.assume_multiple %mul3A_604, 8 : i32
          %get3A = arith.index_cast %multiple_of3A_605 : i32 to index
          %get3A_606 = tpu.vector_load %arg12[%get3A] {strides = array<i32>} : memref<10240xf32, #tpu.memory_space<vmem>>, vector<16xf32>,
          %mul3A_607 = arith.constant 16 : i32
          %mul3A_608 = arith.muli %scan3A_599, %mul3A_607 : i32
          %add3A_609 = arith.constant 640 : i32
          %add3A_610 = arith.addi %add3A_609, %mul3A_608 : i32
          %multiple_of3A_611 = tpu.assume_multiple %add3A_610, 8 : i32
          %get3A_612 = arith.index_cast %multiple_of3A_611 : i32 to index
          %get3A_613 = tpu.vector_load %arg12[%get3A_612] {strides = array<i32>} : memref<10240xf32, #tpu.memory_space<vmem>>, vector<16xf32>,
          %add3A_614 = arith.addf %get3A_606, %get3A_613 : vector<16xf32>
          %mul3A_615 = arith.constant 16 : i32
          %mul3A_616 = arith.muli %scan3A_599, %mul3A_615 : i32
          %add3A_617 = arith.constant 1280 : i32
          %add3A_618 = arith.addi %add3A_617, %mul3A_616 : i32
          %multiple_of3A_619 = tpu.assume_multiple %add3A_618, 8 : i32
          %get3A_620 = arith.index_cast %multiple_of3A_619 : i32 to index
          %get3A_621 = tpu.vector_load %arg12[%get3A_620] {strides = array<i32>} : memref<10240xf32, #tpu.memory_space<vmem>>, vector<16xf32>,
          %add3A_622 = arith.addf %add3A_614, %get3A_621 : vector<16xf32>
          %mul3A_623 = arith.constant 16 : i32
          %mul3A_624 = arith.muli %scan3A_599, %mul3A_623 : i32
          %add3A_625 = arith.constant 1920 : i32
          %add3A_626 = arith.addi %add3A_625, %mul3A_624 : i32
          %multiple_of3A_627 = tpu.assume_multiple %add3A_626, 8 : i32
          %get3A_628 = arith.index_cast %multiple_of3A_627 : i32 to index
          %get3A_629 = tpu.vector_load %arg12[%get3A_628] {strides = array<i32>} : memref<10240xf32, #tpu.memory_space<vmem>>, vector<16xf32>,
          %add3A_630 = arith.addf %add3A_622, %get3A_629 : vector<16xf32>
          %mul3A_631 = arith.constant 16 : i32
          %mul3A_632 = arith.muli %scan3A_599, %mul3A_631 : i32
          %add3A_633 = arith.constant 2560 : i32
          %add3A_634 = arith.addi %add3A_633, %mul3A_632 : i32
          %multiple_of3A_635 = tpu.assume_multiple %add3A_634, 8 : i32
          %get3A_636 = arith.index_cast %multiple_of3A_635 : i32 to index
          %get3A_637 = tpu.vector_load %arg12[%get3A_636] {strides = array<i32>} : memref<10240xf32, #tpu.memory_space<vmem>>, vector<16xf32>,
          %add3A_638 = arith.addf %add3A_630, %get3A_637 : vector<16xf32>
          %mul3A_639 = arith.constant 16 : i32
          %mul3A_640 = arith.muli %scan3A_599, %mul3A_639 : i32
          %add3A_641 = arith.constant 3200 : i32
          %add3A_642 = arith.addi %add3A_641, %mul3A_640 : i32
          %multiple_of3A_643 = tpu.assume_multiple %add3A_642, 8 : i32
          %get3A_644 = arith.index_cast %multiple_of3A_643 : i32 to index
          %get3A_645 = tpu.vector_load %arg12[%get3A_644] {strides = array<i32>} : memref<10240xf32, #tpu.memory_space<vmem>>, vector<16xf32>,
          %add3A_646 = arith.addf %add3A_638, %get3A_645 : vector<16xf32>
          %mul3A_647 = arith.constant 16 : i32
          %mul3A_648 = arith.muli %scan3A_599, %mul3A_647 : i32
          %add3A_649 = arith.constant 3840 : i32
          %add3A_650 = arith.addi %add3A_649, %mul3A_648 : i32
          %multiple_of3A_651 = tpu.assume_multiple %add3A_650, 8 : i32
          %get3A_652 = arith.index_cast %multiple_of3A_651 : i32 to index
          %get3A_653 = tpu.vector_load %arg12[%get3A_652] {strides = array<i32>} : memref<10240xf32, #tpu.memory_space<vmem>>, vector<16xf32>,
          %add3A_654 = arith.addf %add3A_646, %get3A_653 : vector<16xf32>
          %mul3A_655 = arith.constant 16 : i32
          %mul3A_656 = arith.muli %scan3A_599, %mul3A_655 : i32
          %add3A_657 = arith.constant 4480 : i32
          %add3A_658 = arith.addi %add3A_657, %mul3A_656 : i32
          %multiple_of3A_659 = tpu.assume_multiple %add3A_658, 8 : i32
          %get3A_660 = arith.index_cast %multiple_of3A_659 : i32 to index
          %get3A_661 = tpu.vector_load %arg12[%get3A_660] {strides = array<i32>} : memref<10240xf32, #tpu.memory_space<vmem>>, vector<16xf32>,
          %add3A_662 = arith.addf %add3A_654, %get3A_661 : vector<16xf32>
          %mul3A_663 = arith.constant 16 : i32
          %mul3A_664 = arith.muli %scan3A_599, %mul3A_663 : i32
          %add3A_665 = arith.constant 5120 : i32
          %add3A_666 = arith.addi %add3A_665, %mul3A_664 : i32
          %multiple_of3A_667 = tpu.assume_multiple %add3A_666, 8 : i32
          %get3A_668 = arith.index_cast %multiple_of3A_667 : i32 to index
          %get3A_669 = tpu.vector_load %arg12[%get3A_668] {strides = array<i32>} : memref<10240xf32, #tpu.memory_space<vmem>>, vector<16xf32>,
          %add3A_670 = arith.addf %add3A_662, %get3A_669 : vector<16xf32>
          %mul3A_671 = arith.constant 16 : i32
          %mul3A_672 = arith.muli %scan3A_599, %mul3A_671 : i32
          %add3A_673 = arith.constant 5760 : i32
          %add3A_674 = arith.addi %add3A_673, %mul3A_672 : i32
          %multiple_of3A_675 = tpu.assume_multiple %add3A_674, 8 : i32
          %get3A_676 = arith.index_cast %multiple_of3A_675 : i32 to index
          %get3A_677 = tpu.vector_load %arg12[%get3A_676] {strides = array<i32>} : memref<10240xf32, #tpu.memory_space<vmem>>, vector<16xf32>,
          %add3A_678 = arith.addf %add3A_670, %get3A_677 : vector<16xf32>
          %mul3A_679 = arith.constant 16 : i32
          %mul3A_680 = arith.muli %scan3A_599, %mul3A_679 : i32
          %add3A_681 = arith.constant 6400 : i32
          %add3A_682 = arith.addi %add3A_681, %mul3A_680 : i32
          %multiple_of3A_683 = tpu.assume_multiple %add3A_682, 8 : i32
          %get3A_684 = arith.index_cast %multiple_of3A_683 : i32 to index
          %get3A_685 = tpu.vector_load %arg12[%get3A_684] {strides = array<i32>} : memref<10240xf32, #tpu.memory_space<vmem>>, vector<16xf32>,
          %add3A_686 = arith.addf %add3A_678, %get3A_685 : vector<16xf32>
          %mul3A_687 = arith.constant 16 : i32
          %mul3A_688 = arith.muli %scan3A_599, %mul3A_687 : i32
          %add3A_689 = arith.constant 7040 : i32
          %add3A_690 = arith.addi %add3A_689, %mul3A_688 : i32
          %multiple_of3A_691 = tpu.assume_multiple %add3A_690, 8 : i32
          %get3A_692 = arith.index_cast %multiple_of3A_691 : i32 to index
          %get3A_693 = tpu.vector_load %arg12[%get3A_692] {strides = array<i32>} : memref<10240xf32, #tpu.memory_space<vmem>>, vector<16xf32>,
          %add3A_694 = arith.addf %add3A_686, %get3A_693 : vector<16xf32>
          %mul3A_695 = arith.constant 16 : i32
          %mul3A_696 = arith.muli %scan3A_599, %mul3A_695 : i32
          %add3A_697 = arith.constant 7680 : i32
          %add3A_698 = arith.addi %add3A_697, %mul3A_696 : i32
          %multiple_of3A_699 = tpu.assume_multiple %add3A_698, 8 : i32
          %get3A_700 = arith.index_cast %multiple_of3A_699 : i32 to index
          %get3A_701 = tpu.vector_load %arg12[%get3A_700] {strides = array<i32>} : memref<10240xf32, #tpu.memory_space<vmem>>, vector<16xf32>,
          %add3A_702 = arith.addf %add3A_694, %get3A_701 : vector<16xf32>
          %mul3A_703 = arith.constant 16 : i32
          %mul3A_704 = arith.muli %scan3A_599, %mul3A_703 : i32
          %add3A_705 = arith.constant 8320 : i32
          %add3A_706 = arith.addi %add3A_705, %mul3A_704 : i32
          %multiple_of3A_707 = tpu.assume_multiple %add3A_706, 8 : i32
          %get3A_708 = arith.index_cast %multiple_of3A_707 : i32 to index
          %get3A_709 = tpu.vector_load %arg12[%get3A_708] {strides = array<i32>} : memref<10240xf32, #tpu.memory_space<vmem>>, vector<16xf32>,
          %add3A_710 = arith.addf %add3A_702, %get3A_709 : vector<16xf32>
          %mul3A_711 = arith.constant 16 : i32
          %mul3A_712 = arith.muli %scan3A_599, %mul3A_711 : i32
          %add3A_713 = arith.constant 8960 : i32
          %add3A_714 = arith.addi %add3A_713, %mul3A_712 : i32
          %multiple_of3A_715 = tpu.assume_multiple %add3A_714, 8 : i32
          %get3A_716 = arith.index_cast %multiple_of3A_715 : i32 to index
          %get3A_717 = tpu.vector_load %arg12[%get3A_716] {strides = array<i32>} : memref<10240xf32, #tpu.memory_space<vmem>>, vector<16xf32>,
          %add3A_718 = arith.addf %add3A_710, %get3A_717 : vector<16xf32>
          %mul3A_719 = arith.constant 16 : i32
          %mul3A_720 = arith.muli %scan3A_599, %mul3A_719 : i32
          %add3A_721 = arith.constant 9600 : i32
          %add3A_722 = arith.addi %add3A_721, %mul3A_720 : i32
          %multiple_of3A_723 = tpu.assume_multiple %add3A_722, 8 : i32
          %get3A_724 = arith.index_cast %multiple_of3A_723 : i32 to index
          %get3A_725 = tpu.vector_load %arg12[%get3A_724] {strides = array<i32>} : memref<10240xf32, #tpu.memory_space<vmem>>, vector<16xf32>,
          %add3A_726 = arith.addf %add3A_718, %get3A_725 : vector<16xf32>
          %add3A_727 = arith.constant 10240 : i32
          %add3A_728 = arith.addi %add3A_727, %multiple_of3A_3 : i32
          %mul3A_729 = arith.constant 16 : i32
          %mul3A_730 = arith.muli %scan3A_599, %mul3A_729 : i32
          %add3A_731 = arith.addi %add3A_728, %mul3A_730 : i32
          %multiple_of3A_732 = tpu.assume_multiple %add3A_731, 8 : i32
          %get3A_733 = arith.index_cast %multiple_of3A_732 : i32 to index
          %get3A_734 = tpu.vector_load %arg10[%get3A_733] {strides = array<i32>} : memref<20480xf32, #tpu.memory_space<vmem>>, vector<16xf32>,
          %mul3A_735 = arith.constant 16 : i32
          %mul3A_736 = arith.muli %scan3A_599, %mul3A_735 : i32
          %add3A_737 = arith.constant 640 : i32
          %add3A_738 = arith.addi %add3A_737, %mul3A_736 : i32
          %multiple_of3A_739 = tpu.assume_multiple %add3A_738, 8 : i32
          %get3A_740 = arith.index_cast %multiple_of3A_739 : i32 to index
          %get3A_741 = tpu.vector_load %arg15[%get3A_740] {strides = array<i32>} : memref<1280xf32, #tpu.memory_space<vmem>>, vector<16xf32>,
          %get3A_742 = arith.index_cast %multiple_of3A_602 : i32 to index
          %get3A_743 = tpu.vector_load %arg14[%get3A_742] {strides = array<i32>} : memref<640xf32, #tpu.memory_space<vmem>>, vector<16xf32>,
          %mul3A_744 = arith.mulf %get3A_743, %get3A_734 : vector<16xf32>
          %add3A_745 = arith.addf %add3A_726, %mul3A_744 : vector<16xf32>
          %mul3A_746 = arith.constant 0.899999976 : f32
          %mul3A_747 = vector.broadcast %mul3A_746 : f32 to vector<16xf32>
          %mul3A_748 = arith.mulf %mul3A_747, %add3A_745 : vector<16xf32>
          %mul3A_749 = arith.constant 1.000000e-01 : f32
          %mul3A_750 = vector.broadcast %mul3A_749 : f32 to vector<16xf32>
          %mul3A_751 = arith.mulf %mul3A_750, %get3A_741 : vector<16xf32>
          %add3A_752 = arith.addf %mul3A_748, %mul3A_751 : vector<16xf32>
          %swap3A = arith.index_cast %multiple_of3A_602 : i32 to index
          %swap3A_753 = tpu.vector_load %arg13[%swap3A] {strides = array<i32>} : memref<640xf32, #tpu.memory_space<vmem>>, vector<16xf32>,
          tpu.vector_store %arg13[%swap3A], %add3A_752 {strides = array<i32>} : memref<640xf32, #tpu.memory_space<vmem>>, vector<16xf32>,
        }
        %scan3A_591 = arith.constant 40 : i32
        %add3A_592 = arith.constant 10240 : i32
        %add3A_593 = arith.addi %add3A_592, %multiple_of3A_3 : i32
        "tpu.region"() ({
          %run_scoped3A = tpu.sem_alloc : memref<!tpu.dma_semaphore, #tpu.memory_space<semaphore_mem>>
          %dma_start3A_599 = tpu.memref_slice %arg5[%add3A_593] : memref<20480xf32, #tpu.memory_space<vmem_shared>> -> memref<640xf32, #tpu.memory_space<vmem_shared>>
          %dma_start3A_600 = tpu.memref_slice %arg5[%add3A_593] : memref<20480xf32, #tpu.memory_space<vmem_shared>> -> memref<640xf32, #tpu.memory_space<vmem_shared>>
          tpu.enqueue_dma source(%arg13 : memref<640xf32, #tpu.memory_space<vmem>>) target(%dma_start3A_600 : memref<640xf32, #tpu.memory_space<vmem_shared>>) target_semaphore(%run_scoped3A : memref<!tpu.dma_semaphore, #tpu.memory_space<semaphore_mem>>)
          %dma_wait3A_601 = tpu.memref_slice %arg5[%add3A_593] : memref<20480xf32, #tpu.memory_space<vmem_shared>> -> memref<640xf32, #tpu.memory_space<vmem_shared>>
          %dma_wait3A_602 = tpu.memref_slice %arg5[%add3A_593] : memref<20480xf32, #tpu.memory_space<vmem_shared>> -> memref<640xf32, #tpu.memory_space<vmem_shared>>
          tpu.wait_dma2 semaphore(%run_scoped3A : memref<!tpu.dma_semaphore, #tpu.memory_space<semaphore_mem>>) src(%arg13 : memref<640xf32, #tpu.memory_space<vmem>>) dst(%dma_wait3A_602 : memref<640xf32, #tpu.memory_space<vmem_shared>>)
          tpu.yield
        }) : () -> ()
        %scan3A_594 = arith.constant 0 : i32
        %scan3A_595 = arith.constant 640 : i32
        %scan3A_596 = arith.addi %scan3A_594, %scan3A_595 : i32
        %scan3A_597 = arith.constant 1 : i32
        scf.for %scan3A_599 = %scan3A_594 to %scan3A_596 step %scan3A_597  : i32 {
          %mul3A_600 = arith.constant 16 : i32
          %mul3A_601 = arith.muli %scan3A_599, %mul3A_600 : i32
          %add3A_602 = arith.constant 10240 : i32
          %add3A_603 = arith.addi %add3A_602, %mul3A_601 : i32
          %multiple_of3A_604 = tpu.assume_multiple %add3A_603, 8 : i32
          %swap3A = arith.index_cast %multiple_of3A_604 : i32 to index
          %swap3A_605 = tpu.vector_load %arg11[%swap3A] {strides = array<i32>} : memref<20480xf32, #tpu.memory_space<vmem>>, vector<16xf32>,
          tpu.vector_store %arg11[%swap3A], %broadcast_in_dim3A_10 {strides = array<i32>} : memref<20480xf32, #tpu.memory_space<vmem>>, vector<16xf32>,
        }
        %scan3A_598 = arith.constant 640 : i32
      } else {
      }
      %barrier3A_583 = arith.constant 0 : index
      tpu.barrier barrier_id(%barrier3A_583)
    }
    %scan3A_290 = arith.constant 10 : i32
    %add3A_291 = arith.constant 0 : i32
    %add3A_292 = arith.addi %add3A_291, %multiple_of3A_3 : i32
    "tpu.region"() ({
      %run_scoped3A = tpu.sem_alloc : memref<!tpu.dma_semaphore, #tpu.memory_space<semaphore_mem>>
      %dma_start3A_308 = tpu.memref_slice %arg5[%add3A_292] : memref<20480xf32, #tpu.memory_space<vmem_shared>> -> memref<640xf32, #tpu.memory_space<vmem_shared>>
      %dma_start3A_309 = tpu.memref_slice %arg5[%add3A_292] : memref<20480xf32, #tpu.memory_space<vmem_shared>> -> memref<640xf32, #tpu.memory_space<vmem_shared>>
      tpu.enqueue_dma source(%dma_start3A_309 : memref<640xf32, #tpu.memory_space<vmem_shared>>) target(%arg13 : memref<640xf32, #tpu.memory_space<vmem>>) target_semaphore(%run_scoped3A : memref<!tpu.dma_semaphore, #tpu.memory_space<semaphore_mem>>)
      %dma_wait3A_310 = tpu.memref_slice %arg5[%add3A_292] : memref<20480xf32, #tpu.memory_space<vmem_shared>> -> memref<640xf32, #tpu.memory_space<vmem_shared>>
      %dma_wait3A_311 = tpu.memref_slice %arg5[%add3A_292] : memref<20480xf32, #tpu.memory_space<vmem_shared>> -> memref<640xf32, #tpu.memory_space<vmem_shared>>
      tpu.wait_dma2 semaphore(%run_scoped3A : memref<!tpu.dma_semaphore, #tpu.memory_space<semaphore_mem>>) src(%dma_wait3A_311 : memref<640xf32, #tpu.memory_space<vmem_shared>>) dst(%arg13 : memref<640xf32, #tpu.memory_space<vmem>>)
      tpu.yield
    }) : () -> ()
    %lt3A_293 = arith.constant 15 : i32
    %lt3A_294 = arith.cmpi slt, %arg1, %lt3A_293 : i32
    %convert_element_type3A_295 = arith.extui %lt3A_294 : i1 to i32
    %cond3A_296 = arith.constant 0 : i32
    %cond3A_297 = arith.cmpi ne, %convert_element_type3A_295, %cond3A_296 : i32
    scf.if %cond3A_297 {
      %add3A_308 = arith.addi %multiple_of3A_9, %multiple_of3A_3 : i32
      "tpu.region"() ({
        %run_scoped3A = tpu.sem_alloc : memref<!tpu.dma_semaphore, #tpu.memory_space<semaphore_mem>>
        %dma_start3A_309 = tpu.memref_slice %arg4[%add3A_308] : memref<30000xf32, #tpu.memory_space<hbm>> -> memref<640xf32, #tpu.memory_space<hbm>>
        %dma_start3A_310 = tpu.memref_slice %arg4[%add3A_308] : memref<30000xf32, #tpu.memory_space<hbm>> -> memref<640xf32, #tpu.memory_space<hbm>>
        tpu.enqueue_dma source(%arg13 : memref<640xf32, #tpu.memory_space<vmem>>) target(%dma_start3A_310 : memref<640xf32, #tpu.memory_space<hbm>>) target_semaphore(%run_scoped3A : memref<!tpu.dma_semaphore, #tpu.memory_space<semaphore_mem>>)
        %dma_wait3A_311 = tpu.memref_slice %arg4[%add3A_308] : memref<30000xf32, #tpu.memory_space<hbm>> -> memref<640xf32, #tpu.memory_space<hbm>>
        %dma_wait3A_312 = tpu.memref_slice %arg4[%add3A_308] : memref<30000xf32, #tpu.memory_space<hbm>> -> memref<640xf32, #tpu.memory_space<hbm>>
        tpu.wait_dma2 semaphore(%run_scoped3A : memref<!tpu.dma_semaphore, #tpu.memory_space<semaphore_mem>>) src(%arg13 : memref<640xf32, #tpu.memory_space<vmem>>) dst(%dma_wait3A_312 : memref<640xf32, #tpu.memory_space<hbm>>)
        tpu.yield
      }) : () -> ()
    } else {
    }
    %eq3A_298 = arith.constant 15 : i32
    %eq3A_299 = arith.cmpi eq, %arg1, %eq3A_298 : i32
    %convert_element_type3A_300 = arith.extui %eq3A_299 : i1 to i32
    %cond3A_301 = arith.constant 0 : i32
    %cond3A_302 = arith.cmpi ne, %convert_element_type3A_300, %cond3A_301 : i32
    scf.if %cond3A_302 {
      %add3A_308 = arith.constant 9600 : i32
      %add3A_309 = arith.addi %multiple_of3A_9, %add3A_308 : i32
      "tpu.region"() ({
        %run_scoped3A = tpu.sem_alloc : memref<!tpu.dma_semaphore, #tpu.memory_space<semaphore_mem>>
        %dma_start3A_310 = arith.constant 0 : i32
        %dma_start3A_311 = tpu.memref_slice %arg13[%dma_start3A_310] : memref<640xf32, #tpu.memory_space<vmem>> -> memref<400xf32, #tpu.memory_space<vmem>>
        %dma_start3A_312 = tpu.memref_slice %arg4[%add3A_309] : memref<30000xf32, #tpu.memory_space<hbm>> -> memref<400xf32, #tpu.memory_space<hbm>>
        %dma_start3A_313 = tpu.memref_slice %arg4[%add3A_309] : memref<30000xf32, #tpu.memory_space<hbm>> -> memref<400xf32, #tpu.memory_space<hbm>>
        %dma_start3A_314 = arith.constant 0 : i32
        %dma_start3A_315 = tpu.memref_slice %arg13[%dma_start3A_314] : memref<640xf32, #tpu.memory_space<vmem>> -> memref<400xf32, #tpu.memory_space<vmem>>
        tpu.enqueue_dma source(%dma_start3A_315 : memref<400xf32, #tpu.memory_space<vmem>>) target(%dma_start3A_313 : memref<400xf32, #tpu.memory_space<hbm>>) target_semaphore(%run_scoped3A : memref<!tpu.dma_semaphore, #tpu.memory_space<semaphore_mem>>)
        %dma_wait3A_316 = arith.constant 0 : i32
        %dma_wait3A_317 = tpu.memref_slice %arg13[%dma_wait3A_316] : memref<640xf32, #tpu.memory_space<vmem>> -> memref<400xf32, #tpu.memory_space<vmem>>
        %dma_wait3A_318 = tpu.memref_slice %arg4[%add3A_309] : memref<30000xf32, #tpu.memory_space<hbm>> -> memref<400xf32, #tpu.memory_space<hbm>>
        %dma_wait3A_319 = tpu.memref_slice %arg4[%add3A_309] : memref<30000xf32, #tpu.memory_space<hbm>> -> memref<400xf32, #tpu.memory_space<hbm>>
        %dma_wait3A_320 = arith.constant 0 : i32
        %dma_wait3A_321 = tpu.memref_slice %arg13[%dma_wait3A_320] : memref<640xf32, #tpu.memory_space<vmem>> -> memref<400xf32, #tpu.memory_space<vmem>>
        tpu.wait_dma2 semaphore(%run_scoped3A : memref<!tpu.dma_semaphore, #tpu.memory_space<semaphore_mem>>) src(%dma_wait3A_321 : memref<400xf32, #tpu.memory_space<vmem>>) dst(%dma_wait3A_319 : memref<400xf32, #tpu.memory_space<hbm>>)
        tpu.yield
      }) : () -> ()
    } else {
    }
    %eq3A_303 = arith.constant 0 : i32
    %eq3A_304 = arith.cmpi eq, %arg0, %eq3A_303 : i32
    %convert_element_type3A_305 = arith.extui %eq3A_304 : i1 to i32
    %cond3A_306 = arith.constant 0 : i32
    %cond3A_307 = arith.cmpi ne, %convert_element_type3A_305, %cond3A_306 : i32
    scf.if %cond3A_307 {
      %add3A_308 = arith.constant 10240 : i32
      %add3A_309 = arith.addi %add3A_308, %multiple_of3A_3 : i32
      "tpu.region"() ({
        %run_scoped3A = tpu.sem_alloc : memref<!tpu.dma_semaphore, #tpu.memory_space<semaphore_mem>>
        %dma_start3A_320 = tpu.memref_slice %arg5[%add3A_309] : memref<20480xf32, #tpu.memory_space<vmem_shared>> -> memref<640xf32, #tpu.memory_space<vmem_shared>>
        %dma_start3A_321 = tpu.memref_slice %arg5[%add3A_309] : memref<20480xf32, #tpu.memory_space<vmem_shared>> -> memref<640xf32, #tpu.memory_space<vmem_shared>>
        tpu.enqueue_dma source(%dma_start3A_321 : memref<640xf32, #tpu.memory_space<vmem_shared>>) target(%arg13 : memref<640xf32, #tpu.memory_space<vmem>>) target_semaphore(%run_scoped3A : memref<!tpu.dma_semaphore, #tpu.memory_space<semaphore_mem>>)
        %dma_wait3A_322 = tpu.memref_slice %arg5[%add3A_309] : memref<20480xf32, #tpu.memory_space<vmem_shared>> -> memref<640xf32, #tpu.memory_space<vmem_shared>>
        %dma_wait3A_323 = tpu.memref_slice %arg5[%add3A_309] : memref<20480xf32, #tpu.memory_space<vmem_shared>> -> memref<640xf32, #tpu.memory_space<vmem_shared>>
        tpu.wait_dma2 semaphore(%run_scoped3A : memref<!tpu.dma_semaphore, #tpu.memory_space<semaphore_mem>>) src(%dma_wait3A_323 : memref<640xf32, #tpu.memory_space<vmem_shared>>) dst(%arg13 : memref<640xf32, #tpu.memory_space<vmem>>)
        tpu.yield
      }) : () -> ()
      %lt3A_310 = arith.constant 15 : i32
      %lt3A_311 = arith.cmpi slt, %arg1, %lt3A_310 : i32
      %convert_element_type3A_312 = arith.extui %lt3A_311 : i1 to i32
      %cond3A_313 = arith.constant 0 : i32
      %cond3A_314 = arith.cmpi ne, %convert_element_type3A_312, %cond3A_313 : i32
      scf.if %cond3A_314 {
        %add3A_320 = arith.constant 10000 : i32
        %add3A_321 = arith.addi %add3A_320, %multiple_of3A_3 : i32
        "tpu.region"() ({
          %run_scoped3A = tpu.sem_alloc : memref<!tpu.dma_semaphore, #tpu.memory_space<semaphore_mem>>
          %dma_start3A_322 = tpu.memref_slice %arg4[%add3A_321] : memref<30000xf32, #tpu.memory_space<hbm>> -> memref<640xf32, #tpu.memory_space<hbm>>
          %dma_start3A_323 = tpu.memref_slice %arg4[%add3A_321] : memref<30000xf32, #tpu.memory_space<hbm>> -> memref<640xf32, #tpu.memory_space<hbm>>
          tpu.enqueue_dma source(%arg13 : memref<640xf32, #tpu.memory_space<vmem>>) target(%dma_start3A_323 : memref<640xf32, #tpu.memory_space<hbm>>) target_semaphore(%run_scoped3A : memref<!tpu.dma_semaphore, #tpu.memory_space<semaphore_mem>>)
          %dma_wait3A_324 = tpu.memref_slice %arg4[%add3A_321] : memref<30000xf32, #tpu.memory_space<hbm>> -> memref<640xf32, #tpu.memory_space<hbm>>
          %dma_wait3A_325 = tpu.memref_slice %arg4[%add3A_321] : memref<30000xf32, #tpu.memory_space<hbm>> -> memref<640xf32, #tpu.memory_space<hbm>>
          tpu.wait_dma2 semaphore(%run_scoped3A : memref<!tpu.dma_semaphore, #tpu.memory_space<semaphore_mem>>) src(%arg13 : memref<640xf32, #tpu.memory_space<vmem>>) dst(%dma_wait3A_325 : memref<640xf32, #tpu.memory_space<hbm>>)
          tpu.yield
        }) : () -> ()
      } else {
      }
      %eq3A_315 = arith.constant 15 : i32
      %eq3A_316 = arith.cmpi eq, %arg1, %eq3A_315 : i32
      %convert_element_type3A_317 = arith.extui %eq3A_316 : i1 to i32
      %cond3A_318 = arith.constant 0 : i32
      %cond3A_319 = arith.cmpi ne, %convert_element_type3A_317, %cond3A_318 : i32
      scf.if %cond3A_319 {
        "tpu.region"() ({
          %run_scoped3A = tpu.sem_alloc : memref<!tpu.dma_semaphore, #tpu.memory_space<semaphore_mem>>
          %dma_start3A_320 = arith.constant 0 : i32
          %dma_start3A_321 = tpu.memref_slice %arg13[%dma_start3A_320] : memref<640xf32, #tpu.memory_space<vmem>> -> memref<400xf32, #tpu.memory_space<vmem>>
          %dma_start3A_322 = arith.constant 19600 : i32
          %dma_start3A_323 = tpu.memref_slice %arg4[%dma_start3A_322] : memref<30000xf32, #tpu.memory_space<hbm>> -> memref<400xf32, #tpu.memory_space<hbm>>
          %dma_start3A_324 = arith.constant 19600 : i32
          %dma_start3A_325 = tpu.memref_slice %arg4[%dma_start3A_324] : memref<30000xf32, #tpu.memory_space<hbm>> -> memref<400xf32, #tpu.memory_space<hbm>>
          %dma_start3A_326 = arith.constant 0 : i32
          %dma_start3A_327 = tpu.memref_slice %arg13[%dma_start3A_326] : memref<640xf32, #tpu.memory_space<vmem>> -> memref<400xf32, #tpu.memory_space<vmem>>
          tpu.enqueue_dma source(%dma_start3A_327 : memref<400xf32, #tpu.memory_space<vmem>>) target(%dma_start3A_325 : memref<400xf32, #tpu.memory_space<hbm>>) target_semaphore(%run_scoped3A : memref<!tpu.dma_semaphore, #tpu.memory_space<semaphore_mem>>)
          %dma_wait3A_328 = arith.constant 0 : i32
          %dma_wait3A_329 = tpu.memref_slice %arg13[%dma_wait3A_328] : memref<640xf32, #tpu.memory_space<vmem>> -> memref<400xf32, #tpu.memory_space<vmem>>
          %dma_wait3A_330 = arith.constant 19600 : i32
          %dma_wait3A_331 = tpu.memref_slice %arg4[%dma_wait3A_330] : memref<30000xf32, #tpu.memory_space<hbm>> -> memref<400xf32, #tpu.memory_space<hbm>>
          %dma_wait3A_332 = arith.constant 19600 : i32
          %dma_wait3A_333 = tpu.memref_slice %arg4[%dma_wait3A_332] : memref<30000xf32, #tpu.memory_space<hbm>> -> memref<400xf32, #tpu.memory_space<hbm>>
          %dma_wait3A_334 = arith.constant 0 : i32
          %dma_wait3A_335 = tpu.memref_slice %arg13[%dma_wait3A_334] : memref<640xf32, #tpu.memory_space<vmem>> -> memref<400xf32, #tpu.memory_space<vmem>>
          tpu.wait_dma2 semaphore(%run_scoped3A : memref<!tpu.dma_semaphore, #tpu.memory_space<semaphore_mem>>) src(%dma_wait3A_335 : memref<400xf32, #tpu.memory_space<vmem>>) dst(%dma_wait3A_333 : memref<400xf32, #tpu.memory_space<hbm>>)
          tpu.yield
        }) : () -> ()
      } else {
      }
    } else {
    }
    return
  }
}

</mosaic_0001>

<sc_bundles>
// kernel: _propagate.3.cloned.1.call-start
scs
__scs_entry_jumppad:
0x0: {  	(pc) =	sbr.rel $0x88, $3  }
0x1: {  	(tag) =	ssettag $0x0;
	lr =	simm.s32 $0x1  }
0x2: {  	[smem:$0x3F9F] =	sst lr;
	_ =	strace $0xD0000000  }
0x3: {  	_ = 	snop  }
0x4: {  	_ = 	snop  }
0x5: {  	_ = 	snop  }
0x6: {  	_ = 	snop  }
0x7: {  	_ = 	snop  }
__scs_overlays_trampoline_lowered:
0x8: {  	[smem:$0x3FAE] =	sst s0  }
0x9: {  	[smem:$0x3FAF] =	sst s1  }
0xa: {  	[smem:$0x3FB0] =	sst s2  }
0xb: {  	[smem:$0x3FB1] =	sst s3  }
0xc: {  	[smem:$0x3FB2] =	sst s4  }
0xd: {  	[smem:$0x3FB3] =	sst s5  }
0xe: {  	[smem:$0x3FB4] =	sst s6  }
0xf: {  	[smem:$0x3FB5] =	sst s7  }
0x10: {  	[smem:$0x3FB6] =	sst s8  }
0x11: {  	[smem:$0x3FB7] =	sst s9;
	s0 =	simm.s32 @!p0 $0x0  }
0x12: {  	s1 =	sld [smem:$0x3F9D];
	s0 =	simm.s32 @p0 $0x1  }
0x13: {  	[smem:$0x3FB8] =	sst s0;
	s0 =	simm.s32 @!p1 $0x0  }
0x14: {  	s2 =	sld [smem:$0x3F9C];
	s0 =	simm.s32 @p1 $0x1  }
0x15: {  	[smem:$0x3FB9] =	sst s0;
	s0 =	simm.s32 @!p2 $0x0  }
0x16: {  	s3 =	sld [smem:$0x3FDB];
	s0 =	simm.s32 @p2 $0x1  }
0x17: {  	s4 =	simm.s32 $0x1BF5;
	[smem:$0x3FBB] =	sst s0  }
0x18: {  	s0 =	sld [smem:$0x3F9E];
	_ =	swait.ge [sflag:s4], $0x0  }
0x19: {  	s7 =	sld [smem:$0x3F9F]  }
0x1a: {  	s8 =	sadd.s32 $0xFFFFE003, lr  }
0x1b: {  	s9 =	sadd.s32 $0xFFFFFEF7, lr;
	s5 =	simm.s32 $0xFFFFFFFF;
	p2 =	slt.u32 s8, $0xFFFFF086  }
0x1c: {  	p1 =	slt.u32 s9, $0xF7A;
	s5 =	simm.s32 @!p2 $0x0  }
0x1d: {  	s5 =	simm.s32 @p1 $0x1;
	p0 =	seq.s32 s7, s2  }
0x1e: {  	s7 =	smul.u32 @!p0 $0xF7A, s2;
	p2 =	seq.s32 @!p0 s5, $0x0  }
0x1f: {  	s9 =	smul.u32 $0xF7A, s1;
	s8 =	simm.s32 @!p0 $0x1BF5;
	p2 =	por !p2, p0  }
0x20: {  	[sflag:s8] =	ssyncset.s32 @!p0 $0xFFFFF086;
	s6 =	sadd.s32 @!p0 s3, s7;
	s7 =	simm.s32 @!p0 $0x108  }
0x21: {  	s3 =	sadd.s32 s3, s9;
	s6 =	sadd.s32 @!p0 $0x88, s6;
	s7 =	simm.s32 @p2 $0x1082  }
0x22: {  	[simem:s7], [sflag:s8] =	dma.local @!p0 [hbm:s6], $0xF7A  }
0x23: {  	s9 =	sor.u32 $0xD0000000, s2;
	s6 =	simm.s32 $0x108;
	_ =	swait.ge @!p0 [sflag:s8], $0x0  }
0x24: {  	s3 =	sadd.s32 $0x88, s3;
	s6 =	simm.s32 @!p1 $0x1082;
	[sflag:s4] =	ssyncset.s32 $0xFFFFF086  }
0x25: {  	[simem:s6], [sflag:s4] =	dma.local [hbm:s3], $0xF7A  }
0x26: {  	[smem:$0x3F9F] =	sst s1;
	(tag) =	ssettag s2;
	_ =	strace s9  }
0x27: {  	s1 =	sld [smem:$0x3FAF]  }
0x28: {  	s2 =	sld [smem:$0x3FB0]  }
0x29: {  	s4 =	sld [smem:$0x3FB2]  }
0x2a: {  	p0 =	seq.s32 s5, $0x0;
	s5 =	sld [smem:$0x3FB3]  }
0x2b: {  	s6 =	sld [smem:$0x3FB4]  }
0x2c: {  	s7 =	sld [smem:$0x3FB5]  }
0x2d: {  	s3 =	simm.s32 $0x108;
	s8 =	sld [smem:$0x3FB6]  }
0x2e: {  	s3 =	simm.s32 @!p0 $0x1082;
	s9 =	sld [smem:$0x3FB7]  }
0x2f: {  	lr =	sadd.s32 s0, s3;
	s0 =	sld [smem:$0x3FAE]  }
0x30: {  	s3 =	sld [smem:$0x3FB1]  }
0x31: {  	[smem:$0x3FBA] =	sst s10  }
0x32: {  	s10 =	sld [smem:$0x3FB8];
	_ =	sdelay $0x3  }
0x33: {  	p0 =	seq.s32 s10, $0x1;
	s10 =	sld [smem:$0x3FBA];
	_ =	sdelay $0x3  }
0x34: {  	[smem:$0x3FBA] =	sst s10  }
0x35: {  	s10 =	sld [smem:$0x3FB9];
	_ =	sdelay $0x3  }
0x36: {  	p1 =	seq.s32 s10, $0x1;
	s10 =	sld [smem:$0x3FBA];
	_ =	sdelay $0x3  }
0x37: {  	[smem:$0x3FBA] =	sst s10  }
0x38: {  	s10 =	sld [smem:$0x3FBB]  }
0x39: {  	_ = 	snop;
	(pc) =	sbr.ind lr, $3  }
0x3a: {  	_ = 	snop  }
0x3b: {  	_ = 	snop  }
0x3c: {  	p2 =	seq.s32 s10, $0x1;
	s10 =	sld [smem:$0x3FBA]  }
0x3d: {  	_ =	shalt  }
0x3e: {  	_ =	shalt  }
0x3f: {  	_ =	shalt  }
0x40: {  	_ =	shalt  }
0x41: {  	_ =	shalt  }
0x42: {  	_ =	shalt  }
0x43: {  	_ =	shalt  }
0x44: {  	_ =	shalt  }
0x45: {  	_ =	shalt  }
0x46: {  	_ =	shalt  }
0x47: {  	_ =	shalt  }
0x48: {  	_ =	shalt  }
0x49: {  	_ =	shalt  }
0x4a: {  	_ =	shalt  }
0x4b: {  	_ =	shalt  }
0x4c: {  	_ =	shalt  }
0x4d: {  	_ =	shalt  }
0x4e: {  	_ =	shalt  }
0x4f: {  	_ =	shalt  }
0x50: {  	_ =	shalt  }
0x51: {  	_ =	shalt  }
0x52: {  	_ =	shalt  }
0x53: {  	_ =	shalt  }
0x54: {  	_ =	shalt  }
0x55: {  	_ =	shalt  }
0x56: {  	_ =	shalt  }
0x57: {  	_ =	shalt  }
0x58: {  	_ =	shalt  }
0x59: {  	_ =	shalt  }
0x5a: {  	_ =	shalt  }
0x5b: {  	_ =	shalt  }
0x5c: {  	_ =	shalt  }
0x5d: {  	_ =	shalt  }
0x5e: {  	_ =	shalt  }
0x5f: {  	_ =	shalt  }
0x60: {  	_ =	shalt  }
0x61: {  	_ =	shalt  }
0x62: {  	_ =	shalt  }
0x63: {  	_ =	shalt  }
0x64: {  	_ =	shalt  }
0x65: {  	_ =	shalt  }
0x66: {  	_ =	shalt  }
0x67: {  	_ =	shalt  }
0x68: {  	_ =	shalt  }
0x69: {  	_ =	shalt  }
0x6a: {  	_ =	shalt  }
0x6b: {  	_ =	shalt  }
0x6c: {  	_ =	shalt  }
0x6d: {  	_ =	shalt  }
0x6e: {  	_ =	shalt  }
0x6f: {  	_ =	shalt  }
0x70: {  	_ =	shalt  }
0x71: {  	_ =	shalt  }
0x72: {  	_ =	shalt  }
0x73: {  	_ =	shalt  }
0x74: {  	_ =	shalt  }
0x75: {  	_ =	shalt  }
0x76: {  	_ =	shalt  }
0x77: {  	_ =	shalt  }
0x78: {  	_ =	shalt  }
0x79: {  	_ =	shalt  }
0x7a: {  	_ =	shalt  }
0x7b: {  	_ =	shalt  }
0x7c: {  	_ =	shalt  }
0x7d: {  	_ =	shalt  }
0x7e: {  	_ =	shalt  }
0x7f: {  	_ =	shalt  }
0x80: {  	_ =	shalt  }
0x81: {  	_ =	shalt  }
0x82: {  	_ =	shalt  }
0x83: {  	_ =	shalt  }
0x84: {  	_ =	shalt  }
0x85: {  	_ =	shalt  }
0x86: {  	_ =	shalt  }
0x87: {  	_ =	shalt  }
.Lfunc_end0:
.L_simem_size_0:
called_computation_lowered:
.L_overlay_start_0:
0x88: {  	s2 =	sld [smem:$0x3FD9]  }
0x89: {  	s3 =	sld [smem:$0x3FFE];
	_ =	sdelay $0x1  }
0x8a: {  	s1 =	srdreg.scid  }
0x8b: {  	s0 =	sand.u32 $0x1, s1  }
0x8c: {  	s18 =	sshll.u32 s0, $0xA;
	s2 =	sadd.s32 s3, s2  }
0x8d: {  	s2 =	sadd.s32 s2, s18  }
0x8e: {  	[smem:$0x3FC6] =	sst s2  }
0x8f: {  	_ = 	snop  }
0x90: {  	s2 =	sld [smem:$0x3FC9]  }
0x91: {  	s19 =	sld [smem:$0x3FC8]  }
0x92: {  	s4 =	sld [smem:$0x3FD0];
	(tm) =	ssettm $0x1  }
0x93: {  	s5 =	sld [smem:$0x3FFB];
	_ =	sdelay $0x3  }
0x94: {  	_ =	strace s5  }
0x95: {  	s5 =	sld [smem:$0x3FFC];
	_ =	sdelay $0x3  }
0x96: {  	_ =	strace s5  }
0x97: {  	s5 =	sld [smem:$0x3FFD];
	_ =	sdelay $0x3  }
0x98: {  	_ =	strace s5  }
0x99: {  	_ =	strace $0x8FFFFFFF  }
0x9a: {  	s20 =	sld [smem:$0x3FDB];
	_ =	sdelay $0x1  }
0x9b: {  	s6 =	simm.s32 $_scs_section_size  }
0x9c: {  	s7 =	simm.s32 $_size__tile_overlayer_lowered;
	s8 =	simm.s32 $_tile_overlayer_lowered  }
0x9d: {  	s23 =	simm.s32 $0x1BFF;
	s22 =	sshll.u32 s8, $0x1;
	s5 =	sadd.s32 s6, s20  }
0x9e: {  	s9 =	simm.s32 $0x0;
	s21 =	sshll.u32 s7, $0x1;
	s7 =	sadd.s32 s22, s5  }
0x9f: {  	[timem:s9], [sflag:s23] =	dma.local [hbm:s7], s21  }
0xa0: {  	_ =	swait.ge [sflag:s23], s21  }
0xa1: {  	s6 =	ssub.s32 $0x0, s21;
	[sflag:s23] =	ssyncset.done $0x0  }
0xa2: {  	[sflag:s23] =	ssyncadd.s32 s6;
	_ =	sdelay $0x1  }
0xa3: {  	s24 =	simm.s32 $0x1B8B  }
0xa4: {  	_ =	swait.ge [sflag:s24], $0x1  }
0xa5: {  	[sflag:s24] =	ssyncset.done $0x0  }
0xa6: {  	s25 =	simm.s32 $0x1B8E;
	[sflag:s24] =	ssyncadd.s32 $0xFFFFFFFF  }
0xa7: {  	s26 =	simm.s32 $execute0_lowered;
	[smem:$0x3FD2] =	sst s25  }
0xa8: {  	s6 =	sshll.u32 s26, $0x1;
	_ =	strace $0x80000046;
	[dreg:$0x1] =	wrdreg $0xFFFFFFFF  }
0xa9: {  	s28 =	simm.s32 $_size_execute0_lowered;
	s5 =	sadd.s32 s5, s6;
	[dreg:$0x0] =	wrdreg $0x0  }
0xaa: {  	s6 =	sshll.u32 s28, $0x1;
	[dreg:$0x2] =	wrdreg s5  }
0xab: {  	[dreg:$0x3] =	wrdreg s6  }
0xac: {  	[dreg:$0x4] =	wrdreg $0xC0  }
0xad: {  	_ =	task [dreg:s9], $0x5FFFF  }
0xae: {  	[dreg:$0x1] =	wrdreg $0xFFFFFFFF  }
0xaf: {  	[dreg:$0x0] =	wrdreg $0x60  }
0xb0: {  	[dreg:$0x2] =	wrdreg s2  }
0xb1: {  	[dreg:$0x3] =	wrdreg s19  }
0xb2: {  	[dreg:$0x4] =	wrdreg s4  }
0xb3: {  	[dreg:$0x5] =	wrdreg $0x0  }
0xb4: {  	[dreg:$0x6] =	wrdreg $0x5000  }
0xb5: {  	[dreg:$0x7] =	wrdreg $0x55000  }
0xb6: {  	[dreg:$0x8] =	wrdreg $0x9  }
0xb7: {  	_ =	task.clear_ibuf [dreg:s9], $0x9FFFF;
	_ =	strace $0x90000046  }
0xb8: {  	s29 =	simm.s32 $0x9;
	_ =	strace $0x80000048  }
0xb9: {  	_ =	swait.ge [sflag:s29], $0x1  }
0xba: {  	[sflag:s29] =	ssyncadd.s32 $0xFFFFFFFF  }
0xbb: {  	_ =	strace $0x90000048  }
0xbc: {  	_ =	sfence  }
0xbd: {  	s30 =	sld [smem:$0x0];
	_ =	sdelay $0x2  }
0xbe: {  	s31 =	sshll.u32 s1, $0xD;
	s1 =	sshrl.u32 s1, $0x2  }
0xbf: {  	s3 =	sand.u32 $0x4000, s31;
	s1 =	sadd.s32 s1, s30  }
0xc0: {  	s0 =	sor.u32 s3, s0;
	s1 =	sshll.u32 s1, $0x11  }
0xc1: {  	s0 =	sor.u32 s1, s0  }
0xc2: {  	s0 =	sadd.s32 $0x8F2B, s0  }
0xc3: {  	[sflag:s0] =	ssyncadd.remote.s32 $0x1  }
0xc4: {  	_ =	sfence.sel $0xFFFF  }
0xc5: {  	[dreg:$0x0] =	wrdreg $0xFFFFFFFF;
	(pc) =	sbr.abs _section_cstart, $3  }
0xc6: {  	[dreg:$0x1] =	wrdreg $0xFFFFFFFF  }
0xc7: {  	_ =	task.clear_ibuf [dreg:s9], $0x2FFFF;
	_ =	strace $0x9FFFFFFF  }
0xc8: {  	(tm) =	ssettm $0x7FFFFFFF  }
0xc9: {  	_ =	shalt  }
tec
execute0_lowered:
.L_overlay_start_1:
0x0: {  	(tag) =	ssettag $0x1  }
0x1: {  	s0 =	rddreg [dreg:$0x0]  }
0x2: {  	s1 =	rddreg [dreg:$0x1]  }
0x3: {  	s2 =	rddreg [dreg:$0x2]  }
0x4: {  	s12 =	rddreg [dreg:$0x3]  }
0x5: {  	s4 =	srdreg.scid;
	s11 =	stileid.u32  }
0x6: {  	s3 =	rddreg [dreg:$0x4];
	s5 =	sand.u32 $0x1, s4;
	s4 =	smul.u32 $0x280, s11  }
0x7: {  	s15 =	rddreg [dreg:$0x5];
	s8 =	simm.s32 $0x0;
	s9 =	smul.u32 $0x9C4, s11  }
0x8: {  	[smem:$0x7FF] =	sst s8;
	s21 =	smul.u32 $0xA000, s11;
	p1 =	seq.s32 s11, $0xF  }
0x9: {  	s6 =	ssub.s32 $0x2, s5;
	s7 =	smul.u32 $0x4E20, s5;
	_ =	strace $0x80000047  }
0xa: {  	p0 =	sne.s32 s5, $0x0;
	s16 =	sshrl.u32 s6, $0x1;
	s1 =	sadd.s32 s1, s9  }
0xb: {  	s9 =	sadd.s32 s4, s12;
	s15 =	sadd.s32 s4, s15;
	[dreg:$0x7] =	wrdreg s1  }
0xc: {  	s13 =	sadd.s32 $0x2800, s4;
	s22 =	sadd.s32 $0x2800, s9;
	[dreg:$0x15] =	wrdreg s15  }
0xd: {  	s14 =	sadd.s32 s4, s3;
	s23 =	sadd.s32 s13, s3;
	[dreg:$0xc] =	wrdreg s22  }
0xe: {  	s18 =	sshrl.u32 s4, $0x3;
	s25 =	sadd.s32 $0x5000, s14;
	[dreg:$0xd] =	wrdreg s23  }
0xf: {  	s24 =	sshrl.u32 s21, $0x2;
	s26 =	sadd.s32 $0x7800, s14;
	[dreg:$0xe] =	wrdreg s25  }
0x10: {  	s6 =	ssub.s32 s6, s16;
	s16 =	sadd.s32 $0x2800, s12;
	[dreg:$0xf] =	wrdreg s26  }
0x11: {  	s8 =	sadd.s32 $0x4E2, s18;
	s21 =	sadd.s32 $0x2A800, s14;
	[dreg:$0x16] =	wrdreg s16  }
0x12: {  	s18 =	sadd.s32 s24, s3;
	s24 =	sadd.s32 $0x32000, s14;
	[dreg:$0x18] =	wrdreg s21  }
0x13: {  	p3 =	seq.s32 @!p0 s11, $0xF;
	s11 =	sadd.s32 $0x3E800, s14;
	[dreg:$0x1b] =	wrdreg s24  }
0x14: {  	s15 =	sadd.s32 $0x41000, s14;
	[smem:$0x7F5] =	sst s11  }
0x15: {  	s17 =	sadd.s32 s4, s7;
	s10 =	sadd.s32 s0, s8;
	[smem:$0x7F6] =	sst s15  }
0x16: {  	s1 =	sshrl.u32 s17, $0x3;
	s17 =	sadd.s32 $0x28000, s14;
	[dreg:$0xa] =	wrdreg s10  }
0x17: {  	s22 =	sadd.s32 $0x2D000, s14;
	[dreg:$0x17] =	wrdreg s17  }
0x18: {  	s7 =	sshrl.u32 s7, $0x3;
	s23 =	sadd.s32 $0x2F800, s14;
	[dreg:$0x19] =	wrdreg s22  }
0x19: {  	p2 =	por !p3, p0;
	s25 =	sadd.s32 $0x34800, s14;
	[dreg:$0x1a] =	wrdreg s23  }
0x1a: {  	p3 =	por p3, p0;
	s16 =	sadd.s32 $0x43800, s14;
	[dreg:$0x1c] =	wrdreg s25  }
0x1b: {  	s28 =	sadd.s32 $0x11800, s14;
	s21 =	sadd.s32 $0x48800, s14;
	[smem:$0x7F7] =	sst s16  }
0x1c: {  	s29 =	sadd.s32 $0x14000, s14;
	s24 =	sadd.s32 $0x28000, s18;
	[smem:$0x7F9] =	sst s21  }
0x1d: {  	s7 =	sadd.s32 $0x4B0, s7;
	s19 =	sadd.s32 s0, s1;
	[smem:$0x7FC] =	sst s24  }
0x1e: {  	s30 =	sadd.s32 $0x16800, s14;
	s20 =	sadd.s32 s0, s7;
	[dreg:$0x8] =	wrdreg s19  }
0x1f: {  	s31 =	sadd.s32 $0x19000, s14;
	s0 =	sadd.s32 $0x992, s0;
	[dreg:$0x9] =	wrdreg s20  }
0x20: {  	s26 =	sadd.s32 $0xF000, s14;
	s3 =	sadd.s32 s2, s1;
	[dreg:$0xb] =	wrdreg s0  }
0x21: {  	s11 =	simm.s32 $0x1;
	s5 =	sadd.s32 s2, s7;
	[dreg:$0x10] =	wrdreg s3  }
0x22: {  	s7 =	sadd.s32 s2, s8;
	s8 =	sadd.s32 $0x992, s2;
	[dreg:$0x11] =	wrdreg s5  }
0x23: {  	s10 =	smax.u32 s6, $0x1;
	s1 =	sadd.s32 $0x1E000, s14;
	[dreg:$0x12] =	wrdreg s7  }
0x24: {  	s6 =	sadd.s32 $0x25800, s14;
	s17 =	sadd.s32 $0x46000, s14;
	[dreg:$0x13] =	wrdreg s8  }
0x25: {  	s22 =	sadd.s32 $0x4B000, s14;
	s23 =	sadd.s32 $0x4D800, s14;
	[dreg:$0x14] =	wrdreg s10  }
0x26: {  	s25 =	sadd.s32 s13, s12;
	s2 =	simm.s32 $0x14480;
	[smem:$0x7F8] =	sst s17  }
0x27: {  	s21 =	simm.s32 $0xF480;
	s12 =	simm.s32 $0x0;
	[smem:$0x7FA] =	sst s22  }
.Ltmp0:
0x28: {  	s19 =	sadd.s32 $0xA000, s14;
	[smem:$0x7FB] =	sst s23;
	(pc) =	sbr.rel .LBB2_1-.Ltmp0, $4  }
0x29: {  	s20 =	sadd.s32 $0xC800, s14;
	s7 =	sadd.s32 $0x37000, s14;
	[smem:$0x7FD] =	sst s25  }
0x2a: {  	s0 =	sadd.s32 $0x1B800, s14;
	s8 =	sadd.s32 $0x39800, s14;
	[dreg:$0x1d] =	wrdreg s7  }
0x2b: {  	s3 =	sadd.s32 $0x20800, s14;
	s10 =	sadd.s32 $0x3C000, s14;
	[dreg:$0x1e] =	wrdreg s8  }
0x2c: {  	v0 =	vimm.f32 $0.0e+00;
	v1 =	vimm.f32 $1.000000000e+00;
	s5 =	sadd.s32 $0x23000, s14;
	[dreg:$0x1f] =	wrdreg s10;
	s7 =	simm.s32 $0x2  }
.LBB2_32:
0x2d: {  	s8 =	simm.s32 $0x1BC80  }
0x2e: {  	[tilespmem:s8], [sflag:$0x2] =	stream.linear.gather [spmem:s9], $0x280, $0x38;
	[tilespmem:$0x1C680] =	vst v63  }
0x2f: {  	_ =	swait.ge [sflag:s7], $0x280  }
0x30: {  	s10 =	simm.s32 @p1 $0x1BC80;
	[sflag:s7] =	ssyncset.done $0x0  }
0x31: {  	s8 =	simm.s32 @p1 $0x0;
	s12 =	rddreg [dreg:$0x11];
	[sflag:s7] =	ssyncadd.s32 $0xFFFFFD80  }
0x32: {  	[hbm4b:s12+s8] =	stream.linear.scatter @p1 [tilespmem:s10], [sflag:$0x2], $0x190, $0x38;
	[tilespmem:$0x1C680] =	vst v63  }
0x33: {  	s8 =	simm.s32 @p1 $0x2  }
0x34: {  	_ =	swait.ge @p1 [sflag:s8], $0x190  }
0x35: {  	s10 =	simm.s32 @!p1 $0x1BC80;
	[sflag:s8] =	ssyncset.done @p1 $0x0  }
0x36: {  	s12 =	rddreg [dreg:$0x10];
	[sflag:s8] =	ssyncadd.s32 @p1 $0xFFFFFE70;
	s8 =	simm.s32 @!p1 $0x0  }
0x37: {  	[hbm4b:s12+s8] =	stream.linear.scatter @!p1 [tilespmem:s10], [sflag:$0x2], $0x280, $0x38;
	[tilespmem:$0x1C680] =	vst v63  }
0x38: {  	s8 =	simm.s32 @!p1 $0x2  }
0x39: {  	_ =	swait.ge @!p1 [sflag:s8], $0x280  }
0x3a: {  	s10 =	sld [smem:$0x7FD]  }
0x3b: {  	[sflag:s8] =	ssyncset.done @!p1 $0x0  }
0x3c: {  	[sflag:s8] =	ssyncadd.s32 @!p1 $0xFFFFFD80;
	s8 =	simm.s32 @!p0 $0x1BC80  }
0x3d: {  	[tilespmem:s8], [sflag:$0x2] =	stream.linear.gather @!p0 [spmem:s10], $0x280, $0x38;
	[tilespmem:$0x1C680] =	vst v63  }
0x3e: {  	s8 =	simm.s32 @!p0 $0x2  }
0x3f: {  	_ =	swait.ge @!p0 [sflag:s8], $0x280  }
0x40: {  	s10 =	simm.s32 @!p2 $0x1BC80;
	[sflag:s8] =	ssyncset.done @!p0 $0x0  }
0x41: {  	s12 =	rddreg [dreg:$0x13];
	[sflag:s8] =	ssyncadd.s32 @!p0 $0xFFFFFD80;
	s8 =	simm.s32 @!p2 $0x0  }
0x42: {  	[hbm4b:s12+s8] =	stream.linear.scatter @!p2 [tilespmem:s10], [sflag:$0x2], $0x190, $0x38;
	[tilespmem:$0x1C680] =	vst v63  }
0x43: {  	s8 =	simm.s32 @!p2 $0x2  }
0x44: {  	_ =	swait.ge @!p2 [sflag:s8], $0x190  }
0x45: {  	s10 =	simm.s32 @!p3 $0x1BC80;
	[sflag:s8] =	ssyncset.done @!p2 $0x0  }
0x46: {  	s12 =	rddreg [dreg:$0x12];
	[sflag:s8] =	ssyncadd.s32 @!p2 $0xFFFFFE70;
	s8 =	simm.s32 @!p3 $0x0  }
0x47: {  	[hbm4b:s12+s8] =	stream.linear.scatter @!p3 [tilespmem:s10], [sflag:$0x2], $0x280, $0x38;
	[tilespmem:$0x1C680] =	vst v63  }
0x48: {  	s8 =	simm.s32 @!p3 $0x2  }
0x49: {  	_ =	swait.ge @!p3 [sflag:s8], $0x280  }
0x4a: {  	s24 =	sld [smem:$0x7F4];
	_ =	sdelay $0x2  }
0x4b: {  	s25 =	rddreg [dreg:$0x14];
	s12 =	sadd.s32 $0x1, s24  }
0x4c: {  	p4 =	sne.s32 s12, s25  }
.Ltmp1:
0x4d: {  	_ = 	snop;
	(pc) =	sbr.rel @!p4 .LBB2_33-.Ltmp1, $3  }
0x4e: {  	_ =	sdelay $0x1  }
0x4f: {  	[sflag:s8] =	ssyncset.done @!p3 $0x0  }
0x50: {  	[sflag:s8] =	ssyncadd.s32 @!p3 $0xFFFFFD80  }
.LBB2_1:
0x51: {  	[smem:$0x7F4] =	sst s12  }
0x52: {  	s8 =	simm.s32 $0x0;
	s10 =	rddreg [dreg:$0x7];
	s24 =	simm.s32 $0x5780  }
0x53: {  	[tilespmem:s24], [sflag:$0x2] =	stream.linear.gather [hbm4b:s10+s8], $0x4E20, $0x38;
	[tilespmem:$0x1C680] =	vst v63  }
0x54: {  	_ =	swait.ge [sflag:s7], $0x4E20  }
0x55: {  	s8 =	simm.s32 @p1 $0x0;
	[sflag:s7] =	ssyncset.done $0x0  }
0x56: {  	s10 =	simm.s32 @p1 $0x1C180;
	s12 =	rddreg [dreg:$0x9];
	[sflag:s7] =	ssyncadd.s32 $0xFFFFB1E0  }
0x57: {  	[tilespmem:s10], [sflag:$0x2] =	stream.linear.gather @p1 [hbm4b:s12+s8], $0x190, $0x38;
	[tilespmem:$0x1C680] =	vst v63  }
0x58: {  	s8 =	simm.s32 @p1 $0x2  }
0x59: {  	_ =	swait.ge @p1 [sflag:s8], $0x190  }
0x5a: {  	[sflag:s8] =	ssyncset.done @p1 $0x0  }
0x5b: {  	v2 =	vimm.f32 @p1 $0.0e+00;
	[sflag:s8] =	ssyncadd.s32 @p1 $0xFFFFFE70  }
0x5c: {  	[tilespmem:$0x1C310] =	vst @p1 v2  }
0x5d: {  	[tilespmem:$0x1C320] =	vst @p1 v2  }
0x5e: {  	[tilespmem:$0x1C330] =	vst @p1 v2  }
0x5f: {  	[tilespmem:$0x1C340] =	vst @p1 v2  }
0x60: {  	[tilespmem:$0x1C350] =	vst @p1 v2  }
0x61: {  	[tilespmem:$0x1C360] =	vst @p1 v2  }
0x62: {  	[tilespmem:$0x1C370] =	vst @p1 v2  }
0x63: {  	[tilespmem:$0x1C380] =	vst @p1 v2  }
0x64: {  	[tilespmem:$0x1C390] =	vst @p1 v2  }
0x65: {  	[tilespmem:$0x1C3A0] =	vst @p1 v2  }
0x66: {  	[tilespmem:$0x1C3B0] =	vst @p1 v2  }
0x67: {  	[tilespmem:$0x1C3C0] =	vst @p1 v2  }
0x68: {  	[tilespmem:$0x1C3D0] =	vst @p1 v2  }
0x69: {  	[tilespmem:$0x1C3E0] =	vst @p1 v2  }
0x6a: {  	s10 =	simm.s32 @!p1 $0x1C180;
	s12 =	rddreg [dreg:$0x8];
	s8 =	simm.s32 @!p1 $0x0;
	[tilespmem:$0x1C3F0] =	vst @p1 v2  }
0x6b: {  	[tilespmem:s10], [sflag:$0x2] =	stream.linear.gather @!p1 [hbm4b:s12+s8], $0x280, $0x38;
	[tilespmem:$0x1C680] =	vst v63  }
0x6c: {  	s8 =	simm.s32 @!p1 $0x2  }
0x6d: {  	_ =	swait.ge @!p1 [sflag:s8], $0x280  }
0x6e: {  	[sflag:s8] =	ssyncset.done @!p1 $0x0  }
0x6f: {  	s25 =	simm.s32 $0x1C180;
	[sflag:s8] =	ssyncadd.s32 @!p1 $0xFFFFFD80  }
0x70: {  	[spmem:s9] =	stream.linear.scatter [tilespmem:s25], [sflag:$0x2], $0x280, $0x38;
	[tilespmem:$0x1C680] =	vst v63  }
0x71: {  	_ =	swait.ge [sflag:s7], $0x280  }
0x72: {  	s10 =	simm.s32 @!p2 $0x1C400;
	[sflag:s7] =	ssyncset.done $0x0  }
0x73: {  	s8 =	simm.s32 @!p2 $0x0;
	s12 =	rddreg [dreg:$0xb];
	[sflag:s7] =	ssyncadd.s32 $0xFFFFFD80  }
0x74: {  	[tilespmem:s10], [sflag:$0x2] =	stream.linear.gather @!p2 [hbm4b:s12+s8], $0x190, $0x38;
	[tilespmem:$0x1C680] =	vst v63  }
0x75: {  	s8 =	simm.s32 @!p2 $0x2  }
0x76: {  	_ =	swait.ge @!p2 [sflag:s8], $0x190  }
0x77: {  	[sflag:s8] =	ssyncset.done @!p2 $0x0  }
0x78: {  	v2 =	vimm.f32 @!p2 $0.0e+00;
	[sflag:s8] =	ssyncadd.s32 @!p2 $0xFFFFFE70  }
0x79: {  	[tilespmem:$0x1C590] =	vst @!p2 v2  }
0x7a: {  	[tilespmem:$0x1C5A0] =	vst @!p2 v2  }
0x7b: {  	[tilespmem:$0x1C5B0] =	vst @!p2 v2  }
0x7c: {  	[tilespmem:$0x1C5C0] =	vst @!p2 v2  }
0x7d: {  	[tilespmem:$0x1C5D0] =	vst @!p2 v2  }
0x7e: {  	[tilespmem:$0x1C5E0] =	vst @!p2 v2  }
0x7f: {  	[tilespmem:$0x1C5F0] =	vst @!p2 v2  }
0x80: {  	[tilespmem:$0x1C600] =	vst @!p2 v2  }
0x81: {  	[tilespmem:$0x1C610] =	vst @!p2 v2  }
0x82: {  	[tilespmem:$0x1C620] =	vst @!p2 v2  }
0x83: {  	[tilespmem:$0x1C630] =	vst @!p2 v2  }
0x84: {  	[tilespmem:$0x1C640] =	vst @!p2 v2  }
0x85: {  	[tilespmem:$0x1C650] =	vst @!p2 v2  }
0x86: {  	[tilespmem:$0x1C660] =	vst @!p2 v2  }
0x87: {  	s10 =	simm.s32 @!p3 $0x1C400;
	s12 =	rddreg [dreg:$0xa];
	s8 =	simm.s32 @!p3 $0x0;
	[tilespmem:$0x1C670] =	vst @!p2 v2  }
0x88: {  	[tilespmem:s10], [sflag:$0x2] =	stream.linear.gather @!p3 [hbm4b:s12+s8], $0x280, $0x38;
	[tilespmem:$0x1C680] =	vst v63  }
0x89: {  	s8 =	simm.s32 @!p3 $0x2  }
0x8a: {  	_ =	swait.ge @!p3 [sflag:s8], $0x280  }
0x8b: {  	[sflag:s8] =	ssyncset.done @!p3 $0x0  }
0x8c: {  	s10 =	rddreg [dreg:$0xc];
	[sflag:s8] =	ssyncadd.s32 @!p3 $0xFFFFFD80;
	s8 =	simm.s32 @!p0 $0x1C400  }
0x8d: {  	[spmem:s10] =	stream.linear.scatter @!p0 [tilespmem:s8], [sflag:$0x2], $0x280, $0x38;
	[tilespmem:$0x1C680] =	vst v63  }
0x8e: {  	s8 =	simm.s32 @!p0 $0x2  }
0x8f: {  	_ =	swait.ge @!p0 [sflag:s8], $0x280  }
0x90: {  	[sflag:s8] =	ssyncset.done @!p0 $0x0  }
0x91: {  	[sflag:s8] =	ssyncadd.s32 @!p0 $0xFFFFFD80;
	s8 =	simm.s32 $0x0  }
.LBB2_2:
0x92: {  	p4 =	sne.s32 s8, $0x9FC0  }
.Ltmp2:
0x93: {  	_ = 	snop;
	(pc) =	sbr.rel @p4 .LBB2_2-.Ltmp2, $3  }
0x94: {  	_ =	sdelay $0x1  }
0x95: {  	s10 =	sshra.s32 s8, $0x2  }
0x96: {  	s8 =	sadd.s32 $0x40, s8;
	[tilespmem:s10+$0x14480] =	vst v0  }
0x97: {  	s10 =	simm.s32 $0x57A0  }
0x98: {  	v2 =	vld [tilespmem:s10+$0x10];
	_ =	sdelay $0x1  }
0x99: {  	v6 =	vld [tilespmem:s10+$0xFFFFFFF0]  }
0x9a: {  	v3 =	vld [tilespmem:s10+$0x0]  }
0x9b: {  	v5 =	vld [tilespmem:s10+$0xFFFFFFE0]  }
0x9c: {  	v4 =	vshrl.u32 v2, $0xE;
	_ =	sdelay $0x1  }
0x9d: {  	s8 =	simm.s32 $0x0;
	s10 =	simm.s32 $0x57E0;
	v2 =	vshrl.u32 v6, $0xE  }
.LBB2_4:
0x9e: {  	v6 =	vld [tilespmem:s10+$0x10];
	s8 =	sadd.s32 $0x4, s8;
	v7 =	vshrl.u32 v3, $0xE  }
0x9f: {  	v8 =	vld [tilespmem:s10+$0xFFFFFFF0];
	p4 =	slt.u32 s8, $0x4DC;
	v9 =	vshrl.u32 v5, $0xE  }
0xa0: {  	[tilespmem:v4+s2+$0x0] =	vst.idx.add.f32.msk $0xffff, v1  }
.Ltmp3:
0xa1: {  	v3 =	vld [tilespmem:s10+$0x0];
	(pc) =	sbr.rel @p4 .LBB2_4-.Ltmp3, $4  }
0xa2: {  	v5 =	vld [tilespmem:s10+$0xFFFFFFE0]  }
0xa3: {  	v4 =	vshrl.u32 v6, $0xE;
	[tilespmem:v2+s2+$0x0] =	vst.idx.add.f32.msk $0xffff, v1  }
0xa4: {  	v2 =	vshrl.u32 v8, $0xE;
	[tilespmem:v9+s2+$0x0] =	vst.idx.add.f32.msk $0xffff, v1  }
0xa5: {  	s10 =	sadd.s32 $0x40, s10;
	[tilespmem:v7+s2+$0x0] =	vst.idx.add.f32.msk $0xffff, v1  }
0xa6: {  	_ = 	snop  }
0xa7: {  	v3 =	vshrl.u32 v3, $0xE  }
0xa8: {  	v5 =	vshrl.u32 v5, $0xE;
	_ =	sdelay $0x1  }
0xa9: {  	[tilespmem:v4+s2+$0x0] =	vst.idx.add.f32.msk $0xffff, v1  }
0xaa: {  	[tilespmem:v2+s2+$0x0] =	vst.idx.add.f32.msk $0xffff, v1  }
0xab: {  	[tilespmem:v3+s2+$0x0] =	vst.idx.add.f32.msk $0xffff, v1  }
0xac: {  	s8 =	simm.s32 $0x0;
	[tilespmem:v5+s2+$0x0] =	vst.idx.add.f32.msk $0xffff, v1  }
.LBB2_6:
0xad: {  	s10 =	sshra.s32 s8, $0x2  }
0xae: {  	v2 =	vld [tilespmem:s10+$0xA580];
	_ =	sdelay $0x4  }
0xaf: {  	p4 =	sne.s32 s8, $0x40;
	v2 =	vshrl.u32 v2, $0xE  }
.Ltmp4:
0xb0: {  	_ = 	snop;
	(pc) =	sbr.rel @p4 .LBB2_6-.Ltmp4, $2  }
0xb1: {  	_ =	sdelay $0x2  }
0xb2: {  	s8 =	sadd.s32 $0x40, s8;
	[tilespmem:v2+s2+$0x0] =	vst.idx.add.f32.msk $0xffff, v1  }
0xb3: {  	[spmem:s14] =	stream.linear.scatter [tilespmem:s2], [sflag:$0x1], $0x280, $0x38;
	[tilespmem:$0x1C680] =	vst v63  }
0xb4: {  	s8 =	rddreg [dreg:$0xd];
	s10 =	simm.s32 $0x14700  }
0xb5: {  	[spmem:s8] =	stream.linear.scatter [tilespmem:s10], [sflag:$0x1], $0x280, $0x38;
	[tilespmem:$0x1C680] =	vst v63  }
0xb6: {  	s24 =	rddreg [dreg:$0xe];
	s25 =	simm.s32 $0x14980  }
0xb7: {  	[spmem:s24] =	stream.linear.scatter [tilespmem:s25], [sflag:$0x1], $0x280, $0x38;
	[tilespmem:$0x1C680] =	vst v63  }
0xb8: {  	s12 =	rddreg [dreg:$0xf];
	s15 =	simm.s32 $0x14C00  }
0xb9: {  	[spmem:s12] =	stream.linear.scatter [tilespmem:s15], [sflag:$0x1], $0x280, $0x38;
	[tilespmem:$0x1C680] =	vst v63  }
0xba: {  	s16 =	simm.s32 $0x14E80  }
0xbb: {  	[spmem:s19] =	stream.linear.scatter [tilespmem:s16], [sflag:$0x1], $0x280, $0x38;
	[tilespmem:$0x1C680] =	vst v63  }
0xbc: {  	s17 =	simm.s32 $0x15100  }
0xbd: {  	[spmem:s20] =	stream.linear.scatter [tilespmem:s17], [sflag:$0x1], $0x280, $0x38;
	[tilespmem:$0x1C680] =	vst v63  }
0xbe: {  	s22 =	simm.s32 $0x15380  }
0xbf: {  	[spmem:s26] =	stream.linear.scatter [tilespmem:s22], [sflag:$0x1], $0x280, $0x38;
	[tilespmem:$0x1C680] =	vst v63  }
0xc0: {  	s23 =	simm.s32 $0x15600  }
0xc1: {  	[spmem:s28] =	stream.linear.scatter [tilespmem:s23], [sflag:$0x1], $0x280, $0x38;
	[tilespmem:$0x1C680] =	vst v63  }
0xc2: {  	s24 =	simm.s32 $0x15880  }
0xc3: {  	[spmem:s29] =	stream.linear.scatter [tilespmem:s24], [sflag:$0x1], $0x280, $0x38;
	[tilespmem:$0x1C680] =	vst v63  }
0xc4: {  	s25 =	simm.s32 $0x15B00  }
0xc5: {  	[spmem:s30] =	stream.linear.scatter [tilespmem:s25], [sflag:$0x1], $0x280, $0x38;
	[tilespmem:$0x1C680] =	vst v63  }
0xc6: {  	s10 =	simm.s32 $0x15D80  }
0xc7: {  	[spmem:s31] =	stream.linear.scatter [tilespmem:s10], [sflag:$0x1], $0x280, $0x38;
	[tilespmem:$0x1C680] =	vst v63  }
0xc8: {  	s12 =	simm.s32 $0x16000  }
0xc9: {  	[spmem:s0] =	stream.linear.scatter [tilespmem:s12], [sflag:$0x1], $0x280, $0x38;
	[tilespmem:$0x1C680] =	vst v63  }
0xca: {  	s15 =	simm.s32 $0x16280  }
0xcb: {  	[spmem:s1] =	stream.linear.scatter [tilespmem:s15], [sflag:$0x1], $0x280, $0x38;
	[tilespmem:$0x1C680] =	vst v63  }
0xcc: {  	s16 =	simm.s32 $0x16500  }
0xcd: {  	[spmem:s3] =	stream.linear.scatter [tilespmem:s16], [sflag:$0x1], $0x280, $0x38;
	[tilespmem:$0x1C680] =	vst v63  }
0xce: {  	s17 =	simm.s32 $0x16780  }
0xcf: {  	[spmem:s5] =	stream.linear.scatter [tilespmem:s17], [sflag:$0x1], $0x280, $0x38;
	[tilespmem:$0x1C680] =	vst v63  }
0xd0: {  	s22 =	simm.s32 $0x16A00  }
0xd1: {  	[spmem:s6] =	stream.linear.scatter [tilespmem:s22], [sflag:$0x1], $0x280, $0x38;
	[tilespmem:$0x1C680] =	vst v63  }
0xd2: {  	_ =	swait.ge [sflag:s11], $0x280  }
0xd3: {  	[sflag:s11] =	ssyncset.done $0x0  }
0xd4: {  	[sflag:s11] =	ssyncadd.s32 $0xFFFFFD80  }
0xd5: {  	_ =	swait.ge [sflag:s11], $0x280  }
0xd6: {  	[sflag:s11] =	ssyncset.done $0x0  }
0xd7: {  	[sflag:s11] =	ssyncadd.s32 $0xFFFFFD80  }
0xd8: {  	_ =	swait.ge [sflag:s11], $0x280  }
0xd9: {  	[sflag:s11] =	ssyncset.done $0x0  }
0xda: {  	[sflag:s11] =	ssyncadd.s32 $0xFFFFFD80  }
0xdb: {  	_ =	swait.ge [sflag:s11], $0x280  }
0xdc: {  	[sflag:s11] =	ssyncset.done $0x0  }
0xdd: {  	[sflag:s11] =	ssyncadd.s32 $0xFFFFFD80  }
0xde: {  	_ =	swait.ge [sflag:s11], $0x280  }
0xdf: {  	[sflag:s11] =	ssyncset.done $0x0  }
0xe0: {  	[sflag:s11] =	ssyncadd.s32 $0xFFFFFD80  }
0xe1: {  	_ =	swait.ge [sflag:s11], $0x280  }
0xe2: {  	[sflag:s11] =	ssyncset.done $0x0  }
0xe3: {  	[sflag:s11] =	ssyncadd.s32 $0xFFFFFD80  }
0xe4: {  	_ =	swait.ge [sflag:s11], $0x280  }
0xe5: {  	[sflag:s11] =	ssyncset.done $0x0  }
0xe6: {  	[sflag:s11] =	ssyncadd.s32 $0xFFFFFD80  }
0xe7: {  	_ =	swait.ge [sflag:s11], $0x280  }
0xe8: {  	[sflag:s11] =	ssyncset.done $0x0  }
0xe9: {  	[sflag:s11] =	ssyncadd.s32 $0xFFFFFD80  }
0xea: {  	_ =	swait.ge [sflag:s11], $0x280  }
0xeb: {  	[sflag:s11] =	ssyncset.done $0x0  }
0xec: {  	[sflag:s11] =	ssyncadd.s32 $0xFFFFFD80  }
0xed: {  	_ =	swait.ge [sflag:s11], $0x280  }
0xee: {  	[sflag:s11] =	ssyncset.done $0x0  }
0xef: {  	[sflag:s11] =	ssyncadd.s32 $0xFFFFFD80  }
0xf0: {  	_ =	swait.ge [sflag:s11], $0x280  }
0xf1: {  	[sflag:s11] =	ssyncset.done $0x0  }
0xf2: {  	[sflag:s11] =	ssyncadd.s32 $0xFFFFFD80  }
0xf3: {  	_ =	swait.ge [sflag:s11], $0x280  }
0xf4: {  	[sflag:s11] =	ssyncset.done $0x0  }
0xf5: {  	[sflag:s11] =	ssyncadd.s32 $0xFFFFFD80  }
0xf6: {  	_ =	swait.ge [sflag:s11], $0x280  }
0xf7: {  	[sflag:s11] =	ssyncset.done $0x0  }
0xf8: {  	[sflag:s11] =	ssyncadd.s32 $0xFFFFFD80  }
0xf9: {  	_ =	swait.ge [sflag:s11], $0x280  }
0xfa: {  	[sflag:s11] =	ssyncset.done $0x0  }
0xfb: {  	[sflag:s11] =	ssyncadd.s32 $0xFFFFFD80  }
0xfc: {  	_ =	swait.ge [sflag:s11], $0x280  }
0xfd: {  	[sflag:s11] =	ssyncset.done $0x0  }
0xfe: {  	[sflag:s11] =	ssyncadd.s32 $0xFFFFFD80  }
0xff: {  	_ =	swait.ge [sflag:s11], $0x280  }
0x100: {  	[sflag:s11] =	ssyncset.done $0x0  }
0x101: {  	[sflag:s11] =	ssyncadd.s32 $0xFFFFFD80  }
0x102: {  	s23 =	simm.s32 $0x19480;
	[bflag:$0x0] =	sbarrier.arrive $0xFFFF  }
0x103: {  	[tilespmem:s23], [sflag:$0x2] =	stream.linear.gather [spmem:s18], $0x2800, $0x38;
	[tilespmem:$0x1C680] =	vst v63  }
0x104: {  	_ =	swait.ge [sflag:s7], $0x2800  }
0x105: {  	s24 =	simm.s32 $0x0;
	[sflag:s7] =	ssyncset.done $0x0  }
0x106: {  	s10 =	sand.u32 $0x3F0, s24;
	[sflag:s7] =	ssyncadd.s32 $0xFFFFD800  }
0x107: {  	v2 =	vld [tilespmem:s10+$0x19700]  }
0x108: {  	v3 =	vld [tilespmem:s23+$0x0];
	_ =	sdelay $0x1  }
0x109: {  	v4 =	vld [tilespmem:s10+$0x19980];
	_ =	sdelay $0x1  }
0x10a: {  	v5 =	vld [tilespmem:s10+$0x19C00]  }
0x10b: {  	v2 =	vadd.f32 v2, v3  }
0x10c: {  	v3 =	vld [tilespmem:s10+$0x19E80]  }
0x10d: {  	v2 =	vadd.f32 v4, v2  }
0x10e: {  	v55 =	vld [tilespmem:s10+$0x1A100]  }
0x10f: {  	v2 =	vadd.f32 v5, v2  }
0x110: {  	v56 =	vld [tilespmem:s10+$0x1A380]  }
0x111: {  	v2 =	vadd.f32 v3, v2  }
0x112: {  	v3 =	vld [tilespmem:s10+$0x1A600]  }
0x113: {  	v2 =	vadd.f32 v55, v2  }
0x114: {  	v57 =	vld [tilespmem:s10+$0x1A880]  }
0x115: {  	v2 =	vadd.f32 v56, v2  }
0x116: {  	v58 =	vld [tilespmem:s10+$0x1AB00]  }
0x117: {  	v2 =	vadd.f32 v3, v2  }
0x118: {  	v3 =	vld [tilespmem:s10+$0x1AD80]  }
0x119: {  	v2 =	vadd.f32 v57, v2  }
0x11a: {  	v59 =	vld [tilespmem:s10+$0x1B000]  }
0x11b: {  	v2 =	vadd.f32 v58, v2  }
0x11c: {  	v60 =	vld [tilespmem:s10+$0x1B280]  }
0x11d: {  	v2 =	vadd.f32 v3, v2  }
0x11e: {  	v3 =	vld [tilespmem:s10+$0x1B500]  }
0x11f: {  	v2 =	vadd.f32 v59, v2  }
0x120: {  	v61 =	vld [tilespmem:s10+$0x1B780]  }
0x121: {  	v2 =	vadd.f32 v60, v2  }
0x122: {  	v62 =	vld [tilespmem:s10+$0x1BA00]  }
0x123: {  	v2 =	vadd.f32 v3, v2;
	_ =	sdelay $0x1  }
0x124: {  	v2 =	vadd.f32 v61, v2;
	_ =	sdelay $0x1  }
0x125: {  	v2 =	vadd.f32 v62, v2;
	_ =	sdelay $0x1  }
0x126: {  	v2 =	vadd.f32 $1.000000000e+00, v2;
	_ =	sdelay $0x1  }
0x127: {  	v3 =	vshra.s32 v2, $0x1;
	v2 =	vmul.f32 $5.000000000e-01, v2  }
0x128: {  	v3 =	vsub.s32 $0x5F3759DF, v3  }
0x129: {  	v63 =	vmul.f32 v3, v2;
	_ =	sdelay $0x1  }
0x12a: {  	v4 =	vmul.f32 v3, v63;
	_ =	sdelay $0x1  }
0x12b: {  	v4 =	vsub.f32 $1.500000000e+00, v4;
	_ =	sdelay $0x1  }
0x12c: {  	v3 =	vmul.f32 v3, v4;
	_ =	sdelay $0x1  }
0x12d: {  	v4 =	vmul.f32 v3, v2;
	_ =	sdelay $0x1  }
0x12e: {  	v4 =	vmul.f32 v4, v3;
	_ =	sdelay $0x1  }
0x12f: {  	v4 =	vsub.f32 $1.500000000e+00, v4;
	_ =	sdelay $0x1  }
0x130: {  	v3 =	vmul.f32 v4, v3;
	_ =	sdelay $0x1  }
0x131: {  	v2 =	vmul.f32 v3, v2;
	_ =	sdelay $0x1  }
0x132: {  	v2 =	vmul.f32 v2, v3;
	_ =	sdelay $0x1  }
0x133: {  	v2 =	vsub.f32 $1.500000000e+00, v2;
	_ =	sdelay $0x1  }
0x134: {  	v2 =	vmul.f32 v2, v3;
	_ =	sdelay $0x1  }
0x135: {  	s12 =	simm.s32 $0x1BC80;
	v3 =	vmul.f32 v2, v2  }
0x136: {  	s25 =	simm.s32 $0x10;
	s10 =	simm.s32 $0x1BF00;
	[tilespmem:s12+$0x0] =	vst v2  }
0x137: {  	s15 =	sand.u32 $0x3F0, s25;
	[tilespmem:s10+$0x0] =	vst v3  }
0x138: {  	s8 =	simm.s32 $0x19490;
	s22 =	simm.s32 $0x20;
	v2 =	vld [tilespmem:s15+$0x19700]  }
.LBB2_8:
0x139: {  	p4 =	sne.s32 s22, $0x270;
	v3 =	vld [tilespmem:s8+$0x0];
	_ =	sdelay $0x1  }
0x13a: {  	v4 =	vld [tilespmem:s15+$0x19980];
	_ =	sdelay $0x1  }
0x13b: {  	v5 =	vld [tilespmem:s15+$0x19C00]  }
0x13c: {  	v2 =	vadd.f32 v2, v3  }
0x13d: {  	v3 =	vld [tilespmem:s15+$0x19E80]  }
0x13e: {  	v2 =	vadd.f32 v4, v2  }
0x13f: {  	v4 =	vld [tilespmem:s15+$0x1A100]  }
0x140: {  	v2 =	vadd.f32 v5, v2  }
0x141: {  	v5 =	vld [tilespmem:s15+$0x1A380]  }
0x142: {  	v2 =	vadd.f32 v3, v2  }
0x143: {  	v3 =	vld [tilespmem:s15+$0x1A600]  }
0x144: {  	v2 =	vadd.f32 v4, v2  }
0x145: {  	v4 =	vld [tilespmem:s15+$0x1A880]  }
0x146: {  	v2 =	vadd.f32 v5, v2  }
0x147: {  	v5 =	vld [tilespmem:s15+$0x1AB00]  }
0x148: {  	v2 =	vadd.f32 v3, v2  }
0x149: {  	v3 =	vld [tilespmem:s15+$0x1AD80]  }
0x14a: {  	v2 =	vadd.f32 v4, v2  }
0x14b: {  	v4 =	vld [tilespmem:s15+$0x1B000]  }
0x14c: {  	v2 =	vadd.f32 v5, v2  }
0x14d: {  	v5 =	vld [tilespmem:s15+$0x1B280]  }
0x14e: {  	v2 =	vadd.f32 v3, v2  }
0x14f: {  	v3 =	vld [tilespmem:s15+$0x1B500]  }
0x150: {  	v2 =	vadd.f32 v4, v2  }
0x151: {  	v4 =	vld [tilespmem:s15+$0x1B780]  }
0x152: {  	v2 =	vadd.f32 v5, v2  }
0x153: {  	v5 =	vld [tilespmem:s15+$0x1BA00]  }
0x154: {  	v2 =	vadd.f32 v3, v2;
	_ =	sdelay $0x1  }
0x155: {  	v2 =	vadd.f32 v4, v2;
	_ =	sdelay $0x1  }
0x156: {  	v2 =	vadd.f32 v5, v2;
	_ =	sdelay $0x1  }
0x157: {  	v2 =	vadd.f32 $1.000000000e+00, v2;
	_ =	sdelay $0x1  }
0x158: {  	v3 =	vshra.s32 v2, $0x1;
	v2 =	vmul.f32 $5.000000000e-01, v2  }
0x159: {  	v3 =	vsub.s32 $0x5F3759DF, v3  }
0x15a: {  	v4 =	vmul.f32 v3, v2;
	_ =	sdelay $0x1  }
0x15b: {  	v4 =	vmul.f32 v3, v4;
	_ =	sdelay $0x1  }
0x15c: {  	v4 =	vsub.f32 $1.500000000e+00, v4;
	_ =	sdelay $0x1  }
0x15d: {  	v3 =	vmul.f32 v3, v4;
	_ =	sdelay $0x1  }
0x15e: {  	v4 =	vmul.f32 v3, v2;
	_ =	sdelay $0x1  }
0x15f: {  	v4 =	vmul.f32 v4, v3;
	_ =	sdelay $0x1  }
0x160: {  	v4 =	vsub.f32 $1.500000000e+00, v4;
	_ =	sdelay $0x1  }
0x161: {  	v3 =	vmul.f32 v4, v3;
	_ =	sdelay $0x1  }
0x162: {  	v2 =	vmul.f32 v3, v2;
	_ =	sdelay $0x1  }
0x163: {  	v2 =	vmul.f32 v2, v3;
	_ =	sdelay $0x1  }
0x164: {  	v2 =	vsub.f32 $1.500000000e+00, v2;
	_ =	sdelay $0x1  }
0x165: {  	v2 =	vmul.f32 v2, v3  }
.Ltmp5:
0x166: {  	s12 =	sadd.s32 $0x10, s12;
	(pc) =	sbr.rel @p4 .LBB2_8-.Ltmp5, $4  }
0x167: {  	[tilespmem:s12+$0x0] =	vst v2;
	v2 =	vmul.f32 v2, v2  }
0x168: {  	s10 =	sadd.s32 $0x10, s10  }
0x169: {  	s15 =	sand.u32 $0x3F0, s22;
	[tilespmem:s10+$0x0] =	vst v2  }
0x16a: {  	s8 =	sadd.s32 $0x10, s8;
	s22 =	sadd.s32 $0x10, s22;
	v2 =	vld [tilespmem:s15+$0x19700]  }
0x16b: {  	v3 =	vld [tilespmem:s8+$0x0];
	_ =	sdelay $0x1  }
0x16c: {  	v4 =	vld [tilespmem:s15+$0x19980];
	_ =	sdelay $0x1  }
0x16d: {  	v5 =	vld [tilespmem:s15+$0x19C00]  }
0x16e: {  	v2 =	vadd.f32 v2, v3  }
0x16f: {  	v3 =	vld [tilespmem:s15+$0x19E80]  }
0x170: {  	v2 =	vadd.f32 v4, v2  }
0x171: {  	v4 =	vld [tilespmem:s15+$0x1A100]  }
0x172: {  	v2 =	vadd.f32 v5, v2  }
0x173: {  	v5 =	vld [tilespmem:s15+$0x1A380]  }
0x174: {  	v2 =	vadd.f32 v3, v2  }
0x175: {  	v3 =	vld [tilespmem:s15+$0x1A600]  }
0x176: {  	v2 =	vadd.f32 v4, v2  }
0x177: {  	v4 =	vld [tilespmem:s15+$0x1A880]  }
0x178: {  	v2 =	vadd.f32 v5, v2  }
0x179: {  	v5 =	vld [tilespmem:s15+$0x1AB00]  }
0x17a: {  	v2 =	vadd.f32 v3, v2  }
0x17b: {  	v3 =	vld [tilespmem:s15+$0x1AD80]  }
0x17c: {  	v2 =	vadd.f32 v4, v2  }
0x17d: {  	v4 =	vld [tilespmem:s15+$0x1B000]  }
0x17e: {  	v2 =	vadd.f32 v5, v2  }
0x17f: {  	v5 =	vld [tilespmem:s15+$0x1B280]  }
0x180: {  	v2 =	vadd.f32 v3, v2  }
0x181: {  	v3 =	vld [tilespmem:s15+$0x1B500]  }
0x182: {  	v2 =	vadd.f32 v4, v2  }
0x183: {  	v4 =	vld [tilespmem:s15+$0x1B780]  }
0x184: {  	v2 =	vadd.f32 v5, v2  }
0x185: {  	v5 =	vld [tilespmem:s15+$0x1BA00]  }
0x186: {  	v2 =	vadd.f32 v3, v2;
	_ =	sdelay $0x1  }
0x187: {  	v2 =	vadd.f32 v4, v2;
	_ =	sdelay $0x1  }
0x188: {  	v2 =	vadd.f32 v5, v2;
	_ =	sdelay $0x1  }
0x189: {  	v2 =	vadd.f32 $1.000000000e+00, v2;
	_ =	sdelay $0x1  }
0x18a: {  	v3 =	vshra.s32 v2, $0x1;
	v2 =	vmul.f32 $5.000000000e-01, v2  }
0x18b: {  	v3 =	vsub.s32 $0x5F3759DF, v3  }
0x18c: {  	v4 =	vmul.f32 v3, v2;
	_ =	sdelay $0x1  }
0x18d: {  	v4 =	vmul.f32 v3, v4;
	_ =	sdelay $0x1  }
0x18e: {  	v4 =	vsub.f32 $1.500000000e+00, v4;
	_ =	sdelay $0x1  }
0x18f: {  	v3 =	vmul.f32 v3, v4;
	_ =	sdelay $0x1  }
0x190: {  	v4 =	vmul.f32 v3, v2;
	_ =	sdelay $0x1  }
0x191: {  	v4 =	vmul.f32 v4, v3;
	_ =	sdelay $0x1  }
0x192: {  	v4 =	vsub.f32 $1.500000000e+00, v4;
	_ =	sdelay $0x1  }
0x193: {  	v3 =	vmul.f32 v4, v3;
	_ =	sdelay $0x1  }
0x194: {  	v2 =	vmul.f32 v3, v2;
	_ =	sdelay $0x1  }
0x195: {  	v2 =	vmul.f32 v2, v3;
	_ =	sdelay $0x1  }
0x196: {  	v2 =	vsub.f32 $1.500000000e+00, v2;
	_ =	sdelay $0x1  }
0x197: {  	v2 =	vmul.f32 v2, v3;
	_ =	sdelay $0x1  }
0x198: {  	s15 =	sadd.s32 $0x10, s12;
	v3 =	vmul.f32 v2, v2  }
0x199: {  	s16 =	sadd.s32 $0x10, s10;
	[tilespmem:s15+$0x0] =	vst v2  }
0x19a: {  	s17 =	rddreg [dreg:$0x15];
	s22 =	simm.s32 $0x1BC80;
	[tilespmem:s16+$0x0] =	vst v3  }
0x19b: {  	[spmem:s17] =	stream.linear.scatter [tilespmem:s22], [sflag:$0x2], $0x280, $0x38;
	[tilespmem:$0x1C680] =	vst v63  }
0x19c: {  	_ =	swait.ge [sflag:s7], $0x280  }
0x19d: {  	[sflag:s7] =	ssyncset.done $0x0  }
0x19e: {  	[sflag:s7] =	ssyncadd.s32 $0xFFFFFD80  }
0x19f: {  	[bflag:$0x0] =	sbarrier.arrive $0xFFFF  }
0x1a0: {  	s23 =	rddreg [dreg:$0x5]  }
0x1a1: {  	[tilespmem:s2], [sflag:$0x2] =	stream.linear.gather [spmem:s23], $0x2800, $0x38;
	[tilespmem:$0x1C680] =	vst v63  }
0x1a2: {  	_ =	swait.ge [sflag:s7], $0x2800  }
0x1a3: {  	[sflag:s7] =	ssyncset.done $0x0  }
0x1a4: {  	s24 =	simm.s32 $0x57A0;
	[sflag:s7] =	ssyncadd.s32 $0xFFFFD800  }
0x1a5: {  	v2 =	vld [tilespmem:s24+$0x10];
	_ =	sdelay $0x1  }
0x1a6: {  	v4 =	vld [tilespmem:s24+$0xFFFFFFE0];
	_ =	sdelay $0x1  }
0x1a7: {  	v5 =	vld [tilespmem:s24+$0xFFFFFFF0]  }
0x1a8: {  	s25 =	simm.s32 $0x57E0;
	v6 =	vld [tilespmem:s24+$0x0];
	v3 =	vand.u32 $0x3FFF, v2  }
0x1a9: {  	v8 =	vld [tilespmem:s25+$0x10];
	v2 =	vshrl.u32 v2, $0xE  }
0x1aa: {  	v10 =	vld [tilespmem:s25+$0xFFFFFFF0];
	v7 =	vand.u32 $0x3FFF, v4  }
0x1ab: {  	v11 =	vld [tilespmem:s25+$0x0];
	v4 =	vshrl.u32 v4, $0xE  }
0x1ac: {  	v13 =	vld [tilespmem:s25+$0xFFFFFFE0];
	v9 =	vand.u32 $0x3FFF, v5  }
0x1ad: {  	v5 =	vshrl.u32 v5, $0xE;
	v3 =	vld.idx.msk [tilespmem:v3+s2+$0x0], $0xffff  }
0x1ae: {  	v12 =	vand.u32 $0x3FFF, v6;
	v2 =	vld.idx.msk [tilespmem:v2+s2+$0x0], $0xffff  }
0x1af: {  	v14 =	vshrl.u32 v6, $0xE;
	v15 =	vld.idx.msk [tilespmem:v7+s2+$0x0], $0xffff  }
0x1b0: {  	v16 =	vand.u32 $0x3FFF, v8;
	v17 =	vld.idx.msk [tilespmem:v4+s2+$0x0], $0xffff  }
0x1b1: {  	v18 =	vshrl.u32 v8, $0xE;
	v6 =	vld.idx.msk [tilespmem:v9+s2+$0x0], $0xffff  }
0x1b2: {  	v8 =	vld.idx.msk [tilespmem:v5+s2+$0x0], $0xffff  }
0x1b3: {  	v7 =	vld.idx.msk [tilespmem:v12+s2+$0x0], $0xffff  }
0x1b4: {  	v9 =	vld.idx.msk [tilespmem:v14+s2+$0x0], $0xffff;
	v5 =	vand.u32 $0x3FFF, v10;
	v12 =	vmul.f32 v2, v3  }
0x1b5: {  	s8 =	simm.s32 $0xA620;
	v4 =	vand.u32 $0x3FFF, v11;
	v2 =	vshrl.u32 v10, $0xE;
	v3 =	vshrl.u32 v11, $0xE;
	v10 =	vld.idx.msk [tilespmem:v16+s2+$0x0], $0xffff  }
0x1b6: {  	s10 =	simm.s32 $0x4;
	s12 =	simm.s32 $0x5820;
	v11 =	vshrl.u32 v13, $0xE;
	v13 =	vand.u32 $0x3FFF, v13;
	v14 =	vmul.f32 v17, v15;
	[tilespmem:s8+$0x10] =	vst v12;
	v12 =	vld.idx.msk [tilespmem:v18+s2+$0x0], $0xffff  }
.LBB2_10:
0x1b7: {  	v15 =	vld [tilespmem:s12+$0x10]  }
0x1b8: {  	s10 =	sadd.s32 $0x4, s10;
	v6 =	vmul.f32 v8, v6;
	v16 =	vld [tilespmem:s12+$0xFFFFFFF0];
	[tilespmem:s8+$0xFFFFFFE0] =	vst v14  }
0x1b9: {  	p4 =	slt.u32 s10, $0x4DC;
	v8 =	vld [tilespmem:s12+$0x0]  }
0x1ba: {  	v14 =	vld [tilespmem:s12+$0xFFFFFFE0];
	[tilespmem:s8+$0xFFFFFFF0] =	vst v6;
	v6 =	vmul.f32 v9, v7  }
0x1bb: {  	v17 =	vld.idx.msk [tilespmem:v13+s2+$0x0], $0xffff  }
0x1bc: {  	v7 =	vmul.f32 v12, v10;
	v18 =	vand.u32 $0x3FFF, v15;
	v19 =	vld.idx.msk [tilespmem:v11+s2+$0x0], $0xffff;
	[tilespmem:s8+$0x0] =	vst v6  }
0x1bd: {  	v12 =	vshrl.u32 v15, $0xE;
	s8 =	sadd.s32 $0x40, s8;
	v9 =	vshrl.u32 v16, $0xE;
	v6 =	vld.idx.msk [tilespmem:v5+s2+$0x0], $0xffff;
	v5 =	vand.u32 $0x3FFF, v16  }
.Ltmp6:
0x1be: {  	v10 =	vshrl.u32 v8, $0xE;
	v15 =	vand.u32 $0x3FFF, v8;
	v8 =	vld.idx.msk [tilespmem:v2+s2+$0x0], $0xffff;
	[tilespmem:s8+$0x10] =	vst v7;
	v2 =	vmov v9;
	(pc) =	sbr.rel @p4 .LBB2_10-.Ltmp6, $4  }
0x1bf: {  	v11 =	vshrl.u32 v14, $0xE;
	v13 =	vand.u32 $0x3FFF, v14;
	v7 =	vld.idx.msk [tilespmem:v4+s2+$0x0], $0xffff;
	v4 =	vmov v15  }
0x1c0: {  	v9 =	vld.idx.msk [tilespmem:v3+s2+$0x0], $0xffff;
	v3 =	vmov v10  }
0x1c1: {  	v10 =	vld.idx.msk [tilespmem:v18+s2+$0x0], $0xffff  }
0x1c2: {  	s12 =	sadd.s32 $0x40, s12;
	v14 =	vmul.f32 v19, v17;
	v12 =	vld.idx.msk [tilespmem:v12+s2+$0x0], $0xffff  }
0x1c3: {  	_ =	sdelay $0x3  }
0x1c4: {  	v13 =	vld.idx.msk [tilespmem:v13+s2+$0x0], $0xffff  }
0x1c5: {  	v11 =	vld.idx.msk [tilespmem:v11+s2+$0x0], $0xffff  }
0x1c6: {  	v5 =	vld.idx.msk [tilespmem:v5+s2+$0x0], $0xffff  }
0x1c7: {  	v2 =	vld.idx.msk [tilespmem:v2+s2+$0x0], $0xffff  }
0x1c8: {  	v4 =	vld.idx.msk [tilespmem:v4+s2+$0x0], $0xffff  }
0x1c9: {  	v6 =	vmul.f32 v8, v6;
	v3 =	vld.idx.msk [tilespmem:v3+s2+$0x0], $0xffff  }
0x1ca: {  	[tilespmem:s8+$0xFFFFFFE0] =	vst v14;
	v7 =	vmul.f32 v9, v7  }
0x1cb: {  	[tilespmem:s8+$0xFFFFFFF0] =	vst v6;
	v62 =	vmul.f32 v12, v10  }
0x1cc: {  	s10 =	sadd.s32 $0x40, s8;
	[tilespmem:s8+$0x0] =	vst v7;
	v63 =	vmul.f32 v11, v13  }
0x1cd: {  	v2 =	vmul.f32 v2, v5;
	[tilespmem:s10+$0x10] =	vst v62  }
0x1ce: {  	v3 =	vmul.f32 v3, v4;
	[tilespmem:s10+$0xFFFFFFE0] =	vst v63  }
0x1cf: {  	[tilespmem:s10+$0xFFFFFFF0] =	vst v2  }
0x1d0: {  	s8 =	simm.s32 $0x0;
	[tilespmem:s10+$0x0] =	vst v3;
	s10 =	simm.s32 $0x0  }
.LBB2_12:
0x1d1: {  	s12 =	sshra.s32 s10, $0x2  }
0x1d2: {  	v2 =	vld [tilespmem:s12+$0xA580];
	_ =	sdelay $0x4  }
0x1d3: {  	v3 =	vand.u32 $0x3FFF, v2  }
0x1d4: {  	v2 =	vshrl.u32 v2, $0xE;
	_ =	sdelay $0x3  }
0x1d5: {  	v3 =	vld.idx.msk [tilespmem:v3+s2+$0x0], $0xffff  }
0x1d6: {  	v2 =	vld.idx.msk [tilespmem:v2+s2+$0x0], $0xffff;
	_ =	sdelay $0x1  }
0x1d7: {  	p4 =	sne.s32 s10, $0x40  }
.Ltmp7:
0x1d8: {  	_ = 	snop;
	(pc) =	sbr.rel @p4 .LBB2_12-.Ltmp7, $3  }
0x1d9: {  	_ = 	snop  }
0x1da: {  	v2 =	vmul.f32 v2, v3;
	_ =	sdelay $0x1  }
0x1db: {  	s10 =	sadd.s32 $0x40, s10;
	[tilespmem:s12+$0xF400] =	vst v2  }
.LBB2_13:
0x1dc: {  	p4 =	sne.s32 s8, $0x13FC0  }
.Ltmp8:
0x1dd: {  	_ = 	snop;
	(pc) =	sbr.rel @p4 .LBB2_13-.Ltmp8, $3  }
0x1de: {  	_ =	sdelay $0x1  }
0x1df: {  	s10 =	sshra.s32 s8, $0x2  }
0x1e0: {  	s8 =	sadd.s32 $0x40, s8;
	[tilespmem:s10+$0x14480] =	vst v0  }
.Ltmp9:
0x1e1: {  	(pc) =	sbr.rel .LBB2_15-.Ltmp9, $2  }
0x1e2: {  	_ =	sdelay $0x2  }
0x1e3: {  	s22 =	simm.s32 $0x0  }
.LBB2_31:
0x1e4: {  	s22 =	sadd.s32 $0x1, s22  }
0x1e5: {  	p4 =	sne.s32 s22, $0xA  }
.Ltmp10:
0x1e6: {  	_ = 	snop;
	(pc) =	sbr.rel @!p4 .LBB2_32-.Ltmp10, $2  }
0x1e7: {  	_ =	sdelay $0x1  }
0x1e8: {  	[bflag:$0x0] =	sbarrier.arrive $0xFFFF;
	_ =	sdelay $0x1  }
.LBB2_15:
0x1e9: {  	s8 =	rddreg [dreg:$0x3]  }
0x1ea: {  	[tilespmem:s21], [sflag:$0x2] =	stream.linear.gather [spmem:s8], $0x2800, $0x38;
	[tilespmem:$0x1C680] =	vst v63  }
0x1eb: {  	_ =	swait.ge [sflag:s7], $0x2800  }
0x1ec: {  	[sflag:s7] =	ssyncset.done $0x0  }
0x1ed: {  	s8 =	simm.s32 @!p0 $0x11C80;
	s10 =	rddreg [dreg:$0x16];
	[sflag:s7] =	ssyncadd.s32 $0xFFFFD800  }
0x1ee: {  	[tilespmem:s8], [sflag:$0x2] =	stream.linear.gather @!p0 [spmem:s10], $0x2800, $0x38;
	[tilespmem:$0x1C680] =	vst v63  }
0x1ef: {  	s8 =	simm.s32 @!p0 $0x2  }
0x1f0: {  	_ =	swait.ge @!p0 [sflag:s8], $0x2800  }
0x1f1: {  	[sflag:s8] =	ssyncset.done @!p0 $0x0  }
0x1f2: {  	[sflag:s8] =	ssyncadd.s32 @!p0 $0xFFFFD800;
	s8 =	simm.s32 $0x57B0  }
0x1f3: {  	v2 =	vld @p0 [tilespmem:s8+$0x0];
	_ =	sdelay $0x1  }
0x1f4: {  	v3 =	vld @p0 [tilespmem:s8+$0xFFFFFFE0];
	_ =	sdelay $0x2  }
0x1f5: {  	v5 =	vld [tilespmem:s8+$0xFFFFFFD0];
	v4 =	vand.u32 @p0 $0x3FFF, v2;
	_ =	sdelay $0x1  }
0x1f6: {  	v6 =	vand.u32 @p0 $0x3FFF, v3  }
0x1f7: {  	s12 =	simm.s32 $0xA630  }
0x1f8: {  	s24 =	simm.s32 @p0 $0xF480;
	v7 =	vld @p0 [tilespmem:s12+$0x0]  }
0x1f9: {  	v8 =	vand.u32 $0x3FFF, v5;
	v4 =	vld.idx.msk @p0 [tilespmem:v4+s24+$0x0], $0xffff  }
0x1fa: {  	v9 =	vld @p0 [tilespmem:s12+$0xFFFFFFE0]  }
0x1fb: {  	v2 =	vshrl.u32 @p0 v2, $0xE;
	v6 =	vld.idx.msk @p0 [tilespmem:v6+s24+$0x0], $0xffff;
	_ =	sdelay $0x1  }
0x1fc: {  	v10 =	vld [tilespmem:s8+$0xFFFFFFF0];
	v3 =	vshrl.u32 @p0 v3, $0xE  }
0x1fd: {  	v4 =	vmul.f32 @p0 v4, v7;
	v7 =	vld.idx.msk [tilespmem:v8+s21+$0x0], $0xffff  }
0x1fe: {  	s10 =	simm.s32 @p0 $0x14480;
	v8 =	vld [tilespmem:s12+$0xFFFFFFD0]  }
0x1ff: {  	[tilespmem:v2+s10+$0x0] =	vst.idx.add.f32.msk @p0 $0xffff, v4;
	v2 =	vmul.f32 @p0 v6, v9  }
0x200: {  	v4 =	vld @!p0 [tilespmem:s8+$0x0]  }
0x201: {  	[tilespmem:v3+s10+$0x0] =	vst.idx.add.f32.msk @p0 $0xffff, v2  }
0x202: {  	v2 =	vld @!p0 [tilespmem:s8+$0xFFFFFFE0]  }
0x203: {  	v6 =	vand.u32 $0x3FFF, v10  }
0x204: {  	v3 =	vshrl.u32 v5, $0xE  }
0x205: {  	v21 =	vld [tilespmem:s12+$0xFFFFFFF0];
	v9 =	vand.u32 @!p0 $0x3FFF, v4  }
0x206: {  	v13 =	vld @!p0 [tilespmem:s12+$0x0]  }
0x207: {  	v7 =	vmul.f32 v7, v8;
	v11 =	vld @!p0 [tilespmem:s12+$0xFFFFFFE0];
	v12 =	vand.u32 @!p0 $0x3FFF, v2  }
0x208: {  	v6 =	vld.idx.msk [tilespmem:v6+s21+$0x0], $0xffff  }
0x209: {  	s23 =	simm.s32 @!p0 $0xF480;
	[tilespmem:v3+s2+$0x0] =	vst.idx.add.f32.msk $0xffff, v7  }
0x20a: {  	s8 =	simm.s32 $0x57F0;
	v7 =	vld.idx.msk @!p0 [tilespmem:v9+s23+$0x0], $0xffff  }
0x20b: {  	v14 =	vshrl.u32 v10, $0xE;
	v15 =	vld @p0 [tilespmem:s8+$0x0]  }
0x20c: {  	v4 =	vshrl.u32 @!p0 v4, $0xE;
	v16 =	vld.idx.msk @!p0 [tilespmem:v12+s23+$0x0], $0xffff  }
0x20d: {  	v17 =	vld @p0 [tilespmem:s8+$0xFFFFFFE0];
	v9 =	vadd.s32 @!p0 $0x2800, v9  }
0x20e: {  	v5 =	vand.u32 @!p0 $0x3FFF, v5;
	s12 =	simm.s32 $0xA670;
	v19 =	vld [tilespmem:s8+$0xFFFFFFD0];
	v18 =	vshrl.u32 @!p0 v2, $0xE;
	v2 =	vmul.f32 v6, v21  }
0x20f: {  	v5 =	vadd.s32 @!p0 $0x2800, v5;
	v20 =	vld @p0 [tilespmem:s12+$0x0];
	v7 =	vmul.f32 @!p0 v7, v13  }
0x210: {  	s25 =	simm.s32 @!p0 $0x14480;
	[tilespmem:v14+s2+$0x0] =	vst.idx.add.f32.msk $0xffff, v2  }
0x211: {  	v2 =	vand.u32 @p0 $0x3FFF, v15;
	v16 =	vmul.f32 @!p0 v16, v11;
	[tilespmem:v4+s25+$0x0] =	vst.idx.add.f32.msk @!p0 $0xffff, v7  }
0x212: {  	v7 =	vand.u32 @p0 $0x3FFF, v17;
	v9 =	vld.idx.msk @!p0 [tilespmem:v9+s23+$0x0], $0xffff  }
0x213: {  	[tilespmem:v18+s25+$0x0] =	vst.idx.add.f32.msk @!p0 $0xffff, v16;
	v16 =	vadd.s32 @!p0 $0x2800, v4  }
0x214: {  	v22 =	vld.idx.msk @!p0 [tilespmem:v5+s23+$0x0], $0xffff;
	v12 =	vadd.s32 @!p0 $0x2800, v12;
	v4 =	vand.u32 @!p0 $0x7F, v4;
	v16 =	vand.u32 @!p0 $0x7FF80, v16  }
0x215: {  	v6 =	vld [tilespmem:s8+$0xFFFFFFF0];
	v4 =	vor.u32 @!p0 v4, v16  }
0x216: {  	v2 =	vld.idx.msk @p0 [tilespmem:v2+s24+$0x0], $0xffff;
	v16 =	vand.u32 $0x3FFF, v19  }
0x217: {  	v7 =	vld.idx.msk @p0 [tilespmem:v7+s24+$0x0], $0xffff  }
0x218: {  	v15 =	vshrl.u32 @p0 v15, $0xE;
	v9 =	vmul.f32 @!p0 v9, v13;
	v13 =	vld @p0 [tilespmem:s12+$0xFFFFFFE0]  }
0x219: {  	v12 =	vld.idx.msk @!p0 [tilespmem:v12+s23+$0x0], $0xffff  }
0x21a: {  	v5 =	vshrl.u32 @p0 v17, $0xE;
	[tilespmem:v4+s25+$0x0] =	vst.idx.add.f32.msk @!p0 $0xffff, v9  }
0x21b: {  	v4 =	vld.idx.msk [tilespmem:v16+s21+$0x0], $0xffff;
	v9 =	vmul.f32 @p0 v2, v20  }
0x21c: {  	v16 =	vand.u32 $0x3FFF, v6;
	v2 =	vld [tilespmem:s12+$0xFFFFFFD0]  }
0x21d: {  	v10 =	vand.u32 @!p0 $0x3FFF, v10;
	v17 =	vadd.s32 @!p0 $0x2800, v3;
	v7 =	vmul.f32 @p0 v7, v13;
	[tilespmem:v15+s10+$0x0] =	vst.idx.add.f32.msk @p0 $0xffff, v9  }
0x21e: {  	v3 =	vand.u32 @!p0 $0x7F, v3;
	v20 =	vshrl.u32 v19, $0xE;
	v9 =	vand.u32 @!p0 $0x7FF80, v17;
	v13 =	vld @!p0 [tilespmem:s8+$0x0]  }
0x21f: {  	v15 =	vadd.s32 @!p0 $0x2800, v14;
	v17 =	vadd.s32 @!p0 $0x2800, v10;
	v10 =	vadd.s32 @!p0 $0x2800, v18;
	[tilespmem:v5+s10+$0x0] =	vst.idx.add.f32.msk @p0 $0xffff, v7  }
0x220: {  	v11 =	vmul.f32 @!p0 v12, v11;
	v10 =	vand.u32 @!p0 $0x7FF80, v10;
	v5 =	vand.u32 @!p0 $0x7FF80, v15;
	v15 =	vld @!p0 [tilespmem:s8+$0xFFFFFFE0]  }
0x221: {  	v9 =	vor.u32 @!p0 v3, v9;
	v3 =	vand.u32 @!p0 $0x7F, v14;
	v7 =	vand.u32 @!p0 $0x7F, v18;
	v18 =	vld.idx.msk [tilespmem:v16+s21+$0x0], $0xffff  }
0x222: {  	v14 =	vor.u32 @!p0 v7, v10;
	v3 =	vor.u32 @!p0 v3, v5;
	v23 =	vmul.f32 v4, v2;
	v10 =	vld @!p0 [tilespmem:s12+$0xFFFFFFE0]  }
0x223: {  	v5 =	vshrl.u32 v6, $0xE;
	v7 =	vand.u32 @!p0 $0x3FFF, v19;
	v19 =	vadd.s32 @!p0 $0x2800, v20;
	v4 =	vld [tilespmem:s12+$0xFFFFFFF0]  }
0x224: {  	v12 =	vand.u32 @!p0 $0x7FF80, v19;
	v19 =	vmul.f32 @!p0 v22, v8;
	[tilespmem:v20+s2+$0x0] =	vst.idx.add.f32.msk $0xffff, v23;
	v16 =	vand.u32 @!p0 $0x3FFF, v13  }
0x225: {  	v6 =	vand.u32 @!p0 $0x3FFF, v6;
	v7 =	vadd.s32 @!p0 $0x2800, v7;
	v22 =	vld.idx.msk @!p0 [tilespmem:v17+s23+$0x0], $0xffff;
	v23 =	vand.u32 @!p0 $0x3FFF, v15  }
0x226: {  	v8 =	vadd.s32 @!p0 $0x2800, v6;
	v6 =	vand.u32 @!p0 $0x7F, v20;
	v17 =	vadd.s32 @!p0 $0x2800, v5;
	[tilespmem:v9+s25+$0x0] =	vst.idx.add.f32.msk @!p0 $0xffff, v19  }
0x227: {  	[tilespmem:v14+s25+$0x0] =	vst.idx.add.f32.msk @!p0 $0xffff, v11;
	v11 =	vand.u32 @!p0 $0x7FF80, v17;
	v14 =	vand.u32 @!p0 $0x7F, v5;
	v15 =	vshrl.u32 @!p0 v15, $0xE  }
0x228: {  	v9 =	vor.u32 @!p0 v6, v12;
	v6 =	vor.u32 @!p0 v14, v11;
	v11 =	vadd.s32 @!p0 $0x2800, v15;
	v14 =	vld @!p0 [tilespmem:s12+$0x0]  }
0x229: {  	v18 =	vmul.f32 v18, v4;
	v12 =	vand.u32 @!p0 $0x7F, v15;
	v11 =	vand.u32 @!p0 $0x7FF80, v11;
	v19 =	vld.idx.msk @!p0 [tilespmem:v16+s23+$0x0], $0xffff  }
0x22a: {  	s15 =	simm.s32 $0x4;
	s16 =	simm.s32 $0x5830;
	s8 =	simm.s32 @!p0 $0x14480;
	v17 =	vadd.s32 @!p0 $0x2800, v23;
	v12 =	vor.u32 @!p0 v12, v11;
	v11 =	vmul.f32 @!p0 v22, v21;
	v20 =	vld.idx.msk @!p0 [tilespmem:v23+s23+$0x0], $0xffff  }
.LBB2_16:
0x22b: {  	v21 =	vld @p0 [tilespmem:s16+$0x0];
	s15 =	sadd.s32 $0x4, s15;
	v13 =	vshrl.u32 @!p0 v13, $0xE  }
0x22c: {  	v16 =	vadd.s32 @!p0 $0x2800, v16;
	v22 =	vld @p0 [tilespmem:s16+$0xFFFFFFE0];
	p4 =	slt.u32 s15, $0x4DC  }
0x22d: {  	v23 =	vld [tilespmem:s16+$0xFFFFFFF0]  }
0x22e: {  	v24 =	vld [tilespmem:s16+$0xFFFFFFD0];
	v19 =	vmul.f32 @!p0 v19, v14  }
0x22f: {  	[tilespmem:v5+s2+$0x0] =	vst.idx.add.f32.msk $0xffff, v18  }
0x230: {  	v20 =	vmul.f32 @!p0 v20, v10;
	v18 =	vand.u32 @p0 $0x3FFF, v21;
	[tilespmem:v13+s25+$0x0] =	vst.idx.add.f32.msk @!p0 $0xffff, v19  }
0x231: {  	v19 =	vshrl.u32 @p0 v22, $0xE;
	v22 =	vand.u32 @p0 $0x3FFF, v22;
	v16 =	vld.idx.msk @!p0 [tilespmem:v16+s23+$0x0], $0xffff  }
0x232: {  	v5 =	vshrl.u32 v23, $0xE;
	v25 =	vand.u32 $0x3FFF, v23;
	[tilespmem:v15+s25+$0x0] =	vst.idx.add.f32.msk @!p0 $0xffff, v20;
	v15 =	vadd.s32 @!p0 $0x2800, v13  }
0x233: {  	v13 =	vand.u32 @!p0 $0x7F, v13;
	v20 =	vand.u32 $0x3FFF, v24;
	v17 =	vld.idx.msk @!p0 [tilespmem:v17+s23+$0x0], $0xffff;
	v15 =	vand.u32 @!p0 $0x7FF80, v15  }
0x234: {  	v26 =	vshrl.u32 v24, $0xE;
	v24 =	vand.u32 @!p0 $0x3FFF, v24;
	v27 =	vld.idx.msk @!p0 [tilespmem:v7+s23+$0x0], $0xffff;
	v13 =	vor.u32 @!p0 v13, v15  }
0x235: {  	s12 =	sadd.s32 $0x40, s12;
	v23 =	vand.u32 @!p0 $0x3FFF, v23;
	v15 =	vadd.s32 @!p0 $0x2800, v26;
	v7 =	vadd.s32 @!p0 $0x2800, v24;
	v18 =	vld.idx.msk @p0 [tilespmem:v18+s24+$0x0], $0xffff  }
0x236: {  	v28 =	vadd.s32 @!p0 $0x2800, v5;
	v23 =	vadd.s32 @!p0 $0x2800, v23;
	v15 =	vand.u32 @!p0 $0x7FF80, v15;
	v24 =	vld @p0 [tilespmem:s12+$0x0]  }
0x237: {  	v29 =	vand.u32 @!p0 $0x7F, v26;
	v28 =	vand.u32 @!p0 $0x7FF80, v28;
	v14 =	vmul.f32 @!p0 v16, v14;
	v22 =	vld.idx.msk @p0 [tilespmem:v22+s24+$0x0], $0xffff  }
0x238: {  	v29 =	vor.u32 @!p0 v29, v15;
	v15 =	vshrl.u32 @p0 v21, $0xE;
	v21 =	vand.u32 @!p0 $0x7F, v5;
	v16 =	vld @p0 [tilespmem:s12+$0xFFFFFFE0]  }
0x239: {  	v21 =	vor.u32 @!p0 v21, v28;
	v17 =	vmul.f32 @!p0 v17, v10;
	[tilespmem:v13+s25+$0x0] =	vst.idx.add.f32.msk @!p0 $0xffff, v14  }
0x23a: {  	v14 =	vmul.f32 @!p0 v27, v2;
	v10 =	vld.idx.msk [tilespmem:v20+s21+$0x0], $0xffff  }
0x23b: {  	v20 =	vld.idx.msk [tilespmem:v25+s21+$0x0], $0xffff;
	v13 =	vmul.f32 @p0 v18, v24  }
0x23c: {  	v2 =	vld [tilespmem:s12+$0xFFFFFFD0]  }
0x23d: {  	v16 =	vmul.f32 @p0 v22, v16;
	[tilespmem:v15+s10+$0x0] =	vst.idx.add.f32.msk @p0 $0xffff, v13  }
0x23e: {  	v13 =	vld @!p0 [tilespmem:s16+$0x0]  }
0x23f: {  	[tilespmem:v19+s10+$0x0] =	vst.idx.add.f32.msk @p0 $0xffff, v16  }
0x240: {  	v18 =	vld @!p0 [tilespmem:s16+$0xFFFFFFE0]  }
0x241: {  	v15 =	vmul.f32 v10, v2;
	v10 =	vld @!p0 [tilespmem:s12+$0xFFFFFFE0]  }
0x242: {  	v22 =	vld [tilespmem:s12+$0xFFFFFFF0]  }
0x243: {  	[tilespmem:v26+s2+$0x0] =	vst.idx.add.f32.msk $0xffff, v15;
	v16 =	vand.u32 @!p0 $0x3FFF, v13  }
0x244: {  	v24 =	vld.idx.msk @!p0 [tilespmem:v8+s23+$0x0], $0xffff;
	v8 =	vmov v23  }
0x245: {  	v15 =	vshrl.u32 @!p0 v18, $0xE;
	v23 =	vand.u32 @!p0 $0x3FFF, v18;
	[tilespmem:v12+s25+$0x0] =	vst.idx.add.f32.msk @!p0 $0xffff, v17  }
.Ltmp11:
0x246: {  	v12 =	vand.u32 @!p0 $0x7F, v15;
	v18 =	vadd.s32 @!p0 $0x2800, v15;
	v17 =	vadd.s32 @!p0 $0x2800, v23;
	[tilespmem:v9+s25+$0x0] =	vst.idx.add.f32.msk @!p0 $0xffff, v14;
	v9 =	vmovc v29;
	(pc) =	sbr.rel @p4 .LBB2_16-.Ltmp11, $4  }
0x247: {  	v14 =	vand.u32 @!p0 $0x7FF80, v18;
	v18 =	vmul.f32 v20, v22;
	[tilespmem:v3+s8+$0x0] =	vst.idx.add.f32.msk @!p0 $0xffff, v11;
	v3 =	vmovc v6;
	v6 =	vmov v21;
	s8 =	smov.u32 s25  }
0x248: {  	v12 =	vor.u32 @!p0 v12, v14;
	v19 =	vld.idx.msk @!p0 [tilespmem:v16+s23+$0x0], $0xffff  }
0x249: {  	v14 =	vld @!p0 [tilespmem:s12+$0x0]  }
0x24a: {  	s16 =	sadd.s32 $0x40, s16;
	v11 =	vmul.f32 @!p0 v24, v4;
	v4 =	vmov v22;
	v20 =	vld.idx.msk @!p0 [tilespmem:v23+s23+$0x0], $0xffff  }
0x24b: {  	_ =	sdelay $0x1  }
0x24c: {  	v13 =	vshrl.u32 @!p0 v13, $0xE  }
0x24d: {  	v16 =	vadd.s32 @!p0 $0x2800, v16  }
0x24e: {  	v7 =	vld.idx.msk @!p0 [tilespmem:v7+s23+$0x0], $0xffff  }
0x24f: {  	[tilespmem:v5+s2+$0x0] =	vst.idx.add.f32.msk $0xffff, v18;
	v19 =	vmul.f32 @!p0 v19, v14  }
0x250: {  	s10 =	simm.s32 @!p0 $0x14480;
	v5 =	vld.idx.msk @!p0 [tilespmem:v8+s23+$0x0], $0xffff  }
0x251: {  	v20 =	vmul.f32 @!p0 v20, v10;
	[tilespmem:v13+s10+$0x0] =	vst.idx.add.f32.msk @!p0 $0xffff, v19  }
0x252: {  	v16 =	vld.idx.msk @!p0 [tilespmem:v16+s23+$0x0], $0xffff  }
0x253: {  	[tilespmem:v15+s10+$0x0] =	vst.idx.add.f32.msk @!p0 $0xffff, v20;
	v15 =	vadd.s32 @!p0 $0x2800, v13  }
0x254: {  	v13 =	vand.u32 @!p0 $0x7F, v13;
	v17 =	vld.idx.msk @!p0 [tilespmem:v17+s23+$0x0], $0xffff;
	v15 =	vand.u32 @!p0 $0x7FF80, v15  }
0x255: {  	v2 =	vmul.f32 @!p0 v7, v2;
	v13 =	vor.u32 @!p0 v13, v15;
	_ =	sdelay $0x1  }
0x256: {  	[tilespmem:v9+s10+$0x0] =	vst.idx.add.f32.msk @!p0 $0xffff, v2;
	v2 =	vmul.f32 @!p0 v5, v4  }
0x257: {  	[tilespmem:v3+s8+$0x0] =	vst.idx.add.f32.msk @!p0 $0xffff, v11;
	v8 =	vmul.f32 @!p0 v16, v14  }
0x258: {  	[tilespmem:v6+s10+$0x0] =	vst.idx.add.f32.msk @!p0 $0xffff, v2;
	v10 =	vmul.f32 @!p0 v17, v10  }
0x259: {  	[tilespmem:v13+s10+$0x0] =	vst.idx.add.f32.msk @!p0 $0xffff, v8  }
0x25a: {  	p4 =	por $0x0, $0x0;
	s8 =	simm.s32 $0x4E00;
	[tilespmem:v12+s10+$0x0] =	vst.idx.add.f32.msk @!p0 $0xffff, v10  }
.LBB2_18:
0x25b: {  	v2 =	vld [tilespmem:s8+$0x5780];
	_ =	sdelay $0x4  }
0x25c: {  	v3 =	vand.u32 $0x3FFF, v2;
	_ =	sdelay $0x3  }
0x25d: {  	v4 =	vld [tilespmem:s8+$0xA600]  }
0x25e: {  	v3 =	vld.idx.msk [tilespmem:v3+s21+$0x0], $0xffff;
	_ =	sdelay $0x1  }
0x25f: {  	v5 =	vshrl.u32 v2, $0xE;
	v2 =	vand.u32 @!p0 $0x3FFF, v2  }
0x260: {  	v2 =	vadd.s32 @!p0 $0x2800, v2;
	_ =	sdelay $0x1  }
0x261: {  	v3 =	vmul.f32 v3, v4;
	_ =	sdelay $0x1  }
0x262: {  	[tilespmem:v5+s2+$0x0] =	vst.idx.add.f32.msk $0xffff, v3  }
0x263: {  	v3 =	vadd.s32 @!p0 $0x2800, v5;
	v2 =	vld.idx.msk @!p0 [tilespmem:v2+s23+$0x0], $0xffff  }
0x264: {  	v5 =	vand.u32 @!p0 $0x7F, v5;
	v3 =	vand.u32 @!p0 $0x7FF80, v3  }
0x265: {  	p5 =	por p4, p4;
	v3 =	vor.u32 @!p0 v5, v3  }
.Ltmp12:
0x266: {  	_ = 	snop;
	(pc) =	sbr.rel @!p5 .LBB2_18-.Ltmp12, $3  }
0x267: {  	_ = 	snop  }
0x268: {  	v2 =	vmul.f32 @!p0 v2, v4;
	_ =	sdelay $0x1  }
0x269: {  	s8 =	simm.s32 $0x4E10;
	p4 =	por $0x1, $0x1;
	[tilespmem:v3+s10+$0x0] =	vst.idx.add.f32.msk @!p0 $0xffff, v2  }
0x26a: {  	[spmem:s14] =	stream.linear.scatter [tilespmem:s2], [sflag:$0x1], $0x280, $0x38;
	[tilespmem:$0x1C680] =	vst v63  }
0x26b: {  	s8 =	rddreg [dreg:$0xd];
	s10 =	simm.s32 $0x14700  }
0x26c: {  	[spmem:s8] =	stream.linear.scatter [tilespmem:s10], [sflag:$0x1], $0x280, $0x38;
	[tilespmem:$0x1C680] =	vst v63  }
0x26d: {  	s12 =	simm.s32 $0x14980;
	s10 =	rddreg [dreg:$0xe]  }
0x26e: {  	[spmem:s10] =	stream.linear.scatter [tilespmem:s12], [sflag:$0x1], $0x280, $0x38;
	[tilespmem:$0x1C680] =	vst v63  }
0x26f: {  	s15 =	rddreg [dreg:$0xf];
	s16 =	simm.s32 $0x14C00  }
0x270: {  	[spmem:s15] =	stream.linear.scatter [tilespmem:s16], [sflag:$0x1], $0x280, $0x38;
	[tilespmem:$0x1C680] =	vst v63  }
0x271: {  	s17 =	simm.s32 $0x14E80  }
0x272: {  	[spmem:s19] =	stream.linear.scatter [tilespmem:s17], [sflag:$0x1], $0x280, $0x38;
	[tilespmem:$0x1C680] =	vst v63  }
0x273: {  	s23 =	simm.s32 $0x15100  }
0x274: {  	[spmem:s20] =	stream.linear.scatter [tilespmem:s23], [sflag:$0x1], $0x280, $0x38;
	[tilespmem:$0x1C680] =	vst v63  }
0x275: {  	s24 =	simm.s32 $0x15380  }
0x276: {  	[spmem:s26] =	stream.linear.scatter [tilespmem:s24], [sflag:$0x1], $0x280, $0x38;
	[tilespmem:$0x1C680] =	vst v63  }
0x277: {  	s25 =	simm.s32 $0x15600  }
0x278: {  	[spmem:s28] =	stream.linear.scatter [tilespmem:s25], [sflag:$0x1], $0x280, $0x38;
	[tilespmem:$0x1C680] =	vst v63  }
0x279: {  	s10 =	simm.s32 $0x15880  }
0x27a: {  	[spmem:s29] =	stream.linear.scatter [tilespmem:s10], [sflag:$0x1], $0x280, $0x38;
	[tilespmem:$0x1C680] =	vst v63  }
0x27b: {  	s12 =	simm.s32 $0x15B00  }
0x27c: {  	[spmem:s30] =	stream.linear.scatter [tilespmem:s12], [sflag:$0x1], $0x280, $0x38;
	[tilespmem:$0x1C680] =	vst v63  }
0x27d: {  	s15 =	simm.s32 $0x15D80  }
0x27e: {  	[spmem:s31] =	stream.linear.scatter [tilespmem:s15], [sflag:$0x1], $0x280, $0x38;
	[tilespmem:$0x1C680] =	vst v63  }
0x27f: {  	s16 =	simm.s32 $0x16000  }
0x280: {  	[spmem:s0] =	stream.linear.scatter [tilespmem:s16], [sflag:$0x1], $0x280, $0x38;
	[tilespmem:$0x1C680] =	vst v63  }
0x281: {  	s17 =	simm.s32 $0x16280  }
0x282: {  	[spmem:s1] =	stream.linear.scatter [tilespmem:s17], [sflag:$0x1], $0x280, $0x38;
	[tilespmem:$0x1C680] =	vst v63  }
0x283: {  	s23 =	simm.s32 $0x16500  }
0x284: {  	[spmem:s3] =	stream.linear.scatter [tilespmem:s23], [sflag:$0x1], $0x280, $0x38;
	[tilespmem:$0x1C680] =	vst v63  }
0x285: {  	s24 =	simm.s32 $0x16780  }
0x286: {  	[spmem:s5] =	stream.linear.scatter [tilespmem:s24], [sflag:$0x1], $0x280, $0x38;
	[tilespmem:$0x1C680] =	vst v63  }
0x287: {  	s25 =	simm.s32 $0x16A00  }
0x288: {  	[spmem:s6] =	stream.linear.scatter [tilespmem:s25], [sflag:$0x1], $0x280, $0x38;
	[tilespmem:$0x1C680] =	vst v63  }
0x289: {  	_ =	swait.ge [sflag:s11], $0x280  }
0x28a: {  	[sflag:s11] =	ssyncset.done $0x0  }
0x28b: {  	[sflag:s11] =	ssyncadd.s32 $0xFFFFFD80  }
0x28c: {  	_ =	swait.ge [sflag:s11], $0x280  }
0x28d: {  	[sflag:s11] =	ssyncset.done $0x0  }
0x28e: {  	[sflag:s11] =	ssyncadd.s32 $0xFFFFFD80  }
0x28f: {  	_ =	swait.ge [sflag:s11], $0x280  }
0x290: {  	[sflag:s11] =	ssyncset.done $0x0  }
0x291: {  	[sflag:s11] =	ssyncadd.s32 $0xFFFFFD80  }
0x292: {  	_ =	swait.ge [sflag:s11], $0x280  }
0x293: {  	[sflag:s11] =	ssyncset.done $0x0  }
0x294: {  	[sflag:s11] =	ssyncadd.s32 $0xFFFFFD80  }
0x295: {  	_ =	swait.ge [sflag:s11], $0x280  }
0x296: {  	[sflag:s11] =	ssyncset.done $0x0  }
0x297: {  	[sflag:s11] =	ssyncadd.s32 $0xFFFFFD80  }
0x298: {  	_ =	swait.ge [sflag:s11], $0x280  }
0x299: {  	[sflag:s11] =	ssyncset.done $0x0  }
0x29a: {  	[sflag:s11] =	ssyncadd.s32 $0xFFFFFD80  }
0x29b: {  	_ =	swait.ge [sflag:s11], $0x280  }
0x29c: {  	[sflag:s11] =	ssyncset.done $0x0  }
0x29d: {  	[sflag:s11] =	ssyncadd.s32 $0xFFFFFD80  }
0x29e: {  	_ =	swait.ge [sflag:s11], $0x280  }
0x29f: {  	[sflag:s11] =	ssyncset.done $0x0  }
0x2a0: {  	[sflag:s11] =	ssyncadd.s32 $0xFFFFFD80  }
0x2a1: {  	_ =	swait.ge [sflag:s11], $0x280  }
0x2a2: {  	[sflag:s11] =	ssyncset.done $0x0  }
0x2a3: {  	[sflag:s11] =	ssyncadd.s32 $0xFFFFFD80  }
0x2a4: {  	_ =	swait.ge [sflag:s11], $0x280  }
0x2a5: {  	[sflag:s11] =	ssyncset.done $0x0  }
0x2a6: {  	[sflag:s11] =	ssyncadd.s32 $0xFFFFFD80  }
0x2a7: {  	_ =	swait.ge [sflag:s11], $0x280  }
0x2a8: {  	[sflag:s11] =	ssyncset.done $0x0  }
0x2a9: {  	[sflag:s11] =	ssyncadd.s32 $0xFFFFFD80  }
0x2aa: {  	_ =	swait.ge [sflag:s11], $0x280  }
0x2ab: {  	[sflag:s11] =	ssyncset.done $0x0  }
0x2ac: {  	[sflag:s11] =	ssyncadd.s32 $0xFFFFFD80  }
0x2ad: {  	_ =	swait.ge [sflag:s11], $0x280  }
0x2ae: {  	[sflag:s11] =	ssyncset.done $0x0  }
0x2af: {  	[sflag:s11] =	ssyncadd.s32 $0xFFFFFD80  }
0x2b0: {  	_ =	swait.ge [sflag:s11], $0x280  }
0x2b1: {  	[sflag:s11] =	ssyncset.done $0x0  }
0x2b2: {  	[sflag:s11] =	ssyncadd.s32 $0xFFFFFD80  }
0x2b3: {  	_ =	swait.ge [sflag:s11], $0x280  }
.Ltmp13:
0x2b4: {  	[sflag:s11] =	ssyncset.done $0x0;
	(pc) =	sbr.rel @p0 .LBB2_21-.Ltmp13, $4  }
0x2b5: {  	[sflag:s11] =	ssyncadd.s32 $0xFFFFFD80  }
0x2b6: {  	_ =	swait.ge [sflag:s11], $0x280  }
0x2b7: {  	[sflag:s11] =	ssyncset.done $0x0  }
0x2b8: {  	[sflag:s11] =	ssyncadd.s32 $0xFFFFFD80  }
0x2b9: {  	s8 =	rddreg [dreg:$0x17]  }
0x2ba: {  	s10 =	simm.s32 $0x16C80;
	s15 =	rddreg [dreg:$0x18]  }
0x2bb: {  	[spmem:s8] =	stream.linear.scatter [tilespmem:s10], [sflag:$0x1], $0x280, $0x38;
	[tilespmem:$0x1C680] =	vst v63  }
0x2bc: {  	s16 =	simm.s32 $0x16F00;
	s17 =	rddreg [dreg:$0x19]  }
0x2bd: {  	[spmem:s15] =	stream.linear.scatter [tilespmem:s16], [sflag:$0x1], $0x280, $0x38;
	[tilespmem:$0x1C680] =	vst v63  }
0x2be: {  	s23 =	simm.s32 $0x17180;
	s24 =	rddreg [dreg:$0x1a]  }
0x2bf: {  	[spmem:s17] =	stream.linear.scatter [tilespmem:s23], [sflag:$0x1], $0x280, $0x38;
	[tilespmem:$0x1C680] =	vst v63  }
0x2c0: {  	s25 =	simm.s32 $0x17400;
	s10 =	rddreg [dreg:$0x1b]  }
0x2c1: {  	[spmem:s24] =	stream.linear.scatter [tilespmem:s25], [sflag:$0x1], $0x280, $0x38;
	[tilespmem:$0x1C680] =	vst v63  }
0x2c2: {  	s12 =	simm.s32 $0x17680;
	s15 =	rddreg [dreg:$0x1c]  }
0x2c3: {  	[spmem:s10] =	stream.linear.scatter [tilespmem:s12], [sflag:$0x1], $0x280, $0x38;
	[tilespmem:$0x1C680] =	vst v63  }
0x2c4: {  	s16 =	simm.s32 $0x17900;
	s17 =	rddreg [dreg:$0x1d]  }
0x2c5: {  	[spmem:s15] =	stream.linear.scatter [tilespmem:s16], [sflag:$0x1], $0x280, $0x38;
	[tilespmem:$0x1C680] =	vst v63  }
0x2c6: {  	s23 =	simm.s32 $0x17B80;
	s24 =	rddreg [dreg:$0x1e]  }
0x2c7: {  	[spmem:s17] =	stream.linear.scatter [tilespmem:s23], [sflag:$0x1], $0x280, $0x38;
	[tilespmem:$0x1C680] =	vst v63  }
0x2c8: {  	s25 =	simm.s32 $0x17E00;
	s10 =	rddreg [dreg:$0x1f]  }
0x2c9: {  	[spmem:s24] =	stream.linear.scatter [tilespmem:s25], [sflag:$0x1], $0x280, $0x38;
	[tilespmem:$0x1C680] =	vst v63  }
0x2ca: {  	s12 =	simm.s32 $0x18080;
	s15 =	sld [smem:$0x7F5]  }
0x2cb: {  	[spmem:s10] =	stream.linear.scatter [tilespmem:s12], [sflag:$0x1], $0x280, $0x38;
	[tilespmem:$0x1C680] =	vst v63  }
0x2cc: {  	s16 =	simm.s32 $0x18300;
	s17 =	sld [smem:$0x7F6]  }
0x2cd: {  	[spmem:s15] =	stream.linear.scatter [tilespmem:s16], [sflag:$0x1], $0x280, $0x38;
	[tilespmem:$0x1C680] =	vst v63  }
0x2ce: {  	s23 =	simm.s32 $0x18580;
	s24 =	sld [smem:$0x7F7]  }
0x2cf: {  	[spmem:s17] =	stream.linear.scatter [tilespmem:s23], [sflag:$0x1], $0x280, $0x38;
	[tilespmem:$0x1C680] =	vst v63  }
0x2d0: {  	s25 =	simm.s32 $0x18800;
	s10 =	sld [smem:$0x7F8]  }
0x2d1: {  	[spmem:s24] =	stream.linear.scatter [tilespmem:s25], [sflag:$0x1], $0x280, $0x38;
	[tilespmem:$0x1C680] =	vst v63  }
0x2d2: {  	s12 =	simm.s32 $0x18A80;
	s15 =	sld [smem:$0x7F9]  }
0x2d3: {  	[spmem:s10] =	stream.linear.scatter [tilespmem:s12], [sflag:$0x1], $0x280, $0x38;
	[tilespmem:$0x1C680] =	vst v63  }
0x2d4: {  	s16 =	simm.s32 $0x18D00;
	s17 =	sld [smem:$0x7FA]  }
0x2d5: {  	[spmem:s15] =	stream.linear.scatter [tilespmem:s16], [sflag:$0x1], $0x280, $0x38;
	[tilespmem:$0x1C680] =	vst v63  }
0x2d6: {  	s23 =	simm.s32 $0x18F80;
	s24 =	sld [smem:$0x7FB]  }
0x2d7: {  	[spmem:s17] =	stream.linear.scatter [tilespmem:s23], [sflag:$0x1], $0x280, $0x38;
	[tilespmem:$0x1C680] =	vst v63  }
0x2d8: {  	s25 =	simm.s32 $0x19200  }
0x2d9: {  	[spmem:s24] =	stream.linear.scatter [tilespmem:s25], [sflag:$0x1], $0x280, $0x38;
	[tilespmem:$0x1C680] =	vst v63  }
0x2da: {  	_ =	swait.ge [sflag:s11], $0x280  }
0x2db: {  	[sflag:s11] =	ssyncset.done $0x0  }
0x2dc: {  	[sflag:s11] =	ssyncadd.s32 $0xFFFFFD80  }
0x2dd: {  	_ =	swait.ge [sflag:s11], $0x280  }
0x2de: {  	[sflag:s11] =	ssyncset.done $0x0  }
0x2df: {  	[sflag:s11] =	ssyncadd.s32 $0xFFFFFD80  }
0x2e0: {  	_ =	swait.ge [sflag:s11], $0x280  }
0x2e1: {  	[sflag:s11] =	ssyncset.done $0x0  }
0x2e2: {  	[sflag:s11] =	ssyncadd.s32 $0xFFFFFD80  }
0x2e3: {  	_ =	swait.ge [sflag:s11], $0x280  }
0x2e4: {  	[sflag:s11] =	ssyncset.done $0x0  }
0x2e5: {  	[sflag:s11] =	ssyncadd.s32 $0xFFFFFD80  }
0x2e6: {  	_ =	swait.ge [sflag:s11], $0x280  }
0x2e7: {  	[sflag:s11] =	ssyncset.done $0x0  }
0x2e8: {  	[sflag:s11] =	ssyncadd.s32 $0xFFFFFD80  }
0x2e9: {  	_ =	swait.ge [sflag:s11], $0x280  }
0x2ea: {  	[sflag:s11] =	ssyncset.done $0x0  }
0x2eb: {  	[sflag:s11] =	ssyncadd.s32 $0xFFFFFD80  }
0x2ec: {  	_ =	swait.ge [sflag:s11], $0x280  }
0x2ed: {  	[sflag:s11] =	ssyncset.done $0x0  }
0x2ee: {  	[sflag:s11] =	ssyncadd.s32 $0xFFFFFD80  }
0x2ef: {  	_ =	swait.ge [sflag:s11], $0x280  }
0x2f0: {  	[sflag:s11] =	ssyncset.done $0x0  }
0x2f1: {  	[sflag:s11] =	ssyncadd.s32 $0xFFFFFD80  }
0x2f2: {  	_ =	swait.ge [sflag:s11], $0x280  }
0x2f3: {  	[sflag:s11] =	ssyncset.done $0x0  }
0x2f4: {  	[sflag:s11] =	ssyncadd.s32 $0xFFFFFD80  }
0x2f5: {  	_ =	swait.ge [sflag:s11], $0x280  }
0x2f6: {  	[sflag:s11] =	ssyncset.done $0x0  }
0x2f7: {  	[sflag:s11] =	ssyncadd.s32 $0xFFFFFD80  }
0x2f8: {  	_ =	swait.ge [sflag:s11], $0x280  }
0x2f9: {  	[sflag:s11] =	ssyncset.done $0x0  }
0x2fa: {  	[sflag:s11] =	ssyncadd.s32 $0xFFFFFD80  }
0x2fb: {  	_ =	swait.ge [sflag:s11], $0x280  }
0x2fc: {  	[sflag:s11] =	ssyncset.done $0x0  }
0x2fd: {  	[sflag:s11] =	ssyncadd.s32 $0xFFFFFD80  }
0x2fe: {  	_ =	swait.ge [sflag:s11], $0x280  }
0x2ff: {  	[sflag:s11] =	ssyncset.done $0x0  }
0x300: {  	[sflag:s11] =	ssyncadd.s32 $0xFFFFFD80  }
0x301: {  	_ =	swait.ge [sflag:s11], $0x280  }
0x302: {  	[sflag:s11] =	ssyncset.done $0x0  }
0x303: {  	[sflag:s11] =	ssyncadd.s32 $0xFFFFFD80  }
0x304: {  	_ =	swait.ge [sflag:s11], $0x280  }
0x305: {  	[sflag:s11] =	ssyncset.done $0x0  }
0x306: {  	[sflag:s11] =	ssyncadd.s32 $0xFFFFFD80  }
0x307: {  	_ =	swait.ge [sflag:s11], $0x280  }
0x308: {  	[sflag:s11] =	ssyncset.done $0x0  }
0x309: {  	[sflag:s11] =	ssyncadd.s32 $0xFFFFFD80  }
.LBB2_21:
0x30a: {  	[bflag:$0x0] =	sbarrier.arrive $0xFFFF;
	s8 =	simm.s32 $0x19480  }
0x30b: {  	[tilespmem:s8], [sflag:$0x2] =	stream.linear.gather [spmem:s18], $0x2800, $0x38;
	[tilespmem:$0x1C680] =	vst v63  }
0x30c: {  	_ =	swait.ge [sflag:s7], $0x2800  }
0x30d: {  	s10 =	simm.s32 $0x0;
	[sflag:s7] =	ssyncset.done $0x0  }
0x30e: {  	s12 =	sand.u32 $0x3F0, s10;
	[sflag:s7] =	ssyncadd.s32 $0xFFFFD800  }
0x30f: {  	v2 =	vld [tilespmem:s12+$0x19700]  }
0x310: {  	v3 =	vld [tilespmem:s8+$0x0];
	_ =	sdelay $0x1  }
0x311: {  	v4 =	vld [tilespmem:s12+$0x19980];
	_ =	sdelay $0x1  }
0x312: {  	v5 =	vld [tilespmem:s12+$0x19C00]  }
0x313: {  	v2 =	vadd.f32 v2, v3  }
0x314: {  	v3 =	vld [tilespmem:s12+$0x19E80]  }
0x315: {  	v2 =	vadd.f32 v4, v2  }
0x316: {  	v55 =	vld [tilespmem:s12+$0x1A100]  }
0x317: {  	v2 =	vadd.f32 v5, v2  }
0x318: {  	v56 =	vld [tilespmem:s12+$0x1A380]  }
0x319: {  	v2 =	vadd.f32 v3, v2  }
0x31a: {  	v3 =	vld [tilespmem:s12+$0x1A600]  }
0x31b: {  	v2 =	vadd.f32 v55, v2  }
0x31c: {  	v57 =	vld [tilespmem:s12+$0x1A880]  }
0x31d: {  	v2 =	vadd.f32 v56, v2  }
0x31e: {  	v58 =	vld [tilespmem:s12+$0x1AB00]  }
0x31f: {  	v2 =	vadd.f32 v3, v2  }
0x320: {  	v3 =	vld [tilespmem:s12+$0x1AD80]  }
0x321: {  	v2 =	vadd.f32 v57, v2  }
0x322: {  	v59 =	vld [tilespmem:s12+$0x1B000]  }
0x323: {  	v2 =	vadd.f32 v58, v2  }
0x324: {  	v60 =	vld [tilespmem:s12+$0x1B280]  }
0x325: {  	v2 =	vadd.f32 v3, v2  }
0x326: {  	s25 =	sadd.s32 $0x0, s4;
	v3 =	vld [tilespmem:s12+$0x1B500]  }
0x327: {  	s10 =	sand.u32 $0x70, s10;
	v61 =	vld [tilespmem:s12+$0x1BA00];
	s8 =	sand.u32 $0x7F80, s25;
	v2 =	vadd.f32 v59, v2  }
0x328: {  	v6 =	vld [tilespmem:s12+$0x1B780];
	s8 =	sor.u32 s10, s8  }
0x329: {  	s10 =	simm.s32 $0x1BF00;
	v62 =	vld [tilespmem:s8+$0xF480];
	v2 =	vadd.f32 v60, v2  }
0x32a: {  	v7 =	vld [tilespmem:s10+$0x0]  }
0x32b: {  	v2 =	vadd.f32 v3, v2;
	_ =	sdelay $0x1  }
0x32c: {  	s12 =	simm.s32 $0x1C180;
	v2 =	vadd.f32 v6, v2  }
0x32d: {  	v3 =	vld [tilespmem:s12+$0x0]  }
0x32e: {  	v63 =	vmul.f32 v7, v62;
	v2 =	vadd.f32 v61, v2;
	_ =	sdelay $0x1  }
0x32f: {  	v2 =	vadd.f32 v63, v2;
	_ =	sdelay $0x1  }
0x330: {  	v3 =	vmul.f32 $1.000000010e-01, v3;
	v2 =	vmul.f32 $8.999999760e-01, v2;
	_ =	sdelay $0x1  }
0x331: {  	v2 =	vadd.f32 v2, v3  }
0x332: {  	s23 =	simm.s32 $0x1BC80;
	s8 =	simm.s32 $0x10  }
0x333: {  	s16 =	sand.u32 $0x3F0, s8;
	[tilespmem:s23+$0x0] =	vst v2  }
0x334: {  	s24 =	simm.s32 $0x20;
	s15 =	simm.s32 $0x19490;
	v2 =	vld [tilespmem:s16+$0x19700]  }
.LBB2_22:
0x335: {  	p4 =	sne.s32 s24, $0x270;
	v3 =	vld [tilespmem:s15+$0x0];
	_ =	sdelay $0x1  }
0x336: {  	v4 =	vld [tilespmem:s16+$0x19980];
	_ =	sdelay $0x1  }
0x337: {  	v5 =	vld [tilespmem:s16+$0x19C00]  }
0x338: {  	v2 =	vadd.f32 v2, v3  }
0x339: {  	v3 =	vld [tilespmem:s16+$0x19E80]  }
0x33a: {  	v2 =	vadd.f32 v4, v2  }
0x33b: {  	v4 =	vld [tilespmem:s16+$0x1A100]  }
0x33c: {  	v2 =	vadd.f32 v5, v2  }
0x33d: {  	v5 =	vld [tilespmem:s16+$0x1A380]  }
0x33e: {  	v2 =	vadd.f32 v3, v2  }
0x33f: {  	v3 =	vld [tilespmem:s16+$0x1A600]  }
0x340: {  	v2 =	vadd.f32 v4, v2  }
0x341: {  	v4 =	vld [tilespmem:s16+$0x1A880]  }
0x342: {  	v2 =	vadd.f32 v5, v2  }
0x343: {  	v5 =	vld [tilespmem:s16+$0x1AB00]  }
0x344: {  	v2 =	vadd.f32 v3, v2  }
0x345: {  	v3 =	vld [tilespmem:s16+$0x1AD80]  }
0x346: {  	v2 =	vadd.f32 v4, v2  }
0x347: {  	v4 =	vld [tilespmem:s16+$0x1B000]  }
0x348: {  	v2 =	vadd.f32 v5, v2  }
0x349: {  	v5 =	vld [tilespmem:s16+$0x1B280]  }
0x34a: {  	v2 =	vadd.f32 v3, v2  }
0x34b: {  	s25 =	sadd.s32 s8, s4;
	v3 =	vld [tilespmem:s16+$0x1B500]  }
0x34c: {  	s17 =	sand.u32 $0x70, s8;
	s8 =	smov.u32 s24;
	s25 =	sand.u32 $0x7F80, s25;
	v2 =	vadd.f32 v4, v2;
	v4 =	vld [tilespmem:s16+$0x1BA00]  }
0x34d: {  	v6 =	vld [tilespmem:s16+$0x1B780];
	s16 =	sor.u32 s17, s25  }
0x34e: {  	s10 =	sadd.s32 $0x10, s10;
	v2 =	vadd.f32 v5, v2;
	v5 =	vld [tilespmem:s16+$0xF480]  }
0x34f: {  	v7 =	vld [tilespmem:s10+$0x0]  }
0x350: {  	v2 =	vadd.f32 v3, v2;
	_ =	sdelay $0x1  }
0x351: {  	s12 =	sadd.s32 $0x10, s12;
	v2 =	vadd.f32 v6, v2  }
0x352: {  	v3 =	vld [tilespmem:s12+$0x0]  }
0x353: {  	v2 =	vadd.f32 v4, v2;
	v4 =	vmul.f32 v7, v5;
	_ =	sdelay $0x1  }
0x354: {  	v2 =	vadd.f32 v4, v2;
	_ =	sdelay $0x1  }
0x355: {  	v2 =	vmul.f32 $8.999999760e-01, v2;
	v3 =	vmul.f32 $1.000000010e-01, v3  }
.Ltmp14:
0x356: {  	(pc) =	sbr.rel @p4 .LBB2_22-.Ltmp14, $4  }
0x357: {  	v2 =	vadd.f32 v2, v3  }
0x358: {  	s23 =	sadd.s32 $0x10, s23  }
0x359: {  	s16 =	sand.u32 $0x3F0, s24;
	[tilespmem:s23+$0x0] =	vst v2  }
0x35a: {  	s15 =	sadd.s32 $0x10, s15;
	s24 =	sadd.s32 $0x10, s24;
	v2 =	vld [tilespmem:s16+$0x19700]  }
0x35b: {  	v3 =	vld [tilespmem:s15+$0x0];
	_ =	sdelay $0x1  }
0x35c: {  	v4 =	vld [tilespmem:s16+$0x19980];
	_ =	sdelay $0x1  }
0x35d: {  	v5 =	vld [tilespmem:s16+$0x19C00]  }
0x35e: {  	v2 =	vadd.f32 v2, v3  }
0x35f: {  	v3 =	vld [tilespmem:s16+$0x19E80]  }
0x360: {  	v2 =	vadd.f32 v4, v2  }
0x361: {  	v55 =	vld [tilespmem:s16+$0x1A100]  }
0x362: {  	v2 =	vadd.f32 v5, v2  }
0x363: {  	v56 =	vld [tilespmem:s16+$0x1A380]  }
0x364: {  	v2 =	vadd.f32 v3, v2  }
0x365: {  	v3 =	vld [tilespmem:s16+$0x1A600]  }
0x366: {  	v2 =	vadd.f32 v55, v2  }
0x367: {  	v57 =	vld [tilespmem:s16+$0x1A880]  }
0x368: {  	v2 =	vadd.f32 v56, v2  }
0x369: {  	v58 =	vld [tilespmem:s16+$0x1AB00]  }
0x36a: {  	v2 =	vadd.f32 v3, v2  }
0x36b: {  	v3 =	vld [tilespmem:s16+$0x1AD80]  }
0x36c: {  	v2 =	vadd.f32 v57, v2  }
0x36d: {  	v59 =	vld [tilespmem:s16+$0x1B000]  }
0x36e: {  	v2 =	vadd.f32 v58, v2  }
0x36f: {  	v60 =	vld [tilespmem:s16+$0x1B280]  }
0x370: {  	v2 =	vadd.f32 v3, v2  }
0x371: {  	s24 =	sadd.s32 s8, s4;
	v3 =	vld [tilespmem:s16+$0x1B500]  }
0x372: {  	s25 =	sand.u32 $0x70, s8;
	v61 =	vld [tilespmem:s16+$0x1BA00];
	s15 =	sand.u32 $0x7F80, s24;
	v2 =	vadd.f32 v59, v2  }
0x373: {  	v6 =	vld [tilespmem:s16+$0x1B780];
	s8 =	sor.u32 s25, s15  }
0x374: {  	v62 =	vld [tilespmem:s8+$0xF480];
	s16 =	sadd.s32 $0x10, s10;
	v2 =	vadd.f32 v60, v2  }
0x375: {  	v7 =	vld [tilespmem:s16+$0x0]  }
0x376: {  	v2 =	vadd.f32 v3, v2;
	_ =	sdelay $0x1  }
0x377: {  	s17 =	sadd.s32 $0x10, s12;
	v2 =	vadd.f32 v6, v2  }
0x378: {  	v3 =	vld [tilespmem:s17+$0x0]  }
0x379: {  	v63 =	vmul.f32 v7, v62;
	v2 =	vadd.f32 v61, v2;
	_ =	sdelay $0x1  }
0x37a: {  	v2 =	vadd.f32 v63, v2;
	_ =	sdelay $0x1  }
0x37b: {  	v3 =	vmul.f32 $1.000000010e-01, v3;
	v2 =	vmul.f32 $8.999999760e-01, v2;
	_ =	sdelay $0x1  }
0x37c: {  	v2 =	vadd.f32 v2, v3  }
0x37d: {  	s24 =	sadd.s32 $0x10, s23  }
0x37e: {  	s25 =	simm.s32 $0x1BC80;
	[tilespmem:s24+$0x0] =	vst v2  }
0x37f: {  	[spmem:s9] =	stream.linear.scatter [tilespmem:s25], [sflag:$0x2], $0x280, $0x38;
	[tilespmem:$0x1C680] =	vst v63  }
0x380: {  	_ =	swait.ge [sflag:s7], $0x280  }
0x381: {  	[sflag:s7] =	ssyncset.done $0x0  }
0x382: {  	s8 =	simm.s32 $0x40;
	s10 =	simm.s32 $0x0;
	[sflag:s7] =	ssyncadd.s32 $0xFFFFFD80  }
.LBB2_24:
0x383: {  	p4 =	sne.s32 s8, $0x9FC0;
	[tilespmem:s10+$0x14480] =	vst v0;
	s10 =	smov.u32 s8;
	s8 =	sadd.s32 $0x40, s8  }
.Ltmp15:
0x384: {  	(pc) =	sbr.rel @p4 .LBB2_24-.Ltmp15, $2  }
0x385: {  	_ =	sdelay $0x2  }
0x386: {  	s10 =	sshra.s32 s10, $0x2  }
.Ltmp16:
0x387: {  	(pc) =	sbr.rel @p0 .LBB2_31-.Ltmp16, $2  }
0x388: {  	_ =	sdelay $0x2  }
0x389: {  	[tilespmem:s10+$0x14480] =	vst v0  }
0x38a: {  	s10 =	sld [smem:$0x7FC];
	_ =	sdelay $0x1  }
0x38b: {  	s8 =	simm.s32 $0x19480  }
0x38c: {  	[tilespmem:s8], [sflag:$0x2] =	stream.linear.gather [spmem:s10], $0x2800, $0x38;
	[tilespmem:$0x1C680] =	vst v63  }
0x38d: {  	_ =	swait.ge [sflag:s7], $0x2800  }
0x38e: {  	s24 =	simm.s32 $0x0;
	[sflag:s7] =	ssyncset.done $0x0  }
0x38f: {  	s12 =	sand.u32 $0x3F0, s24;
	[sflag:s7] =	ssyncadd.s32 $0xFFFFD800  }
0x390: {  	v2 =	vld [tilespmem:s12+$0x19700]  }
0x391: {  	v3 =	vld [tilespmem:s8+$0x0];
	_ =	sdelay $0x1  }
0x392: {  	v4 =	vld [tilespmem:s12+$0x19980];
	_ =	sdelay $0x1  }
0x393: {  	v5 =	vld [tilespmem:s12+$0x19C00]  }
0x394: {  	v2 =	vadd.f32 v2, v3  }
0x395: {  	v3 =	vld [tilespmem:s12+$0x19E80]  }
0x396: {  	v2 =	vadd.f32 v4, v2  }
0x397: {  	v55 =	vld [tilespmem:s12+$0x1A100]  }
0x398: {  	v2 =	vadd.f32 v5, v2  }
0x399: {  	v56 =	vld [tilespmem:s12+$0x1A380]  }
0x39a: {  	v2 =	vadd.f32 v3, v2  }
0x39b: {  	v3 =	vld [tilespmem:s12+$0x1A600]  }
0x39c: {  	v2 =	vadd.f32 v55, v2  }
0x39d: {  	v57 =	vld [tilespmem:s12+$0x1A880]  }
0x39e: {  	v2 =	vadd.f32 v56, v2  }
0x39f: {  	v58 =	vld [tilespmem:s12+$0x1AB00]  }
0x3a0: {  	v2 =	vadd.f32 v3, v2  }
0x3a1: {  	v3 =	vld [tilespmem:s12+$0x1AD80]  }
0x3a2: {  	v2 =	vadd.f32 v57, v2  }
0x3a3: {  	v59 =	vld [tilespmem:s12+$0x1B000]  }
0x3a4: {  	v2 =	vadd.f32 v58, v2  }
0x3a5: {  	v60 =	vld [tilespmem:s12+$0x1B280]  }
0x3a6: {  	v2 =	vadd.f32 v3, v2  }
0x3a7: {  	s25 =	sadd.s32 $0x0, s13;
	v3 =	vld [tilespmem:s12+$0x1B500]  }
0x3a8: {  	s10 =	sand.u32 $0x70, s24;
	v61 =	vld [tilespmem:s12+$0x1BA00];
	s8 =	sand.u32 $0xFF80, s25;
	v2 =	vadd.f32 v59, v2  }
0x3a9: {  	v6 =	vld [tilespmem:s12+$0x1B780];
	s8 =	sor.u32 s10, s8  }
0x3aa: {  	s10 =	simm.s32 $0x1BF00;
	v62 =	vld [tilespmem:s8+$0xF480];
	v2 =	vadd.f32 v60, v2  }
0x3ab: {  	v7 =	vld [tilespmem:s10+$0x0]  }
0x3ac: {  	v2 =	vadd.f32 v3, v2;
	_ =	sdelay $0x1  }
0x3ad: {  	v2 =	vadd.f32 v6, v2  }
0x3ae: {  	v3 =	vld [tilespmem:s12+$0x1C400]  }
0x3af: {  	v63 =	vmul.f32 v7, v62;
	v2 =	vadd.f32 v61, v2;
	_ =	sdelay $0x1  }
0x3b0: {  	v2 =	vadd.f32 v63, v2;
	_ =	sdelay $0x1  }
0x3b1: {  	v3 =	vmul.f32 $1.000000010e-01, v3;
	v2 =	vmul.f32 $8.999999760e-01, v2;
	_ =	sdelay $0x1  }
0x3b2: {  	v2 =	vadd.f32 v2, v3  }
0x3b3: {  	s8 =	simm.s32 $0x10;
	s12 =	simm.s32 $0x1BC80  }
0x3b4: {  	s15 =	sand.u32 $0x3F0, s8;
	[tilespmem:s12+$0x0] =	vst v2  }
0x3b5: {  	s23 =	simm.s32 $0x20;
	s16 =	simm.s32 $0x19490;
	v2 =	vld [tilespmem:s15+$0x19700]  }
.LBB2_27:
0x3b6: {  	p4 =	sne.s32 s23, $0x270;
	v3 =	vld [tilespmem:s16+$0x0];
	_ =	sdelay $0x1  }
0x3b7: {  	v4 =	vld [tilespmem:s15+$0x19980];
	_ =	sdelay $0x1  }
0x3b8: {  	v5 =	vld [tilespmem:s15+$0x19C00]  }
0x3b9: {  	v2 =	vadd.f32 v2, v3  }
0x3ba: {  	v3 =	vld [tilespmem:s15+$0x19E80]  }
0x3bb: {  	v2 =	vadd.f32 v4, v2  }
0x3bc: {  	v4 =	vld [tilespmem:s15+$0x1A100]  }
0x3bd: {  	v2 =	vadd.f32 v5, v2  }
0x3be: {  	v5 =	vld [tilespmem:s15+$0x1A380]  }
0x3bf: {  	v2 =	vadd.f32 v3, v2  }
0x3c0: {  	v3 =	vld [tilespmem:s15+$0x1A600]  }
0x3c1: {  	v2 =	vadd.f32 v4, v2  }
0x3c2: {  	v4 =	vld [tilespmem:s15+$0x1A880]  }
0x3c3: {  	v2 =	vadd.f32 v5, v2  }
0x3c4: {  	v5 =	vld [tilespmem:s15+$0x1AB00]  }
0x3c5: {  	v2 =	vadd.f32 v3, v2  }
0x3c6: {  	v3 =	vld [tilespmem:s15+$0x1AD80]  }
0x3c7: {  	v2 =	vadd.f32 v4, v2  }
0x3c8: {  	v4 =	vld [tilespmem:s15+$0x1B000]  }
0x3c9: {  	v2 =	vadd.f32 v5, v2  }
0x3ca: {  	v5 =	vld [tilespmem:s15+$0x1B280]  }
0x3cb: {  	v2 =	vadd.f32 v3, v2  }
0x3cc: {  	s17 =	sadd.s32 s8, s13;
	v3 =	vld [tilespmem:s15+$0x1B500]  }
0x3cd: {  	s24 =	sand.u32 $0x70, s8;
	s8 =	smov.u32 s23;
	s17 =	sand.u32 $0xFF80, s17;
	v2 =	vadd.f32 v4, v2;
	v4 =	vld [tilespmem:s15+$0x1BA00]  }
0x3ce: {  	s17 =	sor.u32 s24, s17;
	v6 =	vld [tilespmem:s15+$0x1B780]  }
0x3cf: {  	s10 =	sadd.s32 $0x10, s10;
	v2 =	vadd.f32 v5, v2;
	v5 =	vld [tilespmem:s17+$0xF480]  }
0x3d0: {  	v7 =	vld [tilespmem:s10+$0x0]  }
0x3d1: {  	v2 =	vadd.f32 v3, v2;
	_ =	sdelay $0x1  }
0x3d2: {  	v2 =	vadd.f32 v6, v2  }
0x3d3: {  	v3 =	vld [tilespmem:s15+$0x1C400]  }
0x3d4: {  	v2 =	vadd.f32 v4, v2;
	v4 =	vmul.f32 v7, v5;
	_ =	sdelay $0x1  }
0x3d5: {  	v2 =	vadd.f32 v4, v2;
	_ =	sdelay $0x1  }
0x3d6: {  	v2 =	vmul.f32 $8.999999760e-01, v2;
	v3 =	vmul.f32 $1.000000010e-01, v3  }
.Ltmp17:
0x3d7: {  	(pc) =	sbr.rel @p4 .LBB2_27-.Ltmp17, $4  }
0x3d8: {  	v2 =	vadd.f32 v2, v3  }
0x3d9: {  	s12 =	sadd.s32 $0x10, s12  }
0x3da: {  	s15 =	sand.u32 $0x3F0, s23;
	[tilespmem:s12+$0x0] =	vst v2  }
0x3db: {  	s16 =	sadd.s32 $0x10, s16;
	s23 =	sadd.s32 $0x10, s23;
	v2 =	vld [tilespmem:s15+$0x19700]  }
0x3dc: {  	v3 =	vld [tilespmem:s16+$0x0];
	_ =	sdelay $0x1  }
0x3dd: {  	v4 =	vld [tilespmem:s15+$0x19980];
	_ =	sdelay $0x1  }
0x3de: {  	v5 =	vld [tilespmem:s15+$0x19C00]  }
0x3df: {  	v2 =	vadd.f32 v2, v3  }
0x3e0: {  	v3 =	vld [tilespmem:s15+$0x19E80]  }
0x3e1: {  	v2 =	vadd.f32 v4, v2  }
0x3e2: {  	v55 =	vld [tilespmem:s15+$0x1A100]  }
0x3e3: {  	v2 =	vadd.f32 v5, v2  }
0x3e4: {  	v56 =	vld [tilespmem:s15+$0x1A380]  }
0x3e5: {  	v2 =	vadd.f32 v3, v2  }
0x3e6: {  	v3 =	vld [tilespmem:s15+$0x1A600]  }
0x3e7: {  	v2 =	vadd.f32 v55, v2  }
0x3e8: {  	v57 =	vld [tilespmem:s15+$0x1A880]  }
0x3e9: {  	v2 =	vadd.f32 v56, v2  }
0x3ea: {  	v58 =	vld [tilespmem:s15+$0x1AB00]  }
0x3eb: {  	v2 =	vadd.f32 v3, v2  }
0x3ec: {  	v3 =	vld [tilespmem:s15+$0x1AD80]  }
0x3ed: {  	v2 =	vadd.f32 v57, v2  }
0x3ee: {  	v59 =	vld [tilespmem:s15+$0x1B000]  }
0x3ef: {  	v2 =	vadd.f32 v58, v2  }
0x3f0: {  	v60 =	vld [tilespmem:s15+$0x1B280]  }
0x3f1: {  	v2 =	vadd.f32 v3, v2  }
0x3f2: {  	s24 =	sadd.s32 s8, s13;
	v3 =	vld [tilespmem:s15+$0x1B500]  }
0x3f3: {  	s25 =	sand.u32 $0x70, s8;
	v61 =	vld [tilespmem:s15+$0x1BA00];
	s16 =	sand.u32 $0xFF80, s24;
	v2 =	vadd.f32 v59, v2  }
0x3f4: {  	v6 =	vld [tilespmem:s15+$0x1B780];
	s8 =	sor.u32 s25, s16  }
0x3f5: {  	s16 =	sadd.s32 $0x10, s10;
	v62 =	vld [tilespmem:s8+$0xF480];
	v2 =	vadd.f32 v60, v2  }
0x3f6: {  	v7 =	vld [tilespmem:s16+$0x0]  }
0x3f7: {  	v2 =	vadd.f32 v3, v2;
	_ =	sdelay $0x1  }
0x3f8: {  	v2 =	vadd.f32 v6, v2  }
0x3f9: {  	v3 =	vld [tilespmem:s15+$0x1C400]  }
0x3fa: {  	v63 =	vmul.f32 v7, v62;
	v2 =	vadd.f32 v61, v2;
	_ =	sdelay $0x1  }
0x3fb: {  	v2 =	vadd.f32 v63, v2;
	_ =	sdelay $0x1  }
0x3fc: {  	v3 =	vmul.f32 $1.000000010e-01, v3;
	v2 =	vmul.f32 $8.999999760e-01, v2;
	_ =	sdelay $0x1  }
0x3fd: {  	s23 =	sld [smem:$0x7FD];
	v2 =	vadd.f32 v2, v3  }
0x3fe: {  	s17 =	sadd.s32 $0x10, s12  }
0x3ff: {  	s24 =	simm.s32 $0x1BC80;
	[tilespmem:s17+$0x0] =	vst v2  }
0x400: {  	[spmem:s23] =	stream.linear.scatter [tilespmem:s24], [sflag:$0x2], $0x280, $0x38;
	[tilespmem:$0x1C680] =	vst v63  }
0x401: {  	_ =	swait.ge [sflag:s7], $0x280  }
0x402: {  	s25 =	simm.s32 $0x0;
	[sflag:s7] =	ssyncset.done $0x0  }
0x403: {  	s8 =	simm.s32 $0x10;
	s10 =	sand.u32 $0x3FF0, s25;
	[sflag:s7] =	ssyncadd.s32 $0xFFFFFD80  }
.LBB2_29:
0x404: {  	p4 =	sne.s32 s8, $0x27F0;
	[tilespmem:s10+$0x16C80] =	vst v0;
	s10 =	smov.u32 s8;
	s8 =	sadd.s32 $0x10, s8  }
.Ltmp18:
0x405: {  	(pc) =	sbr.rel @p4 .LBB2_29-.Ltmp18, $2  }
0x406: {  	_ =	sdelay $0x2  }
0x407: {  	s10 =	sand.u32 $0x3FF0, s10  }
.Ltmp19:
0x408: {  	(pc) =	sbr.rel .LBB2_31-.Ltmp19, $2  }
0x409: {  	_ =	sdelay $0x2  }
0x40a: {  	[tilespmem:s10+$0x16C80] =	vst v0  }
.LBB2_33:
0x40b: {  	_ =	sfence.sel $0x180000  }
0x40c: {  	[bflag:$0x0] =	sbarrier.arrive $0xFFFF  }
0x40d: {  	_ =	strace $0x90000047  }
0x40e: {  	s0 =	stileid.u32;
	[bflag:$0x2] =	sbarrier.arrive $0xFFFF  }
0x40f: {  	p0 =	sne.s32 s0, $0x0;
	s0 =	rddreg [dreg:$0x6]  }
0x410: {  	s0 =	sadd.s32 @!p0 $0x100000, s0  }
0x411: {  	[sflag:s0] =	ssyncadd.tile.s32 @!p0 $0x1;
	_ =	shalt  }
.Lfunc_end2:
_tile_overlayer_lowered:
.L_overlay_start_2:
0x412: {  	(tag) =	ssettag $0x2  }
0x413: {  	s0 =	rddreg [dreg:$0x0];
	s2 =	stileid.u32  }
0x414: {  	s1 =	rddreg [dreg:$0x1];
	p0 =	sne.s32 s2, $0x0  }
0x415: {  	s3 =	rddreg [dreg:$0x2];
	[bflag:$0x3] =	sbarrier.arrive $0xFFFF;
	s2 =	simm.s32 @!p0 $0x1C02  }
0x416: {  	[timem:s3], [sflag:s2] =	dma.local @!p0 [hbm:s0], s1  }
0x417: {  	s0 =	simm.s32 @!p0 $0x2  }
0x418: {  	_ =	swait.ge @!p0 [sflag:s0], s1  }
0x419: {  	s1 =	ssub.s32 @!p0 $0x0, s1;
	[sflag:s0] =	ssyncset.done @!p0 $0x0  }
0x41a: {  	[sflag:s0] =	ssyncadd.s32 @!p0 s1  }
0x41b: {  	[bflag:$0x3] =	sbarrier.arrive $0xFFFF  }
0x41c: {  	_ =	shalt  }

</sc_bundles>
